<compile_context>
chip_gen: v7x
topology: tpu7x:2x2x1
jax: 0.10.2.dev20260603
libtpu: 0.0.44.dev20260713+nightly
codegen_flags: <defaults>
</compile_context>

<pallas_src>
import functools

import numpy as np

import jax
import jax.numpy as jnp
from jax import lax
from jax.experimental import pallas as pl
from jax.experimental.pallas import tpu as pltpu
from jax.experimental.pallas import tpu_sc as plsc

N = 10000
D = 128
NPAD = 10240
NW = 32
NSUB = 16
ROWS_PER_TILE = NPAD // NSUB
CH = 64
K = 160
BCH = 16
NB = K // BCH
NBUF = 4
EPT = CH * K
EPAD = EPT * NW
NCH = EPAD // CH
NCH_REAL = 320000 // CH

_COUNTS = [157] * 8 + [156] * 24
_BOUNDS = np.concatenate(([0], np.cumsum(np.asarray(_COUNTS) * CH)))


def _assemble(arr, pad_fn):
    pieces = []
    for w in range(NW):
        pieces.append(arr[int(_BOUNDS[w]):int(_BOUNDS[w + 1])])
        pieces.append(pad_fn(w, (K - _COUNTS[w]) * CH))
    return jnp.concatenate(pieces).reshape(NW, NB, BCH, CH)

_mesh = plsc.VectorSubcoreMesh(core_axis_name="c", subcore_axis_name="s")


@functools.partial(
    pl.kernel,
    out_type=jax.ShapeDtypeStruct((NW, NPAD), jnp.float32),
    mesh=_mesh,
    scratch_types=[
        pltpu.VMEM((NPAD,), jnp.float32),
        pltpu.VMEM((EPT,), jnp.int32),
    ],
    compiler_params=pltpu.CompilerParams(needs_layout_passes=False),
)
def _deg_kernel(dst_hbm, out_hbm, hist_v, didx_v):
    cid = lax.axis_index("c")
    sid = lax.axis_index("s")
    wid = sid * 2 + cid

    zeros16 = jnp.zeros((16,), jnp.float32)

    def zero_body(i, carry):
        hist_v[pl.ds(i * 16, 16)] = zeros16
        return carry

    lax.fori_loop(0, NPAD // 16, zero_body, 0)

    pltpu.sync_copy(dst_hbm.at[pl.ds(wid * EPT, EPT)], didx_v)

    ones16 = jnp.ones((16,), jnp.float32)

    def body(i, carry):
        idx = didx_v[pl.ds(i * 16, 16)]
        plsc.addupdate_scatter(hist_v, [idx], ones16)
        return carry

    lax.fori_loop(0, EPT // 16, body, 0)

    pltpu.sync_copy(hist_v, out_hbm.at[wid])


@functools.partial(
    pl.kernel,
    out_type=jax.ShapeDtypeStruct((2, NPAD, D), jnp.float32),
    mesh=_mesh,
    scratch_types=[
        pltpu.VMEM_SHARED((NPAD, D), jnp.float32),
        pltpu.VMEM((2, BCH, CH), jnp.int32),
        pltpu.VMEM((2, BCH, CH), jnp.int32),
        [pltpu.VMEM((CH, D), jnp.float32)] * NBUF,
        [pltpu.SemaphoreType.DMA] * NBUF,
        pltpu.SemaphoreType.DMA,
    ],
)
def _agg_kernel(g_hbm, es_hbm, ed_hbm, zrows_hbm, out_hbm,
                acc, ebs, ebd, gbufs, gsems, se):
    cid = lax.axis_index("c")
    sid = lax.axis_index("s")
    wid = sid * 2 + cid

    row0 = sid * ROWS_PER_TILE
    pltpu.sync_copy(zrows_hbm, acc.at[pl.ds(row0, ROWS_PER_TILE)])
    plsc.subcore_barrier()

    pltpu.sync_copy(es_hbm.at[wid, 0], ebs.at[0])
    pltpu.sync_copy(ed_hbm.at[wid, 0], ebd.at[0])
    pltpu.async_copy(es_hbm.at[wid, 1], ebs.at[1], se)
    pltpu.async_copy(ed_hbm.at[wid, 1], ebd.at[1], se)
    for q in range(NBUF):
        pltpu.async_copy(g_hbm.at[ebs.at[0, q]], gbufs[q], gsems[q])

    def outer(b, carry):
        slot = lax.rem(b, 2)
        nslot = 1 - slot
        for p in range(BCH):
            q = p % NBUF
            pltpu.make_async_copy(g_hbm.at[ebs.at[slot, p]],
                                  gbufs[q], gsems[q]).wait()
            pltpu.sync_copy(gbufs[q], acc.at[ebd.at[slot, p]], add=True)
            nxt = p + NBUF
            if nxt < BCH:
                pltpu.async_copy(g_hbm.at[ebs.at[slot, nxt]],
                                 gbufs[q], gsems[q])
            else:
                nn = nxt - BCH
                if nn == 0:
                    @pl.when(b + 1 < NB)
                    def _():
                        pltpu.make_async_copy(es_hbm.at[wid, b + 1],
                                              ebs.at[nslot], se).wait()
                        pltpu.make_async_copy(ed_hbm.at[wid, b + 1],
                                              ebd.at[nslot], se).wait()

                @pl.when(b + 1 < NB)
                def _():
                    pltpu.async_copy(g_hbm.at[ebs.at[nslot, nn]],
                                     gbufs[q], gsems[q])

                if nn == NBUF - 1:
                    @pl.when(b + 2 < NB)
                    def _():
                        pltpu.async_copy(es_hbm.at[wid, b + 2],
                                         ebs.at[slot], se)
                        pltpu.async_copy(ed_hbm.at[wid, b + 2],
                                         ebd.at[slot], se)

        return carry

    lax.fori_loop(0, NB, outer, 0)

    plsc.subcore_barrier()
    pltpu.sync_copy(acc.at[pl.ds(row0, ROWS_PER_TILE)],
                    out_hbm.at[cid, pl.ds(row0, ROWS_PER_TILE)])


BLKR = 1000
GRIDR = N // BLKR



def _node_spec():
    return pl.BlockSpec((BLKR, D), lambda i: (i, 0))


def _ht_spec():
    return pl.BlockSpec((BLKR, NW), lambda i: (i, 0))


def _acc_spec(part):
    return pl.BlockSpec((1, BLKR, D), lambda i, _p=part: (_p, i, 0))


def _dinv_col(ht_ref):
    return lax.rsqrt(jnp.sum(ht_ref[...], axis=1, keepdims=True) + 1.0)


def _mm1_body(ht_ref, x_ref, w_ref, o_ref):
    o_ref[...] = jnp.dot(x_ref[...], w_ref[...],
                         preferred_element_type=jnp.float32) * _dinv_col(ht_ref)


_mm1 = pl.pallas_call(
    _mm1_body,
    grid=(GRIDR,),
    in_specs=[_ht_spec(), _node_spec(), pl.BlockSpec((D, D), lambda i: (0, 0))],
    out_specs=_node_spec(),
    out_shape=jax.ShapeDtypeStruct((N, D), jnp.float32),
)


def _layer2_body(ht_ref, a0_ref, a1_ref, g_ref, b_ref, w_ref, o_ref):
    dv = _dinv_col(ht_ref)
    t = dv * (a0_ref[0] + a1_ref[0] + g_ref[...]) + b_ref[...]
    t = jnp.maximum(t, 0.0)
    o_ref[...] = jnp.dot(t, w_ref[...],
                         preferred_element_type=jnp.float32) * dv


_layer2 = pl.pallas_call(
    _layer2_body,
    grid=(GRIDR,),
    in_specs=[_ht_spec(), _acc_spec(0), _acc_spec(1), _node_spec(),
              pl.BlockSpec((1, D), lambda i: (0, 0)),
              pl.BlockSpec((D, D), lambda i: (0, 0))],
    out_specs=_node_spec(),
    out_shape=jax.ShapeDtypeStruct((N, D), jnp.float32),
)


def _fin_body(ht_ref, a0_ref, a1_ref, g_ref, b_ref, o_ref):
    dv = _dinv_col(ht_ref)
    o_ref[...] = dv * (a0_ref[0] + a1_ref[0] + g_ref[...]) + b_ref[...]


_fin = pl.pallas_call(
    _fin_body,
    grid=(GRIDR,),
    in_specs=[_ht_spec(), _acc_spec(0), _acc_spec(1), _node_spec(),
              pl.BlockSpec((1, D), lambda i: (0, 0))],
    out_specs=_node_spec(),
    out_shape=jax.ShapeDtypeStruct((N, D), jnp.float32),
)


def kernel(x, edge_index, W1, b1, W2, b2):
    src = edge_index[0].astype(jnp.int32)
    dst = edge_index[1].astype(jnp.int32)
    def _pad_src(w, n):
        return (w * 997 + jnp.arange(n, dtype=jnp.int32) * 131) % N

    def _pad_dst(w, n):
        return N + (w * 7 + jnp.arange(n, dtype=jnp.int32)) % (NPAD - N)

    es = _assemble(src, _pad_src)
    ed = _assemble(dst, _pad_dst)
    dst_p = ed.reshape(EPAD)

    zrows = jnp.zeros((ROWS_PER_TILE, D), jnp.float32)
    b1r = b1.reshape(1, D)
    b2r = b2.reshape(1, D)

    hist = _deg_kernel(dst_p)
    ht = hist.T
    g1 = _mm1(ht, x, W1)
    acc1 = _agg_kernel(g1, es, ed, zrows)
    g2 = _layer2(ht, acc1, acc1, g1, b1r, W2)
    acc2 = _agg_kernel(g2, es, ed, zrows)
    return _fin(ht, acc2, acc2, g2, b2r)

# --- scband reference (transcript-rebuilt; emitter-appended) ---
"""Pipeline reference for scband-gcn-block-17222818857159 (READ-ONLY COPY).

The authoritative reference and input builder live on the scoring server;
editing this copy changes nothing except your own understanding.
"""

import jax, jax.numpy as jnp
import numpy as np

N_NODES = 10000
N_EDGES = 320000
D_IN = 128
D_OUT = 128


def setup_inputs(seed: int = 0) -> dict:
    key = jax.random.key(seed)
    k1, k2, k3, k4, k5, k6 = jax.random.split(key, 6)
    x = jax.random.normal(k1, (N_NODES, D_IN), dtype=jnp.float32)
    edge_index = jax.random.randint(k2, (2, N_EDGES), 0, N_NODES, dtype=jnp.int64)
    # GCNConv uses glorot init on weight, zeros on bias
    s1 = float(np.sqrt(6.0 / (D_IN + D_OUT)))
    s2 = float(np.sqrt(6.0 / (D_OUT + D_OUT)))
    W1 = jax.random.uniform(k3, (D_IN, D_OUT), minval=-s1, maxval=s1, dtype=jnp.float32)
    b1 = jnp.zeros((D_OUT,), dtype=jnp.float32)
    W2 = jax.random.uniform(k4, (D_OUT, D_OUT), minval=-s2, maxval=s2, dtype=jnp.float32)
    b2 = jnp.zeros((D_OUT,), dtype=jnp.float32)
    return {"x": x, "edge_index": edge_index, "W1": W1, "b1": b1, "W2": W2, "b2": b2}


def _gcn_conv(x, edge_index, W, b):
    # PyG GCNConv, improved=False, add_self_loops=True, edge_weight=None
    n = x.shape[0]
    src = edge_index[0]
    dst = edge_index[1]
    loop = jnp.arange(n, dtype=src.dtype)
    src = jnp.concatenate([src, loop])
    dst = jnp.concatenate([dst, loop])
    ew = jnp.ones(src.shape[0], dtype=x.dtype)
    deg = jax.ops.segment_sum(ew, dst, num_segments=n)
    deg_inv_sqrt = jnp.where(deg > 0, 1.0 / jnp.sqrt(deg), 0.0)
    norm = deg_inv_sqrt[src] * ew * deg_inv_sqrt[dst]
    h = x @ W
    msg = h[src] * norm[:, None]
    out = jax.ops.segment_sum(msg, dst, num_segments=n)
    return out + b


def reference(x, edge_index, W1, b1, W2, b2):
    h = _gcn_conv(x, edge_index, W1, b1)
    h = jax.nn.relu(h)
    h = _gcn_conv(h, edge_index, W2, b2)
    return h

if __name__ == "__main__":
    import jax
    _d = setup_inputs()
    print(jax.jit(kernel)(*tuple(_d.values())))

</pallas_src>

<mosaic_0001>
#map = affine_map<(d0, d1) -> (0)>
#map1 = affine_map<(d0, d1) -> (0, 0)>
module attributes {stable_mosaic.version = 14 : i64} {
  func.func @_deg_kernel(%arg0: i32, %arg1: i32, %arg2: memref<327680xi32, #tpu.memory_space<hbm>>, %arg3: memref<32x10240xf32, #tpu.memory_space<hbm>>, %arg4: memref<10240xf32, #tpu.memory_space<vmem>>, %arg5: memref<10240xi32, #tpu.memory_space<vmem>>) attributes {dimension_semantics = [#tpu.dimension_semantics<core_parallel>, #tpu.dimension_semantics<subcore_parallel>], iteration_bounds = array<i64: 2, 16>, scalar_prefetch = 0 : i64, scratch_operands = 2 : i64, tpu.core_type = #tpu.core_type<sc_vector_subcore>, window_params = [{transform_indices = #map}, {transform_indices = #map1}]} {
    %mul3A = arith.constant 2 : i32
    %mul3A_0 = arith.muli %arg1, %mul3A : i32
    %add3A = arith.addi %mul3A_0, %arg0 : i32
    %broadcast_in_dim3A = arith.constant 0.000000e+00 : f32
    %broadcast_in_dim3A_1 = vector.broadcast %broadcast_in_dim3A : f32 to vector<16xf32>
    %scan3A = arith.constant 0 : i32
    %scan3A_2 = arith.constant 0 : i32
    %scan3A_3 = arith.constant 640 : i32
    %scan3A_4 = arith.addi %scan3A_2, %scan3A_3 : i32
    %scan3A_5 = arith.constant 1 : i32
    scf.for %scan3A_17 = %scan3A_2 to %scan3A_4 step %scan3A_5  : i32 {
      %mul3A_18 = arith.constant 16 : i32
      %mul3A_19 = arith.muli %scan3A_17, %mul3A_18 : i32
      %swap3A = arith.index_cast %mul3A_19 : i32 to index
      %swap3A_20 = tpu.vector_load %arg4[%swap3A] {strides = array<i32>} : memref<10240xf32, #tpu.memory_space<vmem>>, vector<16xf32>,
      tpu.vector_store %arg4[%swap3A], %broadcast_in_dim3A_1 {strides = array<i32>} : memref<10240xf32, #tpu.memory_space<vmem>>, vector<16xf32>,
    }
    %scan3A_6 = arith.constant 640 : i32
    %mul3A_7 = arith.constant 10240 : i32
    %mul3A_8 = arith.muli %add3A, %mul3A_7 : i32
    "tpu.region"() ({
      %run_scoped3A = tpu.sem_alloc : memref<!tpu.dma_semaphore, #tpu.memory_space<semaphore_mem>>
      %dma_start3A = tpu.memref_slice %arg2[%mul3A_8] : memref<327680xi32, #tpu.memory_space<hbm>> -> memref<10240xi32, #tpu.memory_space<hbm>>
      %dma_start3A_17 = tpu.memref_slice %arg2[%mul3A_8] : memref<327680xi32, #tpu.memory_space<hbm>> -> memref<10240xi32, #tpu.memory_space<hbm>>
      tpu.enqueue_dma source(%dma_start3A_17 : memref<10240xi32, #tpu.memory_space<hbm>>) target(%arg5 : memref<10240xi32, #tpu.memory_space<vmem>>) target_semaphore(%run_scoped3A : memref<!tpu.dma_semaphore, #tpu.memory_space<semaphore_mem>>)
      %dma_wait3A = tpu.memref_slice %arg2[%mul3A_8] : memref<327680xi32, #tpu.memory_space<hbm>> -> memref<10240xi32, #tpu.memory_space<hbm>>
      %dma_wait3A_18 = tpu.memref_slice %arg2[%mul3A_8] : memref<327680xi32, #tpu.memory_space<hbm>> -> memref<10240xi32, #tpu.memory_space<hbm>>
      tpu.wait_dma2 semaphore(%run_scoped3A : memref<!tpu.dma_semaphore, #tpu.memory_space<semaphore_mem>>) src(%dma_wait3A_18 : memref<10240xi32, #tpu.memory_space<hbm>>) dst(%arg5 : memref<10240xi32, #tpu.memory_space<vmem>>)
      tpu.yield
    }) : () -> ()
    %broadcast_in_dim3A_9 = arith.constant 1.000000e+00 : f32
    %broadcast_in_dim3A_10 = vector.broadcast %broadcast_in_dim3A_9 : f32 to vector<16xf32>
    %scan3A_11 = arith.constant 0 : i32
    %scan3A_12 = arith.constant 0 : i32
    %scan3A_13 = arith.constant 640 : i32
    %scan3A_14 = arith.addi %scan3A_12, %scan3A_13 : i32
    %scan3A_15 = arith.constant 1 : i32
    scf.for %scan3A_17 = %scan3A_12 to %scan3A_14 step %scan3A_15  : i32 {
      %mul3A_18 = arith.constant 16 : i32
      %mul3A_19 = arith.muli %scan3A_17, %mul3A_18 : i32
      %get3A = arith.index_cast %mul3A_19 : i32 to index
      %get3A_20 = tpu.vector_load %arg5[%get3A] {strides = array<i32>} : memref<10240xi32, #tpu.memory_space<vmem>>, vector<16xi32>,
      tpu.vector_store_idx %arg4[%get3A_20], %broadcast_in_dim3A_10 {add = true} : memref<10240xf32, #tpu.memory_space<vmem>>[vector<16xi32>], vector<16xf32>,
    }
    %scan3A_16 = arith.constant 640 : i32
    "tpu.region"() ({
      %run_scoped3A = tpu.sem_alloc : memref<!tpu.dma_semaphore, #tpu.memory_space<semaphore_mem>>
      %dma_start3A = arith.constant 0 : i32
      %dma_start3A_17 = tpu.memref_slice %arg3[%add3A, %dma_start3A] : memref<32x10240xf32, #tpu.memory_space<hbm>> -> memref<1x10240xf32, #tpu.memory_space<hbm>>
      %dma_start3A_18 = tpu.memref_squeeze %dma_start3A_17 : memref<1x10240xf32, #tpu.memory_space<hbm>> -> memref<10240xf32, #tpu.memory_space<hbm>>
      %dma_start3A_19 = arith.constant 0 : i32
      %dma_start3A_20 = tpu.memref_slice %arg3[%add3A, %dma_start3A_19] : memref<32x10240xf32, #tpu.memory_space<hbm>> -> memref<1x10240xf32, #tpu.memory_space<hbm>>
      %dma_start3A_21 = tpu.memref_squeeze %dma_start3A_20 : memref<1x10240xf32, #tpu.memory_space<hbm>> -> memref<10240xf32, #tpu.memory_space<hbm>>
      tpu.enqueue_dma source(%arg4 : memref<10240xf32, #tpu.memory_space<vmem>>) target(%dma_start3A_21 : memref<10240xf32, #tpu.memory_space<hbm>>) target_semaphore(%run_scoped3A : memref<!tpu.dma_semaphore, #tpu.memory_space<semaphore_mem>>)
      %dma_wait3A = arith.constant 0 : i32
      %dma_wait3A_22 = tpu.memref_slice %arg3[%add3A, %dma_wait3A] : memref<32x10240xf32, #tpu.memory_space<hbm>> -> memref<1x10240xf32, #tpu.memory_space<hbm>>
      %dma_wait3A_23 = tpu.memref_squeeze %dma_wait3A_22 : memref<1x10240xf32, #tpu.memory_space<hbm>> -> memref<10240xf32, #tpu.memory_space<hbm>>
      %dma_wait3A_24 = arith.constant 0 : i32
      %dma_wait3A_25 = tpu.memref_slice %arg3[%add3A, %dma_wait3A_24] : memref<32x10240xf32, #tpu.memory_space<hbm>> -> memref<1x10240xf32, #tpu.memory_space<hbm>>
      %dma_wait3A_26 = tpu.memref_squeeze %dma_wait3A_25 : memref<1x10240xf32, #tpu.memory_space<hbm>> -> memref<10240xf32, #tpu.memory_space<hbm>>
      tpu.wait_dma2 semaphore(%run_scoped3A : memref<!tpu.dma_semaphore, #tpu.memory_space<semaphore_mem>>) src(%arg4 : memref<10240xf32, #tpu.memory_space<vmem>>) dst(%dma_wait3A_26 : memref<10240xf32, #tpu.memory_space<hbm>>)
      tpu.yield
    }) : () -> ()
    return
  }
}

#map = affine_map<(d0, d1) -> (0, 0)>
#map1 = affine_map<(d0, d1) -> (0, 0, 0, 0)>
#map2 = affine_map<(d0, d1) -> (0, 0, 0)>
module attributes {stable_mosaic.version = 14 : i64} {
  func.func @_agg_kernel(%arg0: i32, %arg1: i32, %arg2: memref<10000x128xf32, #tpu.memory_space<hbm>>, %arg3: memref<32x10x16x64xi32, #tpu.memory_space<hbm>>, %arg4: memref<32x10x16x64xi32, #tpu.memory_space<hbm>>, %arg5: memref<640x128xf32, #tpu.memory_space<hbm>>, %arg6: memref<2x10240x128xf32, #tpu.memory_space<hbm>>, %arg7: memref<10240x128xf32, #tpu.memory_space<vmem_shared>>, %arg8: memref<2x16x64xi32, #tpu.memory_space<vmem>>, %arg9: memref<2x16x64xi32, #tpu.memory_space<vmem>>, %arg10: memref<64x128xf32, #tpu.memory_space<vmem>>, %arg11: memref<64x128xf32, #tpu.memory_space<vmem>>, %arg12: memref<64x128xf32, #tpu.memory_space<vmem>>, %arg13: memref<64x128xf32, #tpu.memory_space<vmem>>, %arg14: memref<!tpu.dma_semaphore, #tpu.memory_space<semaphore_mem>>, %arg15: memref<!tpu.dma_semaphore, #tpu.memory_space<semaphore_mem>>, %arg16: memref<!tpu.dma_semaphore, #tpu.memory_space<semaphore_mem>>, %arg17: memref<!tpu.dma_semaphore, #tpu.memory_space<semaphore_mem>>, %arg18: memref<!tpu.dma_semaphore, #tpu.memory_space<semaphore_mem>>) attributes {dimension_semantics = [#tpu.dimension_semantics<core_parallel>, #tpu.dimension_semantics<subcore_parallel>], iteration_bounds = array<i64: 2, 16>, scalar_prefetch = 0 : i64, scratch_operands = 12 : i64, tpu.core_type = #tpu.core_type<sc_vector_subcore>, window_params = [{transform_indices = #map}, {transform_indices = #map1}, {transform_indices = #map1}, {transform_indices = #map}, {transform_indices = #map2}]} {
    %mul3A = arith.constant 2 : i32
    %mul3A_0 = arith.muli %arg1, %mul3A : i32
    %add3A = arith.addi %mul3A_0, %arg0 : i32
    %mul3A_1 = arith.constant 640 : i32
    %mul3A_2 = arith.muli %arg1, %mul3A_1 : i32
    "tpu.region"() ({
      %run_scoped3A_79 = tpu.sem_alloc : memref<!tpu.dma_semaphore, #tpu.memory_space<semaphore_mem>>
      %dma_start3A_80 = arith.constant 0 : i32
      %dma_start3A_81 = tpu.memref_slice %arg7[%mul3A_2, %dma_start3A_80] : memref<10240x128xf32, #tpu.memory_space<vmem_shared>> -> memref<640x128xf32, #tpu.memory_space<vmem_shared>>
      tpu.enqueue_dma source(%arg5 : memref<640x128xf32, #tpu.memory_space<hbm>>) target(%dma_start3A_81 : memref<640x128xf32, #tpu.memory_space<vmem_shared>>) target_semaphore(%run_scoped3A_79 : memref<!tpu.dma_semaphore, #tpu.memory_space<semaphore_mem>>)
      %dma_wait3A = arith.constant 0 : i32
      %dma_wait3A_82 = tpu.memref_slice %arg7[%mul3A_2, %dma_wait3A] : memref<10240x128xf32, #tpu.memory_space<vmem_shared>> -> memref<640x128xf32, #tpu.memory_space<vmem_shared>>
      tpu.wait_dma2 semaphore(%run_scoped3A_79 : memref<!tpu.dma_semaphore, #tpu.memory_space<semaphore_mem>>) src(%arg5 : memref<640x128xf32, #tpu.memory_space<hbm>>) dst(%dma_wait3A_82 : memref<640x128xf32, #tpu.memory_space<vmem_shared>>)
      tpu.yield
    }) : () -> ()
    %barrier3A = arith.constant 0 : index
    tpu.barrier barrier_id(%barrier3A)
    %run_scoped3A = arith.constant 0 : i32
    %run_scoped3A_3 = arith.constant 0 : i32
    "tpu.region"() ({
      %run_scoped3A_79 = tpu.sem_alloc : memref<!tpu.dma_semaphore, #tpu.memory_space<semaphore_mem>>
      %dma_start3A_80 = arith.constant 0 : i32
      %dma_start3A_81 = arith.constant 0 : i32
      %dma_start3A_82 = tpu.memref_slice %arg8[%run_scoped3A_3, %dma_start3A_80, %dma_start3A_81] : memref<2x16x64xi32, #tpu.memory_space<vmem>> -> memref<1x16x64xi32, #tpu.memory_space<vmem>>
      %dma_start3A_83 = tpu.memref_squeeze %dma_start3A_82 : memref<1x16x64xi32, #tpu.memory_space<vmem>> -> memref<16x64xi32, #tpu.memory_space<vmem>>
      %dma_start3A_84 = arith.constant 0 : i32
      %dma_start3A_85 = arith.constant 0 : i32
      %dma_start3A_86 = tpu.memref_slice %arg3[%add3A, %run_scoped3A, %dma_start3A_84, %dma_start3A_85] : memref<32x10x16x64xi32, #tpu.memory_space<hbm>> -> memref<1x1x16x64xi32, #tpu.memory_space<hbm>>
      %dma_start3A_87 = tpu.memref_squeeze %dma_start3A_86 : memref<1x1x16x64xi32, #tpu.memory_space<hbm>> -> memref<16x64xi32, #tpu.memory_space<hbm>>
      %dma_start3A_88 = arith.constant 0 : i32
      %dma_start3A_89 = arith.constant 0 : i32
      %dma_start3A_90 = tpu.memref_slice %arg8[%run_scoped3A_3, %dma_start3A_88, %dma_start3A_89] : memref<2x16x64xi32, #tpu.memory_space<vmem>> -> memref<1x16x64xi32, #tpu.memory_space<vmem>>
      %dma_start3A_91 = tpu.memref_squeeze %dma_start3A_90 : memref<1x16x64xi32, #tpu.memory_space<vmem>> -> memref<16x64xi32, #tpu.memory_space<vmem>>
      %dma_start3A_92 = arith.constant 0 : i32
      %dma_start3A_93 = arith.constant 0 : i32
      %dma_start3A_94 = tpu.memref_slice %arg3[%add3A, %run_scoped3A, %dma_start3A_92, %dma_start3A_93] : memref<32x10x16x64xi32, #tpu.memory_space<hbm>> -> memref<1x1x16x64xi32, #tpu.memory_space<hbm>>
      %dma_start3A_95 = tpu.memref_squeeze %dma_start3A_94 : memref<1x1x16x64xi32, #tpu.memory_space<hbm>> -> memref<16x64xi32, #tpu.memory_space<hbm>>
      tpu.enqueue_dma source(%dma_start3A_95 : memref<16x64xi32, #tpu.memory_space<hbm>>) target(%dma_start3A_91 : memref<16x64xi32, #tpu.memory_space<vmem>>) target_semaphore(%run_scoped3A_79 : memref<!tpu.dma_semaphore, #tpu.memory_space<semaphore_mem>>)
      %dma_wait3A = arith.constant 0 : i32
      %dma_wait3A_96 = arith.constant 0 : i32
      %dma_wait3A_97 = tpu.memref_slice %arg8[%run_scoped3A_3, %dma_wait3A, %dma_wait3A_96] : memref<2x16x64xi32, #tpu.memory_space<vmem>> -> memref<1x16x64xi32, #tpu.memory_space<vmem>>
      %dma_wait3A_98 = tpu.memref_squeeze %dma_wait3A_97 : memref<1x16x64xi32, #tpu.memory_space<vmem>> -> memref<16x64xi32, #tpu.memory_space<vmem>>
      %dma_wait3A_99 = arith.constant 0 : i32
      %dma_wait3A_100 = arith.constant 0 : i32
      %dma_wait3A_101 = tpu.memref_slice %arg3[%add3A, %run_scoped3A, %dma_wait3A_99, %dma_wait3A_100] : memref<32x10x16x64xi32, #tpu.memory_space<hbm>> -> memref<1x1x16x64xi32, #tpu.memory_space<hbm>>
      %dma_wait3A_102 = tpu.memref_squeeze %dma_wait3A_101 : memref<1x1x16x64xi32, #tpu.memory_space<hbm>> -> memref<16x64xi32, #tpu.memory_space<hbm>>
      %dma_wait3A_103 = arith.constant 0 : i32
      %dma_wait3A_104 = arith.constant 0 : i32
      %dma_wait3A_105 = tpu.memref_slice %arg8[%run_scoped3A_3, %dma_wait3A_103, %dma_wait3A_104] : memref<2x16x64xi32, #tpu.memory_space<vmem>> -> memref<1x16x64xi32, #tpu.memory_space<vmem>>
      %dma_wait3A_106 = tpu.memref_squeeze %dma_wait3A_105 : memref<1x16x64xi32, #tpu.memory_space<vmem>> -> memref<16x64xi32, #tpu.memory_space<vmem>>
      %dma_wait3A_107 = arith.constant 0 : i32
      %dma_wait3A_108 = arith.constant 0 : i32
      %dma_wait3A_109 = tpu.memref_slice %arg3[%add3A, %run_scoped3A, %dma_wait3A_107, %dma_wait3A_108] : memref<32x10x16x64xi32, #tpu.memory_space<hbm>> -> memref<1x1x16x64xi32, #tpu.memory_space<hbm>>
      %dma_wait3A_110 = tpu.memref_squeeze %dma_wait3A_109 : memref<1x1x16x64xi32, #tpu.memory_space<hbm>> -> memref<16x64xi32, #tpu.memory_space<hbm>>
      tpu.wait_dma2 semaphore(%run_scoped3A_79 : memref<!tpu.dma_semaphore, #tpu.memory_space<semaphore_mem>>) src(%dma_wait3A_110 : memref<16x64xi32, #tpu.memory_space<hbm>>) dst(%dma_wait3A_106 : memref<16x64xi32, #tpu.memory_space<vmem>>)
      tpu.yield
    }) : () -> ()
    %run_scoped3A_4 = arith.constant 0 : i32
    %run_scoped3A_5 = arith.constant 0 : i32
    "tpu.region"() ({
      %run_scoped3A_79 = tpu.sem_alloc : memref<!tpu.dma_semaphore, #tpu.memory_space<semaphore_mem>>
      %dma_start3A_80 = arith.constant 0 : i32
      %dma_start3A_81 = arith.constant 0 : i32
      %dma_start3A_82 = tpu.memref_slice %arg9[%run_scoped3A_5, %dma_start3A_80, %dma_start3A_81] : memref<2x16x64xi32, #tpu.memory_space<vmem>> -> memref<1x16x64xi32, #tpu.memory_space<vmem>>
      %dma_start3A_83 = tpu.memref_squeeze %dma_start3A_82 : memref<1x16x64xi32, #tpu.memory_space<vmem>> -> memref<16x64xi32, #tpu.memory_space<vmem>>
      %dma_start3A_84 = arith.constant 0 : i32
      %dma_start3A_85 = arith.constant 0 : i32
      %dma_start3A_86 = tpu.memref_slice %arg4[%add3A, %run_scoped3A_4, %dma_start3A_84, %dma_start3A_85] : memref<32x10x16x64xi32, #tpu.memory_space<hbm>> -> memref<1x1x16x64xi32, #tpu.memory_space<hbm>>
      %dma_start3A_87 = tpu.memref_squeeze %dma_start3A_86 : memref<1x1x16x64xi32, #tpu.memory_space<hbm>> -> memref<16x64xi32, #tpu.memory_space<hbm>>
      %dma_start3A_88 = arith.constant 0 : i32
      %dma_start3A_89 = arith.constant 0 : i32
      %dma_start3A_90 = tpu.memref_slice %arg9[%run_scoped3A_5, %dma_start3A_88, %dma_start3A_89] : memref<2x16x64xi32, #tpu.memory_space<vmem>> -> memref<1x16x64xi32, #tpu.memory_space<vmem>>
      %dma_start3A_91 = tpu.memref_squeeze %dma_start3A_90 : memref<1x16x64xi32, #tpu.memory_space<vmem>> -> memref<16x64xi32, #tpu.memory_space<vmem>>
      %dma_start3A_92 = arith.constant 0 : i32
      %dma_start3A_93 = arith.constant 0 : i32
      %dma_start3A_94 = tpu.memref_slice %arg4[%add3A, %run_scoped3A_4, %dma_start3A_92, %dma_start3A_93] : memref<32x10x16x64xi32, #tpu.memory_space<hbm>> -> memref<1x1x16x64xi32, #tpu.memory_space<hbm>>
      %dma_start3A_95 = tpu.memref_squeeze %dma_start3A_94 : memref<1x1x16x64xi32, #tpu.memory_space<hbm>> -> memref<16x64xi32, #tpu.memory_space<hbm>>
      tpu.enqueue_dma source(%dma_start3A_95 : memref<16x64xi32, #tpu.memory_space<hbm>>) target(%dma_start3A_91 : memref<16x64xi32, #tpu.memory_space<vmem>>) target_semaphore(%run_scoped3A_79 : memref<!tpu.dma_semaphore, #tpu.memory_space<semaphore_mem>>)
      %dma_wait3A = arith.constant 0 : i32
      %dma_wait3A_96 = arith.constant 0 : i32
      %dma_wait3A_97 = tpu.memref_slice %arg9[%run_scoped3A_5, %dma_wait3A, %dma_wait3A_96] : memref<2x16x64xi32, #tpu.memory_space<vmem>> -> memref<1x16x64xi32, #tpu.memory_space<vmem>>
      %dma_wait3A_98 = tpu.memref_squeeze %dma_wait3A_97 : memref<1x16x64xi32, #tpu.memory_space<vmem>> -> memref<16x64xi32, #tpu.memory_space<vmem>>
      %dma_wait3A_99 = arith.constant 0 : i32
      %dma_wait3A_100 = arith.constant 0 : i32
      %dma_wait3A_101 = tpu.memref_slice %arg4[%add3A, %run_scoped3A_4, %dma_wait3A_99, %dma_wait3A_100] : memref<32x10x16x64xi32, #tpu.memory_space<hbm>> -> memref<1x1x16x64xi32, #tpu.memory_space<hbm>>
      %dma_wait3A_102 = tpu.memref_squeeze %dma_wait3A_101 : memref<1x1x16x64xi32, #tpu.memory_space<hbm>> -> memref<16x64xi32, #tpu.memory_space<hbm>>
      %dma_wait3A_103 = arith.constant 0 : i32
      %dma_wait3A_104 = arith.constant 0 : i32
      %dma_wait3A_105 = tpu.memref_slice %arg9[%run_scoped3A_5, %dma_wait3A_103, %dma_wait3A_104] : memref<2x16x64xi32, #tpu.memory_space<vmem>> -> memref<1x16x64xi32, #tpu.memory_space<vmem>>
      %dma_wait3A_106 = tpu.memref_squeeze %dma_wait3A_105 : memref<1x16x64xi32, #tpu.memory_space<vmem>> -> memref<16x64xi32, #tpu.memory_space<vmem>>
      %dma_wait3A_107 = arith.constant 0 : i32
      %dma_wait3A_108 = arith.constant 0 : i32
      %dma_wait3A_109 = tpu.memref_slice %arg4[%add3A, %run_scoped3A_4, %dma_wait3A_107, %dma_wait3A_108] : memref<32x10x16x64xi32, #tpu.memory_space<hbm>> -> memref<1x1x16x64xi32, #tpu.memory_space<hbm>>
      %dma_wait3A_110 = tpu.memref_squeeze %dma_wait3A_109 : memref<1x1x16x64xi32, #tpu.memory_space<hbm>> -> memref<16x64xi32, #tpu.memory_space<hbm>>
      tpu.wait_dma2 semaphore(%run_scoped3A_79 : memref<!tpu.dma_semaphore, #tpu.memory_space<semaphore_mem>>) src(%dma_wait3A_110 : memref<16x64xi32, #tpu.memory_space<hbm>>) dst(%dma_wait3A_106 : memref<16x64xi32, #tpu.memory_space<vmem>>)
      tpu.yield
    }) : () -> ()
    %dma_start3A = arith.constant 1 : i32
    %dma_start3A_6 = arith.constant 1 : i32
    %dma_start3A_7 = arith.constant 0 : i32
    %dma_start3A_8 = arith.constant 0 : i32
    %dma_start3A_9 = tpu.memref_slice %arg8[%dma_start3A_6, %dma_start3A_7, %dma_start3A_8] : memref<2x16x64xi32, #tpu.memory_space<vmem>> -> memref<1x16x64xi32, #tpu.memory_space<vmem>>
    %dma_start3A_10 = tpu.memref_squeeze %dma_start3A_9 : memref<1x16x64xi32, #tpu.memory_space<vmem>> -> memref<16x64xi32, #tpu.memory_space<vmem>>
    %dma_start3A_11 = arith.constant 0 : i32
    %dma_start3A_12 = arith.constant 0 : i32
    %dma_start3A_13 = tpu.memref_slice %arg3[%add3A, %dma_start3A, %dma_start3A_11, %dma_start3A_12] : memref<32x10x16x64xi32, #tpu.memory_space<hbm>> -> memref<1x1x16x64xi32, #tpu.memory_space<hbm>>
    %dma_start3A_14 = tpu.memref_squeeze %dma_start3A_13 : memref<1x1x16x64xi32, #tpu.memory_space<hbm>> -> memref<16x64xi32, #tpu.memory_space<hbm>>
    %dma_start3A_15 = arith.constant 0 : i32
    %dma_start3A_16 = arith.constant 0 : i32
    %dma_start3A_17 = tpu.memref_slice %arg8[%dma_start3A_6, %dma_start3A_15, %dma_start3A_16] : memref<2x16x64xi32, #tpu.memory_space<vmem>> -> memref<1x16x64xi32, #tpu.memory_space<vmem>>
    %dma_start3A_18 = tpu.memref_squeeze %dma_start3A_17 : memref<1x16x64xi32, #tpu.memory_space<vmem>> -> memref<16x64xi32, #tpu.memory_space<vmem>>
    %dma_start3A_19 = arith.constant 0 : i32
    %dma_start3A_20 = arith.constant 0 : i32
    %dma_start3A_21 = tpu.memref_slice %arg3[%add3A, %dma_start3A, %dma_start3A_19, %dma_start3A_20] : memref<32x10x16x64xi32, #tpu.memory_space<hbm>> -> memref<1x1x16x64xi32, #tpu.memory_space<hbm>>
    %dma_start3A_22 = tpu.memref_squeeze %dma_start3A_21 : memref<1x1x16x64xi32, #tpu.memory_space<hbm>> -> memref<16x64xi32, #tpu.memory_space<hbm>>
    tpu.enqueue_dma source(%dma_start3A_22 : memref<16x64xi32, #tpu.memory_space<hbm>>) target(%dma_start3A_18 : memref<16x64xi32, #tpu.memory_space<vmem>>) target_semaphore(%arg18 : memref<!tpu.dma_semaphore, #tpu.memory_space<semaphore_mem>>)
    %dma_start3A_23 = arith.constant 1 : i32
    %dma_start3A_24 = arith.constant 1 : i32
    %dma_start3A_25 = arith.constant 0 : i32
    %dma_start3A_26 = arith.constant 0 : i32
    %dma_start3A_27 = tpu.memref_slice %arg9[%dma_start3A_24, %dma_start3A_25, %dma_start3A_26] : memref<2x16x64xi32, #tpu.memory_space<vmem>> -> memref<1x16x64xi32, #tpu.memory_space<vmem>>
    %dma_start3A_28 = tpu.memref_squeeze %dma_start3A_27 : memref<1x16x64xi32, #tpu.memory_space<vmem>> -> memref<16x64xi32, #tpu.memory_space<vmem>>
    %dma_start3A_29 = arith.constant 0 : i32
    %dma_start3A_30 = arith.constant 0 : i32
    %dma_start3A_31 = tpu.memref_slice %arg4[%add3A, %dma_start3A_23, %dma_start3A_29, %dma_start3A_30] : memref<32x10x16x64xi32, #tpu.memory_space<hbm>> -> memref<1x1x16x64xi32, #tpu.memory_space<hbm>>
    %dma_start3A_32 = tpu.memref_squeeze %dma_start3A_31 : memref<1x1x16x64xi32, #tpu.memory_space<hbm>> -> memref<16x64xi32, #tpu.memory_space<hbm>>
    %dma_start3A_33 = arith.constant 0 : i32
    %dma_start3A_34 = arith.constant 0 : i32
    %dma_start3A_35 = tpu.memref_slice %arg9[%dma_start3A_24, %dma_start3A_33, %dma_start3A_34] : memref<2x16x64xi32, #tpu.memory_space<vmem>> -> memref<1x16x64xi32, #tpu.memory_space<vmem>>
    %dma_start3A_36 = tpu.memref_squeeze %dma_start3A_35 : memref<1x16x64xi32, #tpu.memory_space<vmem>> -> memref<16x64xi32, #tpu.memory_space<vmem>>
    %dma_start3A_37 = arith.constant 0 : i32
    %dma_start3A_38 = arith.constant 0 : i32
    %dma_start3A_39 = tpu.memref_slice %arg4[%add3A, %dma_start3A_23, %dma_start3A_37, %dma_start3A_38] : memref<32x10x16x64xi32, #tpu.memory_space<hbm>> -> memref<1x1x16x64xi32, #tpu.memory_space<hbm>>
    %dma_start3A_40 = tpu.memref_squeeze %dma_start3A_39 : memref<1x1x16x64xi32, #tpu.memory_space<hbm>> -> memref<16x64xi32, #tpu.memory_space<hbm>>
    tpu.enqueue_dma source(%dma_start3A_40 : memref<16x64xi32, #tpu.memory_space<hbm>>) target(%dma_start3A_36 : memref<16x64xi32, #tpu.memory_space<vmem>>) target_semaphore(%arg18 : memref<!tpu.dma_semaphore, #tpu.memory_space<semaphore_mem>>)
    %dma_start3A_41 = arith.constant 0 : i32
    %dma_start3A_42 = arith.constant 0 : i32
    %dma_start3A_43 = arith.constant 0 : i32
    %dma_start3A_44 = tpu.memref_slice %arg8[%dma_start3A_41, %dma_start3A_42, %dma_start3A_43] : memref<2x16x64xi32, #tpu.memory_space<vmem>> -> memref<1x1x64xi32, #tpu.memory_space<vmem>>
    %dma_start3A_45 = tpu.memref_squeeze %dma_start3A_44 : memref<1x1x64xi32, #tpu.memory_space<vmem>> -> memref<64xi32, #tpu.memory_space<vmem>>
    %dma_start3A_46 = arith.constant 0 : i32
    %dma_start3A_47 = arith.constant 0 : i32
    %dma_start3A_48 = tpu.memref_slice %arg2[%dma_start3A_46, %dma_start3A_47] : memref<10000x128xf32, #tpu.memory_space<hbm>> -> memref<10000x128xf32, #tpu.memory_space<hbm>>
    tpu.enqueue_indirect_dma source(%dma_start3A_48 : memref<10000x128xf32, #tpu.memory_space<hbm>>) target(%arg10 : memref<64x128xf32, #tpu.memory_space<vmem>>) offsets(%dma_start3A_45 : memref<64xi32, #tpu.memory_space<vmem>>) semaphore(%arg14 : memref<!tpu.dma_semaphore, #tpu.memory_space<semaphore_mem>>)
    %dma_start3A_49 = arith.constant 0 : i32
    %dma_start3A_50 = arith.constant 1 : i32
    %dma_start3A_51 = arith.constant 0 : i32
    %dma_start3A_52 = tpu.memref_slice %arg8[%dma_start3A_49, %dma_start3A_50, %dma_start3A_51] : memref<2x16x64xi32, #tpu.memory_space<vmem>> -> memref<1x1x64xi32, #tpu.memory_space<vmem>>
    %dma_start3A_53 = tpu.memref_squeeze %dma_start3A_52 : memref<1x1x64xi32, #tpu.memory_space<vmem>> -> memref<64xi32, #tpu.memory_space<vmem>>
    %dma_start3A_54 = arith.constant 0 : i32
    %dma_start3A_55 = arith.constant 0 : i32
    %dma_start3A_56 = tpu.memref_slice %arg2[%dma_start3A_54, %dma_start3A_55] : memref<10000x128xf32, #tpu.memory_space<hbm>> -> memref<10000x128xf32, #tpu.memory_space<hbm>>
    tpu.enqueue_indirect_dma source(%dma_start3A_56 : memref<10000x128xf32, #tpu.memory_space<hbm>>) target(%arg11 : memref<64x128xf32, #tpu.memory_space<vmem>>) offsets(%dma_start3A_53 : memref<64xi32, #tpu.memory_space<vmem>>) semaphore(%arg15 : memref<!tpu.dma_semaphore, #tpu.memory_space<semaphore_mem>>)
    %dma_start3A_57 = arith.constant 0 : i32
    %dma_start3A_58 = arith.constant 2 : i32
    %dma_start3A_59 = arith.constant 0 : i32
    %dma_start3A_60 = tpu.memref_slice %arg8[%dma_start3A_57, %dma_start3A_58, %dma_start3A_59] : memref<2x16x64xi32, #tpu.memory_space<vmem>> -> memref<1x1x64xi32, #tpu.memory_space<vmem>>
    %dma_start3A_61 = tpu.memref_squeeze %dma_start3A_60 : memref<1x1x64xi32, #tpu.memory_space<vmem>> -> memref<64xi32, #tpu.memory_space<vmem>>
    %dma_start3A_62 = arith.constant 0 : i32
    %dma_start3A_63 = arith.constant 0 : i32
    %dma_start3A_64 = tpu.memref_slice %arg2[%dma_start3A_62, %dma_start3A_63] : memref<10000x128xf32, #tpu.memory_space<hbm>> -> memref<10000x128xf32, #tpu.memory_space<hbm>>
    tpu.enqueue_indirect_dma source(%dma_start3A_64 : memref<10000x128xf32, #tpu.memory_space<hbm>>) target(%arg12 : memref<64x128xf32, #tpu.memory_space<vmem>>) offsets(%dma_start3A_61 : memref<64xi32, #tpu.memory_space<vmem>>) semaphore(%arg16 : memref<!tpu.dma_semaphore, #tpu.memory_space<semaphore_mem>>)
    %dma_start3A_65 = arith.constant 0 : i32
    %dma_start3A_66 = arith.constant 3 : i32
    %dma_start3A_67 = arith.constant 0 : i32
    %dma_start3A_68 = tpu.memref_slice %arg8[%dma_start3A_65, %dma_start3A_66, %dma_start3A_67] : memref<2x16x64xi32, #tpu.memory_space<vmem>> -> memref<1x1x64xi32, #tpu.memory_space<vmem>>
    %dma_start3A_69 = tpu.memref_squeeze %dma_start3A_68 : memref<1x1x64xi32, #tpu.memory_space<vmem>> -> memref<64xi32, #tpu.memory_space<vmem>>
    %dma_start3A_70 = arith.constant 0 : i32
    %dma_start3A_71 = arith.constant 0 : i32
    %dma_start3A_72 = tpu.memref_slice %arg2[%dma_start3A_70, %dma_start3A_71] : memref<10000x128xf32, #tpu.memory_space<hbm>> -> memref<10000x128xf32, #tpu.memory_space<hbm>>
    tpu.enqueue_indirect_dma source(%dma_start3A_72 : memref<10000x128xf32, #tpu.memory_space<hbm>>) target(%arg13 : memref<64x128xf32, #tpu.memory_space<vmem>>) offsets(%dma_start3A_69 : memref<64xi32, #tpu.memory_space<vmem>>) semaphore(%arg17 : memref<!tpu.dma_semaphore, #tpu.memory_space<semaphore_mem>>)
    %scan3A = arith.constant 0 : i32
    %scan3A_73 = arith.constant 0 : i32
    %scan3A_74 = arith.constant 10 : i32
    %scan3A_75 = arith.addi %scan3A_73, %scan3A_74 : i32
    %scan3A_76 = arith.constant 1 : i32
    scf.for %scan3A_79 = %scan3A_73 to %scan3A_75 step %scan3A_76  : i32 {
      %rem3A = arith.constant 2 : i32
      %rem3A_80 = arith.remsi %scan3A_79, %rem3A : i32
      %sub3A = arith.constant 1 : i32
      %sub3A_81 = arith.subi %sub3A, %rem3A_80 : i32
      %dma_wait3A = arith.constant 0 : i32
      %dma_wait3A_82 = arith.constant 0 : i32
      %dma_wait3A_83 = tpu.memref_slice %arg8[%rem3A_80, %dma_wait3A, %dma_wait3A_82] : memref<2x16x64xi32, #tpu.memory_space<vmem>> -> memref<1x1x64xi32, #tpu.memory_space<vmem>>
      %dma_wait3A_84 = tpu.memref_squeeze %dma_wait3A_83 : memref<1x1x64xi32, #tpu.memory_space<vmem>> -> memref<64xi32, #tpu.memory_space<vmem>>
      %dma_wait3A_85 = arith.constant 0 : i32
      %dma_wait3A_86 = arith.constant 0 : i32
      %dma_wait3A_87 = tpu.memref_slice %arg2[%dma_wait3A_85, %dma_wait3A_86] : memref<10000x128xf32, #tpu.memory_space<hbm>> -> memref<10000x128xf32, #tpu.memory_space<hbm>>
      tpu.wait_indirect_dma semaphore(%arg14 : memref<!tpu.dma_semaphore, #tpu.memory_space<semaphore_mem>>) src(%dma_wait3A_87 : memref<10000x128xf32, #tpu.memory_space<hbm>>) dst(%arg10 : memref<64x128xf32, #tpu.memory_space<vmem>>)
      %run_scoped3A_88 = arith.constant 0 : i32
      "tpu.region"() ({
        %run_scoped3A_332 = tpu.sem_alloc : memref<!tpu.dma_semaphore, #tpu.memory_space<semaphore_mem>>
        %dma_start3A_333 = arith.constant 0 : i32
        %dma_start3A_334 = tpu.memref_slice %arg9[%rem3A_80, %run_scoped3A_88, %dma_start3A_333] : memref<2x16x64xi32, #tpu.memory_space<vmem>> -> memref<1x1x64xi32, #tpu.memory_space<vmem>>
        %dma_start3A_335 = tpu.memref_squeeze %dma_start3A_334 : memref<1x1x64xi32, #tpu.memory_space<vmem>> -> memref<64xi32, #tpu.memory_space<vmem>>
        %dma_start3A_336 = arith.constant 0 : i32
        %dma_start3A_337 = arith.constant 0 : i32
        %dma_start3A_338 = tpu.memref_slice %arg7[%dma_start3A_336, %dma_start3A_337] : memref<10240x128xf32, #tpu.memory_space<vmem_shared>> -> memref<10240x128xf32, #tpu.memory_space<vmem_shared>>
        tpu.enqueue_indirect_dma source(%arg10 : memref<64x128xf32, #tpu.memory_space<vmem>>) target(%dma_start3A_338 : memref<10240x128xf32, #tpu.memory_space<vmem_shared>>) offsets(%dma_start3A_335 : memref<64xi32, #tpu.memory_space<vmem>>) semaphore(%run_scoped3A_332 : memref<!tpu.dma_semaphore, #tpu.memory_space<semaphore_mem>>) {add = true}
        %dma_wait3A_339 = arith.constant 0 : i32
        %dma_wait3A_340 = tpu.memref_slice %arg9[%rem3A_80, %run_scoped3A_88, %dma_wait3A_339] : memref<2x16x64xi32, #tpu.memory_space<vmem>> -> memref<1x1x64xi32, #tpu.memory_space<vmem>>
        %dma_wait3A_341 = tpu.memref_squeeze %dma_wait3A_340 : memref<1x1x64xi32, #tpu.memory_space<vmem>> -> memref<64xi32, #tpu.memory_space<vmem>>
        %dma_wait3A_342 = arith.constant 0 : i32
        %dma_wait3A_343 = arith.constant 0 : i32
        %dma_wait3A_344 = tpu.memref_slice %arg7[%dma_wait3A_342, %dma_wait3A_343] : memref<10240x128xf32, #tpu.memory_space<vmem_shared>> -> memref<10240x128xf32, #tpu.memory_space<vmem_shared>>
        tpu.wait_indirect_dma semaphore(%run_scoped3A_332 : memref<!tpu.dma_semaphore, #tpu.memory_space<semaphore_mem>>) src(%arg10 : memref<64x128xf32, #tpu.memory_space<vmem>>) dst(%dma_wait3A_344 : memref<10240x128xf32, #tpu.memory_space<vmem_shared>>)
        tpu.yield
      }) : () -> ()
      %dma_start3A_89 = arith.constant 4 : i32
      %dma_start3A_90 = arith.constant 0 : i32
      %dma_start3A_91 = tpu.memref_slice %arg8[%rem3A_80, %dma_start3A_89, %dma_start3A_90] : memref<2x16x64xi32, #tpu.memory_space<vmem>> -> memref<1x1x64xi32, #tpu.memory_space<vmem>>
      %dma_start3A_92 = tpu.memref_squeeze %dma_start3A_91 : memref<1x1x64xi32, #tpu.memory_space<vmem>> -> memref<64xi32, #tpu.memory_space<vmem>>
      %dma_start3A_93 = arith.constant 0 : i32
      %dma_start3A_94 = arith.constant 0 : i32
      %dma_start3A_95 = tpu.memref_slice %arg2[%dma_start3A_93, %dma_start3A_94] : memref<10000x128xf32, #tpu.memory_space<hbm>> -> memref<10000x128xf32, #tpu.memory_space<hbm>>
      tpu.enqueue_indirect_dma source(%dma_start3A_95 : memref<10000x128xf32, #tpu.memory_space<hbm>>) target(%arg10 : memref<64x128xf32, #tpu.memory_space<vmem>>) offsets(%dma_start3A_92 : memref<64xi32, #tpu.memory_space<vmem>>) semaphore(%arg14 : memref<!tpu.dma_semaphore, #tpu.memory_space<semaphore_mem>>)
      %dma_wait3A_96 = arith.constant 1 : i32
      %dma_wait3A_97 = arith.constant 0 : i32
      %dma_wait3A_98 = tpu.memref_slice %arg8[%rem3A_80, %dma_wait3A_96, %dma_wait3A_97] : memref<2x16x64xi32, #tpu.memory_space<vmem>> -> memref<1x1x64xi32, #tpu.memory_space<vmem>>
      %dma_wait3A_99 = tpu.memref_squeeze %dma_wait3A_98 : memref<1x1x64xi32, #tpu.memory_space<vmem>> -> memref<64xi32, #tpu.memory_space<vmem>>
      %dma_wait3A_100 = arith.constant 0 : i32
      %dma_wait3A_101 = arith.constant 0 : i32
      %dma_wait3A_102 = tpu.memref_slice %arg2[%dma_wait3A_100, %dma_wait3A_101] : memref<10000x128xf32, #tpu.memory_space<hbm>> -> memref<10000x128xf32, #tpu.memory_space<hbm>>
      tpu.wait_indirect_dma semaphore(%arg15 : memref<!tpu.dma_semaphore, #tpu.memory_space<semaphore_mem>>) src(%dma_wait3A_102 : memref<10000x128xf32, #tpu.memory_space<hbm>>) dst(%arg11 : memref<64x128xf32, #tpu.memory_space<vmem>>)
      %run_scoped3A_103 = arith.constant 1 : i32
      "tpu.region"() ({
        %run_scoped3A_332 = tpu.sem_alloc : memref<!tpu.dma_semaphore, #tpu.memory_space<semaphore_mem>>
        %dma_start3A_333 = arith.constant 0 : i32
        %dma_start3A_334 = tpu.memref_slice %arg9[%rem3A_80, %run_scoped3A_103, %dma_start3A_333] : memref<2x16x64xi32, #tpu.memory_space<vmem>> -> memref<1x1x64xi32, #tpu.memory_space<vmem>>
        %dma_start3A_335 = tpu.memref_squeeze %dma_start3A_334 : memref<1x1x64xi32, #tpu.memory_space<vmem>> -> memref<64xi32, #tpu.memory_space<vmem>>
        %dma_start3A_336 = arith.constant 0 : i32
        %dma_start3A_337 = arith.constant 0 : i32
        %dma_start3A_338 = tpu.memref_slice %arg7[%dma_start3A_336, %dma_start3A_337] : memref<10240x128xf32, #tpu.memory_space<vmem_shared>> -> memref<10240x128xf32, #tpu.memory_space<vmem_shared>>
        tpu.enqueue_indirect_dma source(%arg11 : memref<64x128xf32, #tpu.memory_space<vmem>>) target(%dma_start3A_338 : memref<10240x128xf32, #tpu.memory_space<vmem_shared>>) offsets(%dma_start3A_335 : memref<64xi32, #tpu.memory_space<vmem>>) semaphore(%run_scoped3A_332 : memref<!tpu.dma_semaphore, #tpu.memory_space<semaphore_mem>>) {add = true}
        %dma_wait3A_339 = arith.constant 0 : i32
        %dma_wait3A_340 = tpu.memref_slice %arg9[%rem3A_80, %run_scoped3A_103, %dma_wait3A_339] : memref<2x16x64xi32, #tpu.memory_space<vmem>> -> memref<1x1x64xi32, #tpu.memory_space<vmem>>
        %dma_wait3A_341 = tpu.memref_squeeze %dma_wait3A_340 : memref<1x1x64xi32, #tpu.memory_space<vmem>> -> memref<64xi32, #tpu.memory_space<vmem>>
        %dma_wait3A_342 = arith.constant 0 : i32
        %dma_wait3A_343 = arith.constant 0 : i32
        %dma_wait3A_344 = tpu.memref_slice %arg7[%dma_wait3A_342, %dma_wait3A_343] : memref<10240x128xf32, #tpu.memory_space<vmem_shared>> -> memref<10240x128xf32, #tpu.memory_space<vmem_shared>>
        tpu.wait_indirect_dma semaphore(%run_scoped3A_332 : memref<!tpu.dma_semaphore, #tpu.memory_space<semaphore_mem>>) src(%arg11 : memref<64x128xf32, #tpu.memory_space<vmem>>) dst(%dma_wait3A_344 : memref<10240x128xf32, #tpu.memory_space<vmem_shared>>)
        tpu.yield
      }) : () -> ()
      %dma_start3A_104 = arith.constant 5 : i32
      %dma_start3A_105 = arith.constant 0 : i32
      %dma_start3A_106 = tpu.memref_slice %arg8[%rem3A_80, %dma_start3A_104, %dma_start3A_105] : memref<2x16x64xi32, #tpu.memory_space<vmem>> -> memref<1x1x64xi32, #tpu.memory_space<vmem>>
      %dma_start3A_107 = tpu.memref_squeeze %dma_start3A_106 : memref<1x1x64xi32, #tpu.memory_space<vmem>> -> memref<64xi32, #tpu.memory_space<vmem>>
      %dma_start3A_108 = arith.constant 0 : i32
      %dma_start3A_109 = arith.constant 0 : i32
      %dma_start3A_110 = tpu.memref_slice %arg2[%dma_start3A_108, %dma_start3A_109] : memref<10000x128xf32, #tpu.memory_space<hbm>> -> memref<10000x128xf32, #tpu.memory_space<hbm>>
      tpu.enqueue_indirect_dma source(%dma_start3A_110 : memref<10000x128xf32, #tpu.memory_space<hbm>>) target(%arg11 : memref<64x128xf32, #tpu.memory_space<vmem>>) offsets(%dma_start3A_107 : memref<64xi32, #tpu.memory_space<vmem>>) semaphore(%arg15 : memref<!tpu.dma_semaphore, #tpu.memory_space<semaphore_mem>>)
      %dma_wait3A_111 = arith.constant 2 : i32
      %dma_wait3A_112 = arith.constant 0 : i32
      %dma_wait3A_113 = tpu.memref_slice %arg8[%rem3A_80, %dma_wait3A_111, %dma_wait3A_112] : memref<2x16x64xi32, #tpu.memory_space<vmem>> -> memref<1x1x64xi32, #tpu.memory_space<vmem>>
      %dma_wait3A_114 = tpu.memref_squeeze %dma_wait3A_113 : memref<1x1x64xi32, #tpu.memory_space<vmem>> -> memref<64xi32, #tpu.memory_space<vmem>>
      %dma_wait3A_115 = arith.constant 0 : i32
      %dma_wait3A_116 = arith.constant 0 : i32
      %dma_wait3A_117 = tpu.memref_slice %arg2[%dma_wait3A_115, %dma_wait3A_116] : memref<10000x128xf32, #tpu.memory_space<hbm>> -> memref<10000x128xf32, #tpu.memory_space<hbm>>
      tpu.wait_indirect_dma semaphore(%arg16 : memref<!tpu.dma_semaphore, #tpu.memory_space<semaphore_mem>>) src(%dma_wait3A_117 : memref<10000x128xf32, #tpu.memory_space<hbm>>) dst(%arg12 : memref<64x128xf32, #tpu.memory_space<vmem>>)
      %run_scoped3A_118 = arith.constant 2 : i32
      "tpu.region"() ({
        %run_scoped3A_332 = tpu.sem_alloc : memref<!tpu.dma_semaphore, #tpu.memory_space<semaphore_mem>>
        %dma_start3A_333 = arith.constant 0 : i32
        %dma_start3A_334 = tpu.memref_slice %arg9[%rem3A_80, %run_scoped3A_118, %dma_start3A_333] : memref<2x16x64xi32, #tpu.memory_space<vmem>> -> memref<1x1x64xi32, #tpu.memory_space<vmem>>
        %dma_start3A_335 = tpu.memref_squeeze %dma_start3A_334 : memref<1x1x64xi32, #tpu.memory_space<vmem>> -> memref<64xi32, #tpu.memory_space<vmem>>
        %dma_start3A_336 = arith.constant 0 : i32
        %dma_start3A_337 = arith.constant 0 : i32
        %dma_start3A_338 = tpu.memref_slice %arg7[%dma_start3A_336, %dma_start3A_337] : memref<10240x128xf32, #tpu.memory_space<vmem_shared>> -> memref<10240x128xf32, #tpu.memory_space<vmem_shared>>
        tpu.enqueue_indirect_dma source(%arg12 : memref<64x128xf32, #tpu.memory_space<vmem>>) target(%dma_start3A_338 : memref<10240x128xf32, #tpu.memory_space<vmem_shared>>) offsets(%dma_start3A_335 : memref<64xi32, #tpu.memory_space<vmem>>) semaphore(%run_scoped3A_332 : memref<!tpu.dma_semaphore, #tpu.memory_space<semaphore_mem>>) {add = true}
        %dma_wait3A_339 = arith.constant 0 : i32
        %dma_wait3A_340 = tpu.memref_slice %arg9[%rem3A_80, %run_scoped3A_118, %dma_wait3A_339] : memref<2x16x64xi32, #tpu.memory_space<vmem>> -> memref<1x1x64xi32, #tpu.memory_space<vmem>>
        %dma_wait3A_341 = tpu.memref_squeeze %dma_wait3A_340 : memref<1x1x64xi32, #tpu.memory_space<vmem>> -> memref<64xi32, #tpu.memory_space<vmem>>
        %dma_wait3A_342 = arith.constant 0 : i32
        %dma_wait3A_343 = arith.constant 0 : i32
        %dma_wait3A_344 = tpu.memref_slice %arg7[%dma_wait3A_342, %dma_wait3A_343] : memref<10240x128xf32, #tpu.memory_space<vmem_shared>> -> memref<10240x128xf32, #tpu.memory_space<vmem_shared>>
        tpu.wait_indirect_dma semaphore(%run_scoped3A_332 : memref<!tpu.dma_semaphore, #tpu.memory_space<semaphore_mem>>) src(%arg12 : memref<64x128xf32, #tpu.memory_space<vmem>>) dst(%dma_wait3A_344 : memref<10240x128xf32, #tpu.memory_space<vmem_shared>>)
        tpu.yield
      }) : () -> ()
      %dma_start3A_119 = arith.constant 6 : i32
      %dma_start3A_120 = arith.constant 0 : i32
      %dma_start3A_121 = tpu.memref_slice %arg8[%rem3A_80, %dma_start3A_119, %dma_start3A_120] : memref<2x16x64xi32, #tpu.memory_space<vmem>> -> memref<1x1x64xi32, #tpu.memory_space<vmem>>
      %dma_start3A_122 = tpu.memref_squeeze %dma_start3A_121 : memref<1x1x64xi32, #tpu.memory_space<vmem>> -> memref<64xi32, #tpu.memory_space<vmem>>
      %dma_start3A_123 = arith.constant 0 : i32
      %dma_start3A_124 = arith.constant 0 : i32
      %dma_start3A_125 = tpu.memref_slice %arg2[%dma_start3A_123, %dma_start3A_124] : memref<10000x128xf32, #tpu.memory_space<hbm>> -> memref<10000x128xf32, #tpu.memory_space<hbm>>
      tpu.enqueue_indirect_dma source(%dma_start3A_125 : memref<10000x128xf32, #tpu.memory_space<hbm>>) target(%arg12 : memref<64x128xf32, #tpu.memory_space<vmem>>) offsets(%dma_start3A_122 : memref<64xi32, #tpu.memory_space<vmem>>) semaphore(%arg16 : memref<!tpu.dma_semaphore, #tpu.memory_space<semaphore_mem>>)
      %dma_wait3A_126 = arith.constant 3 : i32
      %dma_wait3A_127 = arith.constant 0 : i32
      %dma_wait3A_128 = tpu.memref_slice %arg8[%rem3A_80, %dma_wait3A_126, %dma_wait3A_127] : memref<2x16x64xi32, #tpu.memory_space<vmem>> -> memref<1x1x64xi32, #tpu.memory_space<vmem>>
      %dma_wait3A_129 = tpu.memref_squeeze %dma_wait3A_128 : memref<1x1x64xi32, #tpu.memory_space<vmem>> -> memref<64xi32, #tpu.memory_space<vmem>>
      %dma_wait3A_130 = arith.constant 0 : i32
      %dma_wait3A_131 = arith.constant 0 : i32
      %dma_wait3A_132 = tpu.memref_slice %arg2[%dma_wait3A_130, %dma_wait3A_131] : memref<10000x128xf32, #tpu.memory_space<hbm>> -> memref<10000x128xf32, #tpu.memory_space<hbm>>
      tpu.wait_indirect_dma semaphore(%arg17 : memref<!tpu.dma_semaphore, #tpu.memory_space<semaphore_mem>>) src(%dma_wait3A_132 : memref<10000x128xf32, #tpu.memory_space<hbm>>) dst(%arg13 : memref<64x128xf32, #tpu.memory_space<vmem>>)
      %run_scoped3A_133 = arith.constant 3 : i32
      "tpu.region"() ({
        %run_scoped3A_332 = tpu.sem_alloc : memref<!tpu.dma_semaphore, #tpu.memory_space<semaphore_mem>>
        %dma_start3A_333 = arith.constant 0 : i32
        %dma_start3A_334 = tpu.memref_slice %arg9[%rem3A_80, %run_scoped3A_133, %dma_start3A_333] : memref<2x16x64xi32, #tpu.memory_space<vmem>> -> memref<1x1x64xi32, #tpu.memory_space<vmem>>
        %dma_start3A_335 = tpu.memref_squeeze %dma_start3A_334 : memref<1x1x64xi32, #tpu.memory_space<vmem>> -> memref<64xi32, #tpu.memory_space<vmem>>
        %dma_start3A_336 = arith.constant 0 : i32
        %dma_start3A_337 = arith.constant 0 : i32
        %dma_start3A_338 = tpu.memref_slice %arg7[%dma_start3A_336, %dma_start3A_337] : memref<10240x128xf32, #tpu.memory_space<vmem_shared>> -> memref<10240x128xf32, #tpu.memory_space<vmem_shared>>
        tpu.enqueue_indirect_dma source(%arg13 : memref<64x128xf32, #tpu.memory_space<vmem>>) target(%dma_start3A_338 : memref<10240x128xf32, #tpu.memory_space<vmem_shared>>) offsets(%dma_start3A_335 : memref<64xi32, #tpu.memory_space<vmem>>) semaphore(%run_scoped3A_332 : memref<!tpu.dma_semaphore, #tpu.memory_space<semaphore_mem>>) {add = true}
        %dma_wait3A_339 = arith.constant 0 : i32
        %dma_wait3A_340 = tpu.memref_slice %arg9[%rem3A_80, %run_scoped3A_133, %dma_wait3A_339] : memref<2x16x64xi32, #tpu.memory_space<vmem>> -> memref<1x1x64xi32, #tpu.memory_space<vmem>>
        %dma_wait3A_341 = tpu.memref_squeeze %dma_wait3A_340 : memref<1x1x64xi32, #tpu.memory_space<vmem>> -> memref<64xi32, #tpu.memory_space<vmem>>
        %dma_wait3A_342 = arith.constant 0 : i32
        %dma_wait3A_343 = arith.constant 0 : i32
        %dma_wait3A_344 = tpu.memref_slice %arg7[%dma_wait3A_342, %dma_wait3A_343] : memref<10240x128xf32, #tpu.memory_space<vmem_shared>> -> memref<10240x128xf32, #tpu.memory_space<vmem_shared>>
        tpu.wait_indirect_dma semaphore(%run_scoped3A_332 : memref<!tpu.dma_semaphore, #tpu.memory_space<semaphore_mem>>) src(%arg13 : memref<64x128xf32, #tpu.memory_space<vmem>>) dst(%dma_wait3A_344 : memref<10240x128xf32, #tpu.memory_space<vmem_shared>>)
        tpu.yield
      }) : () -> ()
      %dma_start3A_134 = arith.constant 7 : i32
      %dma_start3A_135 = arith.constant 0 : i32
      %dma_start3A_136 = tpu.memref_slice %arg8[%rem3A_80, %dma_start3A_134, %dma_start3A_135] : memref<2x16x64xi32, #tpu.memory_space<vmem>> -> memref<1x1x64xi32, #tpu.memory_space<vmem>>
      %dma_start3A_137 = tpu.memref_squeeze %dma_start3A_136 : memref<1x1x64xi32, #tpu.memory_space<vmem>> -> memref<64xi32, #tpu.memory_space<vmem>>
      %dma_start3A_138 = arith.constant 0 : i32
      %dma_start3A_139 = arith.constant 0 : i32
      %dma_start3A_140 = tpu.memref_slice %arg2[%dma_start3A_138, %dma_start3A_139] : memref<10000x128xf32, #tpu.memory_space<hbm>> -> memref<10000x128xf32, #tpu.memory_space<hbm>>
      tpu.enqueue_indirect_dma source(%dma_start3A_140 : memref<10000x128xf32, #tpu.memory_space<hbm>>) target(%arg13 : memref<64x128xf32, #tpu.memory_space<vmem>>) offsets(%dma_start3A_137 : memref<64xi32, #tpu.memory_space<vmem>>) semaphore(%arg17 : memref<!tpu.dma_semaphore, #tpu.memory_space<semaphore_mem>>)
      %dma_wait3A_141 = arith.constant 4 : i32
      %dma_wait3A_142 = arith.constant 0 : i32
      %dma_wait3A_143 = tpu.memref_slice %arg8[%rem3A_80, %dma_wait3A_141, %dma_wait3A_142] : memref<2x16x64xi32, #tpu.memory_space<vmem>> -> memref<1x1x64xi32, #tpu.memory_space<vmem>>
      %dma_wait3A_144 = tpu.memref_squeeze %dma_wait3A_143 : memref<1x1x64xi32, #tpu.memory_space<vmem>> -> memref<64xi32, #tpu.memory_space<vmem>>
      %dma_wait3A_145 = arith.constant 0 : i32
      %dma_wait3A_146 = arith.constant 0 : i32
      %dma_wait3A_147 = tpu.memref_slice %arg2[%dma_wait3A_145, %dma_wait3A_146] : memref<10000x128xf32, #tpu.memory_space<hbm>> -> memref<10000x128xf32, #tpu.memory_space<hbm>>
      tpu.wait_indirect_dma semaphore(%arg14 : memref<!tpu.dma_semaphore, #tpu.memory_space<semaphore_mem>>) src(%dma_wait3A_147 : memref<10000x128xf32, #tpu.memory_space<hbm>>) dst(%arg10 : memref<64x128xf32, #tpu.memory_space<vmem>>)
      %run_scoped3A_148 = arith.constant 4 : i32
      "tpu.region"() ({
        %run_scoped3A_332 = tpu.sem_alloc : memref<!tpu.dma_semaphore, #tpu.memory_space<semaphore_mem>>
        %dma_start3A_333 = arith.constant 0 : i32
        %dma_start3A_334 = tpu.memref_slice %arg9[%rem3A_80, %run_scoped3A_148, %dma_start3A_333] : memref<2x16x64xi32, #tpu.memory_space<vmem>> -> memref<1x1x64xi32, #tpu.memory_space<vmem>>
        %dma_start3A_335 = tpu.memref_squeeze %dma_start3A_334 : memref<1x1x64xi32, #tpu.memory_space<vmem>> -> memref<64xi32, #tpu.memory_space<vmem>>
        %dma_start3A_336 = arith.constant 0 : i32
        %dma_start3A_337 = arith.constant 0 : i32
        %dma_start3A_338 = tpu.memref_slice %arg7[%dma_start3A_336, %dma_start3A_337] : memref<10240x128xf32, #tpu.memory_space<vmem_shared>> -> memref<10240x128xf32, #tpu.memory_space<vmem_shared>>
        tpu.enqueue_indirect_dma source(%arg10 : memref<64x128xf32, #tpu.memory_space<vmem>>) target(%dma_start3A_338 : memref<10240x128xf32, #tpu.memory_space<vmem_shared>>) offsets(%dma_start3A_335 : memref<64xi32, #tpu.memory_space<vmem>>) semaphore(%run_scoped3A_332 : memref<!tpu.dma_semaphore, #tpu.memory_space<semaphore_mem>>) {add = true}
        %dma_wait3A_339 = arith.constant 0 : i32
        %dma_wait3A_340 = tpu.memref_slice %arg9[%rem3A_80, %run_scoped3A_148, %dma_wait3A_339] : memref<2x16x64xi32, #tpu.memory_space<vmem>> -> memref<1x1x64xi32, #tpu.memory_space<vmem>>
        %dma_wait3A_341 = tpu.memref_squeeze %dma_wait3A_340 : memref<1x1x64xi32, #tpu.memory_space<vmem>> -> memref<64xi32, #tpu.memory_space<vmem>>
        %dma_wait3A_342 = arith.constant 0 : i32
        %dma_wait3A_343 = arith.constant 0 : i32
        %dma_wait3A_344 = tpu.memref_slice %arg7[%dma_wait3A_342, %dma_wait3A_343] : memref<10240x128xf32, #tpu.memory_space<vmem_shared>> -> memref<10240x128xf32, #tpu.memory_space<vmem_shared>>
        tpu.wait_indirect_dma semaphore(%run_scoped3A_332 : memref<!tpu.dma_semaphore, #tpu.memory_space<semaphore_mem>>) src(%arg10 : memref<64x128xf32, #tpu.memory_space<vmem>>) dst(%dma_wait3A_344 : memref<10240x128xf32, #tpu.memory_space<vmem_shared>>)
        tpu.yield
      }) : () -> ()
      %dma_start3A_149 = arith.constant 8 : i32
      %dma_start3A_150 = arith.constant 0 : i32
      %dma_start3A_151 = tpu.memref_slice %arg8[%rem3A_80, %dma_start3A_149, %dma_start3A_150] : memref<2x16x64xi32, #tpu.memory_space<vmem>> -> memref<1x1x64xi32, #tpu.memory_space<vmem>>
      %dma_start3A_152 = tpu.memref_squeeze %dma_start3A_151 : memref<1x1x64xi32, #tpu.memory_space<vmem>> -> memref<64xi32, #tpu.memory_space<vmem>>
      %dma_start3A_153 = arith.constant 0 : i32
      %dma_start3A_154 = arith.constant 0 : i32
      %dma_start3A_155 = tpu.memref_slice %arg2[%dma_start3A_153, %dma_start3A_154] : memref<10000x128xf32, #tpu.memory_space<hbm>> -> memref<10000x128xf32, #tpu.memory_space<hbm>>
      tpu.enqueue_indirect_dma source(%dma_start3A_155 : memref<10000x128xf32, #tpu.memory_space<hbm>>) target(%arg10 : memref<64x128xf32, #tpu.memory_space<vmem>>) offsets(%dma_start3A_152 : memref<64xi32, #tpu.memory_space<vmem>>) semaphore(%arg14 : memref<!tpu.dma_semaphore, #tpu.memory_space<semaphore_mem>>)
      %dma_wait3A_156 = arith.constant 5 : i32
      %dma_wait3A_157 = arith.constant 0 : i32
      %dma_wait3A_158 = tpu.memref_slice %arg8[%rem3A_80, %dma_wait3A_156, %dma_wait3A_157] : memref<2x16x64xi32, #tpu.memory_space<vmem>> -> memref<1x1x64xi32, #tpu.memory_space<vmem>>
      %dma_wait3A_159 = tpu.memref_squeeze %dma_wait3A_158 : memref<1x1x64xi32, #tpu.memory_space<vmem>> -> memref<64xi32, #tpu.memory_space<vmem>>
      %dma_wait3A_160 = arith.constant 0 : i32
      %dma_wait3A_161 = arith.constant 0 : i32
      %dma_wait3A_162 = tpu.memref_slice %arg2[%dma_wait3A_160, %dma_wait3A_161] : memref<10000x128xf32, #tpu.memory_space<hbm>> -> memref<10000x128xf32, #tpu.memory_space<hbm>>
      tpu.wait_indirect_dma semaphore(%arg15 : memref<!tpu.dma_semaphore, #tpu.memory_space<semaphore_mem>>) src(%dma_wait3A_162 : memref<10000x128xf32, #tpu.memory_space<hbm>>) dst(%arg11 : memref<64x128xf32, #tpu.memory_space<vmem>>)
      %run_scoped3A_163 = arith.constant 5 : i32
      "tpu.region"() ({
        %run_scoped3A_332 = tpu.sem_alloc : memref<!tpu.dma_semaphore, #tpu.memory_space<semaphore_mem>>
        %dma_start3A_333 = arith.constant 0 : i32
        %dma_start3A_334 = tpu.memref_slice %arg9[%rem3A_80, %run_scoped3A_163, %dma_start3A_333] : memref<2x16x64xi32, #tpu.memory_space<vmem>> -> memref<1x1x64xi32, #tpu.memory_space<vmem>>
        %dma_start3A_335 = tpu.memref_squeeze %dma_start3A_334 : memref<1x1x64xi32, #tpu.memory_space<vmem>> -> memref<64xi32, #tpu.memory_space<vmem>>
        %dma_start3A_336 = arith.constant 0 : i32
        %dma_start3A_337 = arith.constant 0 : i32
        %dma_start3A_338 = tpu.memref_slice %arg7[%dma_start3A_336, %dma_start3A_337] : memref<10240x128xf32, #tpu.memory_space<vmem_shared>> -> memref<10240x128xf32, #tpu.memory_space<vmem_shared>>
        tpu.enqueue_indirect_dma source(%arg11 : memref<64x128xf32, #tpu.memory_space<vmem>>) target(%dma_start3A_338 : memref<10240x128xf32, #tpu.memory_space<vmem_shared>>) offsets(%dma_start3A_335 : memref<64xi32, #tpu.memory_space<vmem>>) semaphore(%run_scoped3A_332 : memref<!tpu.dma_semaphore, #tpu.memory_space<semaphore_mem>>) {add = true}
        %dma_wait3A_339 = arith.constant 0 : i32
        %dma_wait3A_340 = tpu.memref_slice %arg9[%rem3A_80, %run_scoped3A_163, %dma_wait3A_339] : memref<2x16x64xi32, #tpu.memory_space<vmem>> -> memref<1x1x64xi32, #tpu.memory_space<vmem>>
        %dma_wait3A_341 = tpu.memref_squeeze %dma_wait3A_340 : memref<1x1x64xi32, #tpu.memory_space<vmem>> -> memref<64xi32, #tpu.memory_space<vmem>>
        %dma_wait3A_342 = arith.constant 0 : i32
        %dma_wait3A_343 = arith.constant 0 : i32
        %dma_wait3A_344 = tpu.memref_slice %arg7[%dma_wait3A_342, %dma_wait3A_343] : memref<10240x128xf32, #tpu.memory_space<vmem_shared>> -> memref<10240x128xf32, #tpu.memory_space<vmem_shared>>
        tpu.wait_indirect_dma semaphore(%run_scoped3A_332 : memref<!tpu.dma_semaphore, #tpu.memory_space<semaphore_mem>>) src(%arg11 : memref<64x128xf32, #tpu.memory_space<vmem>>) dst(%dma_wait3A_344 : memref<10240x128xf32, #tpu.memory_space<vmem_shared>>)
        tpu.yield
      }) : () -> ()
      %dma_start3A_164 = arith.constant 9 : i32
      %dma_start3A_165 = arith.constant 0 : i32
      %dma_start3A_166 = tpu.memref_slice %arg8[%rem3A_80, %dma_start3A_164, %dma_start3A_165] : memref<2x16x64xi32, #tpu.memory_space<vmem>> -> memref<1x1x64xi32, #tpu.memory_space<vmem>>
      %dma_start3A_167 = tpu.memref_squeeze %dma_start3A_166 : memref<1x1x64xi32, #tpu.memory_space<vmem>> -> memref<64xi32, #tpu.memory_space<vmem>>
      %dma_start3A_168 = arith.constant 0 : i32
      %dma_start3A_169 = arith.constant 0 : i32
      %dma_start3A_170 = tpu.memref_slice %arg2[%dma_start3A_168, %dma_start3A_169] : memref<10000x128xf32, #tpu.memory_space<hbm>> -> memref<10000x128xf32, #tpu.memory_space<hbm>>
      tpu.enqueue_indirect_dma source(%dma_start3A_170 : memref<10000x128xf32, #tpu.memory_space<hbm>>) target(%arg11 : memref<64x128xf32, #tpu.memory_space<vmem>>) offsets(%dma_start3A_167 : memref<64xi32, #tpu.memory_space<vmem>>) semaphore(%arg15 : memref<!tpu.dma_semaphore, #tpu.memory_space<semaphore_mem>>)
      %dma_wait3A_171 = arith.constant 6 : i32
      %dma_wait3A_172 = arith.constant 0 : i32
      %dma_wait3A_173 = tpu.memref_slice %arg8[%rem3A_80, %dma_wait3A_171, %dma_wait3A_172] : memref<2x16x64xi32, #tpu.memory_space<vmem>> -> memref<1x1x64xi32, #tpu.memory_space<vmem>>
      %dma_wait3A_174 = tpu.memref_squeeze %dma_wait3A_173 : memref<1x1x64xi32, #tpu.memory_space<vmem>> -> memref<64xi32, #tpu.memory_space<vmem>>
      %dma_wait3A_175 = arith.constant 0 : i32
      %dma_wait3A_176 = arith.constant 0 : i32
      %dma_wait3A_177 = tpu.memref_slice %arg2[%dma_wait3A_175, %dma_wait3A_176] : memref<10000x128xf32, #tpu.memory_space<hbm>> -> memref<10000x128xf32, #tpu.memory_space<hbm>>
      tpu.wait_indirect_dma semaphore(%arg16 : memref<!tpu.dma_semaphore, #tpu.memory_space<semaphore_mem>>) src(%dma_wait3A_177 : memref<10000x128xf32, #tpu.memory_space<hbm>>) dst(%arg12 : memref<64x128xf32, #tpu.memory_space<vmem>>)
      %run_scoped3A_178 = arith.constant 6 : i32
      "tpu.region"() ({
        %run_scoped3A_332 = tpu.sem_alloc : memref<!tpu.dma_semaphore, #tpu.memory_space<semaphore_mem>>
        %dma_start3A_333 = arith.constant 0 : i32
        %dma_start3A_334 = tpu.memref_slice %arg9[%rem3A_80, %run_scoped3A_178, %dma_start3A_333] : memref<2x16x64xi32, #tpu.memory_space<vmem>> -> memref<1x1x64xi32, #tpu.memory_space<vmem>>
        %dma_start3A_335 = tpu.memref_squeeze %dma_start3A_334 : memref<1x1x64xi32, #tpu.memory_space<vmem>> -> memref<64xi32, #tpu.memory_space<vmem>>
        %dma_start3A_336 = arith.constant 0 : i32
        %dma_start3A_337 = arith.constant 0 : i32
        %dma_start3A_338 = tpu.memref_slice %arg7[%dma_start3A_336, %dma_start3A_337] : memref<10240x128xf32, #tpu.memory_space<vmem_shared>> -> memref<10240x128xf32, #tpu.memory_space<vmem_shared>>
        tpu.enqueue_indirect_dma source(%arg12 : memref<64x128xf32, #tpu.memory_space<vmem>>) target(%dma_start3A_338 : memref<10240x128xf32, #tpu.memory_space<vmem_shared>>) offsets(%dma_start3A_335 : memref<64xi32, #tpu.memory_space<vmem>>) semaphore(%run_scoped3A_332 : memref<!tpu.dma_semaphore, #tpu.memory_space<semaphore_mem>>) {add = true}
        %dma_wait3A_339 = arith.constant 0 : i32
        %dma_wait3A_340 = tpu.memref_slice %arg9[%rem3A_80, %run_scoped3A_178, %dma_wait3A_339] : memref<2x16x64xi32, #tpu.memory_space<vmem>> -> memref<1x1x64xi32, #tpu.memory_space<vmem>>
        %dma_wait3A_341 = tpu.memref_squeeze %dma_wait3A_340 : memref<1x1x64xi32, #tpu.memory_space<vmem>> -> memref<64xi32, #tpu.memory_space<vmem>>
        %dma_wait3A_342 = arith.constant 0 : i32
        %dma_wait3A_343 = arith.constant 0 : i32
        %dma_wait3A_344 = tpu.memref_slice %arg7[%dma_wait3A_342, %dma_wait3A_343] : memref<10240x128xf32, #tpu.memory_space<vmem_shared>> -> memref<10240x128xf32, #tpu.memory_space<vmem_shared>>
        tpu.wait_indirect_dma semaphore(%run_scoped3A_332 : memref<!tpu.dma_semaphore, #tpu.memory_space<semaphore_mem>>) src(%arg12 : memref<64x128xf32, #tpu.memory_space<vmem>>) dst(%dma_wait3A_344 : memref<10240x128xf32, #tpu.memory_space<vmem_shared>>)
        tpu.yield
      }) : () -> ()
      %dma_start3A_179 = arith.constant 10 : i32
      %dma_start3A_180 = arith.constant 0 : i32
      %dma_start3A_181 = tpu.memref_slice %arg8[%rem3A_80, %dma_start3A_179, %dma_start3A_180] : memref<2x16x64xi32, #tpu.memory_space<vmem>> -> memref<1x1x64xi32, #tpu.memory_space<vmem>>
      %dma_start3A_182 = tpu.memref_squeeze %dma_start3A_181 : memref<1x1x64xi32, #tpu.memory_space<vmem>> -> memref<64xi32, #tpu.memory_space<vmem>>
      %dma_start3A_183 = arith.constant 0 : i32
      %dma_start3A_184 = arith.constant 0 : i32
      %dma_start3A_185 = tpu.memref_slice %arg2[%dma_start3A_183, %dma_start3A_184] : memref<10000x128xf32, #tpu.memory_space<hbm>> -> memref<10000x128xf32, #tpu.memory_space<hbm>>
      tpu.enqueue_indirect_dma source(%dma_start3A_185 : memref<10000x128xf32, #tpu.memory_space<hbm>>) target(%arg12 : memref<64x128xf32, #tpu.memory_space<vmem>>) offsets(%dma_start3A_182 : memref<64xi32, #tpu.memory_space<vmem>>) semaphore(%arg16 : memref<!tpu.dma_semaphore, #tpu.memory_space<semaphore_mem>>)
      %dma_wait3A_186 = arith.constant 7 : i32
      %dma_wait3A_187 = arith.constant 0 : i32
      %dma_wait3A_188 = tpu.memref_slice %arg8[%rem3A_80, %dma_wait3A_186, %dma_wait3A_187] : memref<2x16x64xi32, #tpu.memory_space<vmem>> -> memref<1x1x64xi32, #tpu.memory_space<vmem>>
      %dma_wait3A_189 = tpu.memref_squeeze %dma_wait3A_188 : memref<1x1x64xi32, #tpu.memory_space<vmem>> -> memref<64xi32, #tpu.memory_space<vmem>>
      %dma_wait3A_190 = arith.constant 0 : i32
      %dma_wait3A_191 = arith.constant 0 : i32
      %dma_wait3A_192 = tpu.memref_slice %arg2[%dma_wait3A_190, %dma_wait3A_191] : memref<10000x128xf32, #tpu.memory_space<hbm>> -> memref<10000x128xf32, #tpu.memory_space<hbm>>
      tpu.wait_indirect_dma semaphore(%arg17 : memref<!tpu.dma_semaphore, #tpu.memory_space<semaphore_mem>>) src(%dma_wait3A_192 : memref<10000x128xf32, #tpu.memory_space<hbm>>) dst(%arg13 : memref<64x128xf32, #tpu.memory_space<vmem>>)
      %run_scoped3A_193 = arith.constant 7 : i32
      "tpu.region"() ({
        %run_scoped3A_332 = tpu.sem_alloc : memref<!tpu.dma_semaphore, #tpu.memory_space<semaphore_mem>>
        %dma_start3A_333 = arith.constant 0 : i32
        %dma_start3A_334 = tpu.memref_slice %arg9[%rem3A_80, %run_scoped3A_193, %dma_start3A_333] : memref<2x16x64xi32, #tpu.memory_space<vmem>> -> memref<1x1x64xi32, #tpu.memory_space<vmem>>
        %dma_start3A_335 = tpu.memref_squeeze %dma_start3A_334 : memref<1x1x64xi32, #tpu.memory_space<vmem>> -> memref<64xi32, #tpu.memory_space<vmem>>
        %dma_start3A_336 = arith.constant 0 : i32
        %dma_start3A_337 = arith.constant 0 : i32
        %dma_start3A_338 = tpu.memref_slice %arg7[%dma_start3A_336, %dma_start3A_337] : memref<10240x128xf32, #tpu.memory_space<vmem_shared>> -> memref<10240x128xf32, #tpu.memory_space<vmem_shared>>
        tpu.enqueue_indirect_dma source(%arg13 : memref<64x128xf32, #tpu.memory_space<vmem>>) target(%dma_start3A_338 : memref<10240x128xf32, #tpu.memory_space<vmem_shared>>) offsets(%dma_start3A_335 : memref<64xi32, #tpu.memory_space<vmem>>) semaphore(%run_scoped3A_332 : memref<!tpu.dma_semaphore, #tpu.memory_space<semaphore_mem>>) {add = true}
        %dma_wait3A_339 = arith.constant 0 : i32
        %dma_wait3A_340 = tpu.memref_slice %arg9[%rem3A_80, %run_scoped3A_193, %dma_wait3A_339] : memref<2x16x64xi32, #tpu.memory_space<vmem>> -> memref<1x1x64xi32, #tpu.memory_space<vmem>>
        %dma_wait3A_341 = tpu.memref_squeeze %dma_wait3A_340 : memref<1x1x64xi32, #tpu.memory_space<vmem>> -> memref<64xi32, #tpu.memory_space<vmem>>
        %dma_wait3A_342 = arith.constant 0 : i32
        %dma_wait3A_343 = arith.constant 0 : i32
        %dma_wait3A_344 = tpu.memref_slice %arg7[%dma_wait3A_342, %dma_wait3A_343] : memref<10240x128xf32, #tpu.memory_space<vmem_shared>> -> memref<10240x128xf32, #tpu.memory_space<vmem_shared>>
        tpu.wait_indirect_dma semaphore(%run_scoped3A_332 : memref<!tpu.dma_semaphore, #tpu.memory_space<semaphore_mem>>) src(%arg13 : memref<64x128xf32, #tpu.memory_space<vmem>>) dst(%dma_wait3A_344 : memref<10240x128xf32, #tpu.memory_space<vmem_shared>>)
        tpu.yield
      }) : () -> ()
      %dma_start3A_194 = arith.constant 11 : i32
      %dma_start3A_195 = arith.constant 0 : i32
      %dma_start3A_196 = tpu.memref_slice %arg8[%rem3A_80, %dma_start3A_194, %dma_start3A_195] : memref<2x16x64xi32, #tpu.memory_space<vmem>> -> memref<1x1x64xi32, #tpu.memory_space<vmem>>
      %dma_start3A_197 = tpu.memref_squeeze %dma_start3A_196 : memref<1x1x64xi32, #tpu.memory_space<vmem>> -> memref<64xi32, #tpu.memory_space<vmem>>
      %dma_start3A_198 = arith.constant 0 : i32
      %dma_start3A_199 = arith.constant 0 : i32
      %dma_start3A_200 = tpu.memref_slice %arg2[%dma_start3A_198, %dma_start3A_199] : memref<10000x128xf32, #tpu.memory_space<hbm>> -> memref<10000x128xf32, #tpu.memory_space<hbm>>
      tpu.enqueue_indirect_dma source(%dma_start3A_200 : memref<10000x128xf32, #tpu.memory_space<hbm>>) target(%arg13 : memref<64x128xf32, #tpu.memory_space<vmem>>) offsets(%dma_start3A_197 : memref<64xi32, #tpu.memory_space<vmem>>) semaphore(%arg17 : memref<!tpu.dma_semaphore, #tpu.memory_space<semaphore_mem>>)
      %dma_wait3A_201 = arith.constant 8 : i32
      %dma_wait3A_202 = arith.constant 0 : i32
      %dma_wait3A_203 = tpu.memref_slice %arg8[%rem3A_80, %dma_wait3A_201, %dma_wait3A_202] : memref<2x16x64xi32, #tpu.memory_space<vmem>> -> memref<1x1x64xi32, #tpu.memory_space<vmem>>
      %dma_wait3A_204 = tpu.memref_squeeze %dma_wait3A_203 : memref<1x1x64xi32, #tpu.memory_space<vmem>> -> memref<64xi32, #tpu.memory_space<vmem>>
      %dma_wait3A_205 = arith.constant 0 : i32
      %dma_wait3A_206 = arith.constant 0 : i32
      %dma_wait3A_207 = tpu.memref_slice %arg2[%dma_wait3A_205, %dma_wait3A_206] : memref<10000x128xf32, #tpu.memory_space<hbm>> -> memref<10000x128xf32, #tpu.memory_space<hbm>>
      tpu.wait_indirect_dma semaphore(%arg14 : memref<!tpu.dma_semaphore, #tpu.memory_space<semaphore_mem>>) src(%dma_wait3A_207 : memref<10000x128xf32, #tpu.memory_space<hbm>>) dst(%arg10 : memref<64x128xf32, #tpu.memory_space<vmem>>)
      %run_scoped3A_208 = arith.constant 8 : i32
      "tpu.region"() ({
        %run_scoped3A_332 = tpu.sem_alloc : memref<!tpu.dma_semaphore, #tpu.memory_space<semaphore_mem>>
        %dma_start3A_333 = arith.constant 0 : i32
        %dma_start3A_334 = tpu.memref_slice %arg9[%rem3A_80, %run_scoped3A_208, %dma_start3A_333] : memref<2x16x64xi32, #tpu.memory_space<vmem>> -> memref<1x1x64xi32, #tpu.memory_space<vmem>>
        %dma_start3A_335 = tpu.memref_squeeze %dma_start3A_334 : memref<1x1x64xi32, #tpu.memory_space<vmem>> -> memref<64xi32, #tpu.memory_space<vmem>>
        %dma_start3A_336 = arith.constant 0 : i32
        %dma_start3A_337 = arith.constant 0 : i32
        %dma_start3A_338 = tpu.memref_slice %arg7[%dma_start3A_336, %dma_start3A_337] : memref<10240x128xf32, #tpu.memory_space<vmem_shared>> -> memref<10240x128xf32, #tpu.memory_space<vmem_shared>>
        tpu.enqueue_indirect_dma source(%arg10 : memref<64x128xf32, #tpu.memory_space<vmem>>) target(%dma_start3A_338 : memref<10240x128xf32, #tpu.memory_space<vmem_shared>>) offsets(%dma_start3A_335 : memref<64xi32, #tpu.memory_space<vmem>>) semaphore(%run_scoped3A_332 : memref<!tpu.dma_semaphore, #tpu.memory_space<semaphore_mem>>) {add = true}
        %dma_wait3A_339 = arith.constant 0 : i32
        %dma_wait3A_340 = tpu.memref_slice %arg9[%rem3A_80, %run_scoped3A_208, %dma_wait3A_339] : memref<2x16x64xi32, #tpu.memory_space<vmem>> -> memref<1x1x64xi32, #tpu.memory_space<vmem>>
        %dma_wait3A_341 = tpu.memref_squeeze %dma_wait3A_340 : memref<1x1x64xi32, #tpu.memory_space<vmem>> -> memref<64xi32, #tpu.memory_space<vmem>>
        %dma_wait3A_342 = arith.constant 0 : i32
        %dma_wait3A_343 = arith.constant 0 : i32
        %dma_wait3A_344 = tpu.memref_slice %arg7[%dma_wait3A_342, %dma_wait3A_343] : memref<10240x128xf32, #tpu.memory_space<vmem_shared>> -> memref<10240x128xf32, #tpu.memory_space<vmem_shared>>
        tpu.wait_indirect_dma semaphore(%run_scoped3A_332 : memref<!tpu.dma_semaphore, #tpu.memory_space<semaphore_mem>>) src(%arg10 : memref<64x128xf32, #tpu.memory_space<vmem>>) dst(%dma_wait3A_344 : memref<10240x128xf32, #tpu.memory_space<vmem_shared>>)
        tpu.yield
      }) : () -> ()
      %dma_start3A_209 = arith.constant 12 : i32
      %dma_start3A_210 = arith.constant 0 : i32
      %dma_start3A_211 = tpu.memref_slice %arg8[%rem3A_80, %dma_start3A_209, %dma_start3A_210] : memref<2x16x64xi32, #tpu.memory_space<vmem>> -> memref<1x1x64xi32, #tpu.memory_space<vmem>>
      %dma_start3A_212 = tpu.memref_squeeze %dma_start3A_211 : memref<1x1x64xi32, #tpu.memory_space<vmem>> -> memref<64xi32, #tpu.memory_space<vmem>>
      %dma_start3A_213 = arith.constant 0 : i32
      %dma_start3A_214 = arith.constant 0 : i32
      %dma_start3A_215 = tpu.memref_slice %arg2[%dma_start3A_213, %dma_start3A_214] : memref<10000x128xf32, #tpu.memory_space<hbm>> -> memref<10000x128xf32, #tpu.memory_space<hbm>>
      tpu.enqueue_indirect_dma source(%dma_start3A_215 : memref<10000x128xf32, #tpu.memory_space<hbm>>) target(%arg10 : memref<64x128xf32, #tpu.memory_space<vmem>>) offsets(%dma_start3A_212 : memref<64xi32, #tpu.memory_space<vmem>>) semaphore(%arg14 : memref<!tpu.dma_semaphore, #tpu.memory_space<semaphore_mem>>)
      %dma_wait3A_216 = arith.constant 9 : i32
      %dma_wait3A_217 = arith.constant 0 : i32
      %dma_wait3A_218 = tpu.memref_slice %arg8[%rem3A_80, %dma_wait3A_216, %dma_wait3A_217] : memref<2x16x64xi32, #tpu.memory_space<vmem>> -> memref<1x1x64xi32, #tpu.memory_space<vmem>>
      %dma_wait3A_219 = tpu.memref_squeeze %dma_wait3A_218 : memref<1x1x64xi32, #tpu.memory_space<vmem>> -> memref<64xi32, #tpu.memory_space<vmem>>
      %dma_wait3A_220 = arith.constant 0 : i32
      %dma_wait3A_221 = arith.constant 0 : i32
      %dma_wait3A_222 = tpu.memref_slice %arg2[%dma_wait3A_220, %dma_wait3A_221] : memref<10000x128xf32, #tpu.memory_space<hbm>> -> memref<10000x128xf32, #tpu.memory_space<hbm>>
      tpu.wait_indirect_dma semaphore(%arg15 : memref<!tpu.dma_semaphore, #tpu.memory_space<semaphore_mem>>) src(%dma_wait3A_222 : memref<10000x128xf32, #tpu.memory_space<hbm>>) dst(%arg11 : memref<64x128xf32, #tpu.memory_space<vmem>>)
      %run_scoped3A_223 = arith.constant 9 : i32
      "tpu.region"() ({
        %run_scoped3A_332 = tpu.sem_alloc : memref<!tpu.dma_semaphore, #tpu.memory_space<semaphore_mem>>
        %dma_start3A_333 = arith.constant 0 : i32
        %dma_start3A_334 = tpu.memref_slice %arg9[%rem3A_80, %run_scoped3A_223, %dma_start3A_333] : memref<2x16x64xi32, #tpu.memory_space<vmem>> -> memref<1x1x64xi32, #tpu.memory_space<vmem>>
        %dma_start3A_335 = tpu.memref_squeeze %dma_start3A_334 : memref<1x1x64xi32, #tpu.memory_space<vmem>> -> memref<64xi32, #tpu.memory_space<vmem>>
        %dma_start3A_336 = arith.constant 0 : i32
        %dma_start3A_337 = arith.constant 0 : i32
        %dma_start3A_338 = tpu.memref_slice %arg7[%dma_start3A_336, %dma_start3A_337] : memref<10240x128xf32, #tpu.memory_space<vmem_shared>> -> memref<10240x128xf32, #tpu.memory_space<vmem_shared>>
        tpu.enqueue_indirect_dma source(%arg11 : memref<64x128xf32, #tpu.memory_space<vmem>>) target(%dma_start3A_338 : memref<10240x128xf32, #tpu.memory_space<vmem_shared>>) offsets(%dma_start3A_335 : memref<64xi32, #tpu.memory_space<vmem>>) semaphore(%run_scoped3A_332 : memref<!tpu.dma_semaphore, #tpu.memory_space<semaphore_mem>>) {add = true}
        %dma_wait3A_339 = arith.constant 0 : i32
        %dma_wait3A_340 = tpu.memref_slice %arg9[%rem3A_80, %run_scoped3A_223, %dma_wait3A_339] : memref<2x16x64xi32, #tpu.memory_space<vmem>> -> memref<1x1x64xi32, #tpu.memory_space<vmem>>
        %dma_wait3A_341 = tpu.memref_squeeze %dma_wait3A_340 : memref<1x1x64xi32, #tpu.memory_space<vmem>> -> memref<64xi32, #tpu.memory_space<vmem>>
        %dma_wait3A_342 = arith.constant 0 : i32
        %dma_wait3A_343 = arith.constant 0 : i32
        %dma_wait3A_344 = tpu.memref_slice %arg7[%dma_wait3A_342, %dma_wait3A_343] : memref<10240x128xf32, #tpu.memory_space<vmem_shared>> -> memref<10240x128xf32, #tpu.memory_space<vmem_shared>>
        tpu.wait_indirect_dma semaphore(%run_scoped3A_332 : memref<!tpu.dma_semaphore, #tpu.memory_space<semaphore_mem>>) src(%arg11 : memref<64x128xf32, #tpu.memory_space<vmem>>) dst(%dma_wait3A_344 : memref<10240x128xf32, #tpu.memory_space<vmem_shared>>)
        tpu.yield
      }) : () -> ()
      %dma_start3A_224 = arith.constant 13 : i32
      %dma_start3A_225 = arith.constant 0 : i32
      %dma_start3A_226 = tpu.memref_slice %arg8[%rem3A_80, %dma_start3A_224, %dma_start3A_225] : memref<2x16x64xi32, #tpu.memory_space<vmem>> -> memref<1x1x64xi32, #tpu.memory_space<vmem>>
      %dma_start3A_227 = tpu.memref_squeeze %dma_start3A_226 : memref<1x1x64xi32, #tpu.memory_space<vmem>> -> memref<64xi32, #tpu.memory_space<vmem>>
      %dma_start3A_228 = arith.constant 0 : i32
      %dma_start3A_229 = arith.constant 0 : i32
      %dma_start3A_230 = tpu.memref_slice %arg2[%dma_start3A_228, %dma_start3A_229] : memref<10000x128xf32, #tpu.memory_space<hbm>> -> memref<10000x128xf32, #tpu.memory_space<hbm>>
      tpu.enqueue_indirect_dma source(%dma_start3A_230 : memref<10000x128xf32, #tpu.memory_space<hbm>>) target(%arg11 : memref<64x128xf32, #tpu.memory_space<vmem>>) offsets(%dma_start3A_227 : memref<64xi32, #tpu.memory_space<vmem>>) semaphore(%arg15 : memref<!tpu.dma_semaphore, #tpu.memory_space<semaphore_mem>>)
      %dma_wait3A_231 = arith.constant 10 : i32
      %dma_wait3A_232 = arith.constant 0 : i32
      %dma_wait3A_233 = tpu.memref_slice %arg8[%rem3A_80, %dma_wait3A_231, %dma_wait3A_232] : memref<2x16x64xi32, #tpu.memory_space<vmem>> -> memref<1x1x64xi32, #tpu.memory_space<vmem>>
      %dma_wait3A_234 = tpu.memref_squeeze %dma_wait3A_233 : memref<1x1x64xi32, #tpu.memory_space<vmem>> -> memref<64xi32, #tpu.memory_space<vmem>>
      %dma_wait3A_235 = arith.constant 0 : i32
      %dma_wait3A_236 = arith.constant 0 : i32
      %dma_wait3A_237 = tpu.memref_slice %arg2[%dma_wait3A_235, %dma_wait3A_236] : memref<10000x128xf32, #tpu.memory_space<hbm>> -> memref<10000x128xf32, #tpu.memory_space<hbm>>
      tpu.wait_indirect_dma semaphore(%arg16 : memref<!tpu.dma_semaphore, #tpu.memory_space<semaphore_mem>>) src(%dma_wait3A_237 : memref<10000x128xf32, #tpu.memory_space<hbm>>) dst(%arg12 : memref<64x128xf32, #tpu.memory_space<vmem>>)
      %run_scoped3A_238 = arith.constant 10 : i32
      "tpu.region"() ({
        %run_scoped3A_332 = tpu.sem_alloc : memref<!tpu.dma_semaphore, #tpu.memory_space<semaphore_mem>>
        %dma_start3A_333 = arith.constant 0 : i32
        %dma_start3A_334 = tpu.memref_slice %arg9[%rem3A_80, %run_scoped3A_238, %dma_start3A_333] : memref<2x16x64xi32, #tpu.memory_space<vmem>> -> memref<1x1x64xi32, #tpu.memory_space<vmem>>
        %dma_start3A_335 = tpu.memref_squeeze %dma_start3A_334 : memref<1x1x64xi32, #tpu.memory_space<vmem>> -> memref<64xi32, #tpu.memory_space<vmem>>
        %dma_start3A_336 = arith.constant 0 : i32
        %dma_start3A_337 = arith.constant 0 : i32
        %dma_start3A_338 = tpu.memref_slice %arg7[%dma_start3A_336, %dma_start3A_337] : memref<10240x128xf32, #tpu.memory_space<vmem_shared>> -> memref<10240x128xf32, #tpu.memory_space<vmem_shared>>
        tpu.enqueue_indirect_dma source(%arg12 : memref<64x128xf32, #tpu.memory_space<vmem>>) target(%dma_start3A_338 : memref<10240x128xf32, #tpu.memory_space<vmem_shared>>) offsets(%dma_start3A_335 : memref<64xi32, #tpu.memory_space<vmem>>) semaphore(%run_scoped3A_332 : memref<!tpu.dma_semaphore, #tpu.memory_space<semaphore_mem>>) {add = true}
        %dma_wait3A_339 = arith.constant 0 : i32
        %dma_wait3A_340 = tpu.memref_slice %arg9[%rem3A_80, %run_scoped3A_238, %dma_wait3A_339] : memref<2x16x64xi32, #tpu.memory_space<vmem>> -> memref<1x1x64xi32, #tpu.memory_space<vmem>>
        %dma_wait3A_341 = tpu.memref_squeeze %dma_wait3A_340 : memref<1x1x64xi32, #tpu.memory_space<vmem>> -> memref<64xi32, #tpu.memory_space<vmem>>
        %dma_wait3A_342 = arith.constant 0 : i32
        %dma_wait3A_343 = arith.constant 0 : i32
        %dma_wait3A_344 = tpu.memref_slice %arg7[%dma_wait3A_342, %dma_wait3A_343] : memref<10240x128xf32, #tpu.memory_space<vmem_shared>> -> memref<10240x128xf32, #tpu.memory_space<vmem_shared>>
        tpu.wait_indirect_dma semaphore(%run_scoped3A_332 : memref<!tpu.dma_semaphore, #tpu.memory_space<semaphore_mem>>) src(%arg12 : memref<64x128xf32, #tpu.memory_space<vmem>>) dst(%dma_wait3A_344 : memref<10240x128xf32, #tpu.memory_space<vmem_shared>>)
        tpu.yield
      }) : () -> ()
      %dma_start3A_239 = arith.constant 14 : i32
      %dma_start3A_240 = arith.constant 0 : i32
      %dma_start3A_241 = tpu.memref_slice %arg8[%rem3A_80, %dma_start3A_239, %dma_start3A_240] : memref<2x16x64xi32, #tpu.memory_space<vmem>> -> memref<1x1x64xi32, #tpu.memory_space<vmem>>
      %dma_start3A_242 = tpu.memref_squeeze %dma_start3A_241 : memref<1x1x64xi32, #tpu.memory_space<vmem>> -> memref<64xi32, #tpu.memory_space<vmem>>
      %dma_start3A_243 = arith.constant 0 : i32
      %dma_start3A_244 = arith.constant 0 : i32
      %dma_start3A_245 = tpu.memref_slice %arg2[%dma_start3A_243, %dma_start3A_244] : memref<10000x128xf32, #tpu.memory_space<hbm>> -> memref<10000x128xf32, #tpu.memory_space<hbm>>
      tpu.enqueue_indirect_dma source(%dma_start3A_245 : memref<10000x128xf32, #tpu.memory_space<hbm>>) target(%arg12 : memref<64x128xf32, #tpu.memory_space<vmem>>) offsets(%dma_start3A_242 : memref<64xi32, #tpu.memory_space<vmem>>) semaphore(%arg16 : memref<!tpu.dma_semaphore, #tpu.memory_space<semaphore_mem>>)
      %dma_wait3A_246 = arith.constant 11 : i32
      %dma_wait3A_247 = arith.constant 0 : i32
      %dma_wait3A_248 = tpu.memref_slice %arg8[%rem3A_80, %dma_wait3A_246, %dma_wait3A_247] : memref<2x16x64xi32, #tpu.memory_space<vmem>> -> memref<1x1x64xi32, #tpu.memory_space<vmem>>
      %dma_wait3A_249 = tpu.memref_squeeze %dma_wait3A_248 : memref<1x1x64xi32, #tpu.memory_space<vmem>> -> memref<64xi32, #tpu.memory_space<vmem>>
      %dma_wait3A_250 = arith.constant 0 : i32
      %dma_wait3A_251 = arith.constant 0 : i32
      %dma_wait3A_252 = tpu.memref_slice %arg2[%dma_wait3A_250, %dma_wait3A_251] : memref<10000x128xf32, #tpu.memory_space<hbm>> -> memref<10000x128xf32, #tpu.memory_space<hbm>>
      tpu.wait_indirect_dma semaphore(%arg17 : memref<!tpu.dma_semaphore, #tpu.memory_space<semaphore_mem>>) src(%dma_wait3A_252 : memref<10000x128xf32, #tpu.memory_space<hbm>>) dst(%arg13 : memref<64x128xf32, #tpu.memory_space<vmem>>)
      %run_scoped3A_253 = arith.constant 11 : i32
      "tpu.region"() ({
        %run_scoped3A_332 = tpu.sem_alloc : memref<!tpu.dma_semaphore, #tpu.memory_space<semaphore_mem>>
        %dma_start3A_333 = arith.constant 0 : i32
        %dma_start3A_334 = tpu.memref_slice %arg9[%rem3A_80, %run_scoped3A_253, %dma_start3A_333] : memref<2x16x64xi32, #tpu.memory_space<vmem>> -> memref<1x1x64xi32, #tpu.memory_space<vmem>>
        %dma_start3A_335 = tpu.memref_squeeze %dma_start3A_334 : memref<1x1x64xi32, #tpu.memory_space<vmem>> -> memref<64xi32, #tpu.memory_space<vmem>>
        %dma_start3A_336 = arith.constant 0 : i32
        %dma_start3A_337 = arith.constant 0 : i32
        %dma_start3A_338 = tpu.memref_slice %arg7[%dma_start3A_336, %dma_start3A_337] : memref<10240x128xf32, #tpu.memory_space<vmem_shared>> -> memref<10240x128xf32, #tpu.memory_space<vmem_shared>>
        tpu.enqueue_indirect_dma source(%arg13 : memref<64x128xf32, #tpu.memory_space<vmem>>) target(%dma_start3A_338 : memref<10240x128xf32, #tpu.memory_space<vmem_shared>>) offsets(%dma_start3A_335 : memref<64xi32, #tpu.memory_space<vmem>>) semaphore(%run_scoped3A_332 : memref<!tpu.dma_semaphore, #tpu.memory_space<semaphore_mem>>) {add = true}
        %dma_wait3A_339 = arith.constant 0 : i32
        %dma_wait3A_340 = tpu.memref_slice %arg9[%rem3A_80, %run_scoped3A_253, %dma_wait3A_339] : memref<2x16x64xi32, #tpu.memory_space<vmem>> -> memref<1x1x64xi32, #tpu.memory_space<vmem>>
        %dma_wait3A_341 = tpu.memref_squeeze %dma_wait3A_340 : memref<1x1x64xi32, #tpu.memory_space<vmem>> -> memref<64xi32, #tpu.memory_space<vmem>>
        %dma_wait3A_342 = arith.constant 0 : i32
        %dma_wait3A_343 = arith.constant 0 : i32
        %dma_wait3A_344 = tpu.memref_slice %arg7[%dma_wait3A_342, %dma_wait3A_343] : memref<10240x128xf32, #tpu.memory_space<vmem_shared>> -> memref<10240x128xf32, #tpu.memory_space<vmem_shared>>
        tpu.wait_indirect_dma semaphore(%run_scoped3A_332 : memref<!tpu.dma_semaphore, #tpu.memory_space<semaphore_mem>>) src(%arg13 : memref<64x128xf32, #tpu.memory_space<vmem>>) dst(%dma_wait3A_344 : memref<10240x128xf32, #tpu.memory_space<vmem_shared>>)
        tpu.yield
      }) : () -> ()
      %dma_start3A_254 = arith.constant 15 : i32
      %dma_start3A_255 = arith.constant 0 : i32
      %dma_start3A_256 = tpu.memref_slice %arg8[%rem3A_80, %dma_start3A_254, %dma_start3A_255] : memref<2x16x64xi32, #tpu.memory_space<vmem>> -> memref<1x1x64xi32, #tpu.memory_space<vmem>>
      %dma_start3A_257 = tpu.memref_squeeze %dma_start3A_256 : memref<1x1x64xi32, #tpu.memory_space<vmem>> -> memref<64xi32, #tpu.memory_space<vmem>>
      %dma_start3A_258 = arith.constant 0 : i32
      %dma_start3A_259 = arith.constant 0 : i32
      %dma_start3A_260 = tpu.memref_slice %arg2[%dma_start3A_258, %dma_start3A_259] : memref<10000x128xf32, #tpu.memory_space<hbm>> -> memref<10000x128xf32, #tpu.memory_space<hbm>>
      tpu.enqueue_indirect_dma source(%dma_start3A_260 : memref<10000x128xf32, #tpu.memory_space<hbm>>) target(%arg13 : memref<64x128xf32, #tpu.memory_space<vmem>>) offsets(%dma_start3A_257 : memref<64xi32, #tpu.memory_space<vmem>>) semaphore(%arg17 : memref<!tpu.dma_semaphore, #tpu.memory_space<semaphore_mem>>)
      %dma_wait3A_261 = arith.constant 12 : i32
      %dma_wait3A_262 = arith.constant 0 : i32
      %dma_wait3A_263 = tpu.memref_slice %arg8[%rem3A_80, %dma_wait3A_261, %dma_wait3A_262] : memref<2x16x64xi32, #tpu.memory_space<vmem>> -> memref<1x1x64xi32, #tpu.memory_space<vmem>>
      %dma_wait3A_264 = tpu.memref_squeeze %dma_wait3A_263 : memref<1x1x64xi32, #tpu.memory_space<vmem>> -> memref<64xi32, #tpu.memory_space<vmem>>
      %dma_wait3A_265 = arith.constant 0 : i32
      %dma_wait3A_266 = arith.constant 0 : i32
      %dma_wait3A_267 = tpu.memref_slice %arg2[%dma_wait3A_265, %dma_wait3A_266] : memref<10000x128xf32, #tpu.memory_space<hbm>> -> memref<10000x128xf32, #tpu.memory_space<hbm>>
      tpu.wait_indirect_dma semaphore(%arg14 : memref<!tpu.dma_semaphore, #tpu.memory_space<semaphore_mem>>) src(%dma_wait3A_267 : memref<10000x128xf32, #tpu.memory_space<hbm>>) dst(%arg10 : memref<64x128xf32, #tpu.memory_space<vmem>>)
      %run_scoped3A_268 = arith.constant 12 : i32
      "tpu.region"() ({
        %run_scoped3A_332 = tpu.sem_alloc : memref<!tpu.dma_semaphore, #tpu.memory_space<semaphore_mem>>
        %dma_start3A_333 = arith.constant 0 : i32
        %dma_start3A_334 = tpu.memref_slice %arg9[%rem3A_80, %run_scoped3A_268, %dma_start3A_333] : memref<2x16x64xi32, #tpu.memory_space<vmem>> -> memref<1x1x64xi32, #tpu.memory_space<vmem>>
        %dma_start3A_335 = tpu.memref_squeeze %dma_start3A_334 : memref<1x1x64xi32, #tpu.memory_space<vmem>> -> memref<64xi32, #tpu.memory_space<vmem>>
        %dma_start3A_336 = arith.constant 0 : i32
        %dma_start3A_337 = arith.constant 0 : i32
        %dma_start3A_338 = tpu.memref_slice %arg7[%dma_start3A_336, %dma_start3A_337] : memref<10240x128xf32, #tpu.memory_space<vmem_shared>> -> memref<10240x128xf32, #tpu.memory_space<vmem_shared>>
        tpu.enqueue_indirect_dma source(%arg10 : memref<64x128xf32, #tpu.memory_space<vmem>>) target(%dma_start3A_338 : memref<10240x128xf32, #tpu.memory_space<vmem_shared>>) offsets(%dma_start3A_335 : memref<64xi32, #tpu.memory_space<vmem>>) semaphore(%run_scoped3A_332 : memref<!tpu.dma_semaphore, #tpu.memory_space<semaphore_mem>>) {add = true}
        %dma_wait3A_339 = arith.constant 0 : i32
        %dma_wait3A_340 = tpu.memref_slice %arg9[%rem3A_80, %run_scoped3A_268, %dma_wait3A_339] : memref<2x16x64xi32, #tpu.memory_space<vmem>> -> memref<1x1x64xi32, #tpu.memory_space<vmem>>
        %dma_wait3A_341 = tpu.memref_squeeze %dma_wait3A_340 : memref<1x1x64xi32, #tpu.memory_space<vmem>> -> memref<64xi32, #tpu.memory_space<vmem>>
        %dma_wait3A_342 = arith.constant 0 : i32
        %dma_wait3A_343 = arith.constant 0 : i32
        %dma_wait3A_344 = tpu.memref_slice %arg7[%dma_wait3A_342, %dma_wait3A_343] : memref<10240x128xf32, #tpu.memory_space<vmem_shared>> -> memref<10240x128xf32, #tpu.memory_space<vmem_shared>>
        tpu.wait_indirect_dma semaphore(%run_scoped3A_332 : memref<!tpu.dma_semaphore, #tpu.memory_space<semaphore_mem>>) src(%arg10 : memref<64x128xf32, #tpu.memory_space<vmem>>) dst(%dma_wait3A_344 : memref<10240x128xf32, #tpu.memory_space<vmem_shared>>)
        tpu.yield
      }) : () -> ()
      %add3A_269 = arith.constant 1 : i32
      %add3A_270 = arith.addi %scan3A_79, %add3A_269 : i32
      %lt3A = arith.constant 10 : i32
      %lt3A_271 = arith.cmpi slt, %add3A_270, %lt3A : i32
      %convert_element_type3A = arith.extui %lt3A_271 : i1 to i32
      %cond3A = arith.constant 0 : i32
      %cond3A_272 = arith.cmpi ne, %convert_element_type3A, %cond3A : i32
      scf.if %cond3A_272 {
        %add3A_332 = arith.constant 1 : i32
        %add3A_333 = arith.addi %scan3A_79, %add3A_332 : i32
        %dma_wait3A_334 = arith.constant 0 : i32
        %dma_wait3A_335 = arith.constant 0 : i32
        %dma_wait3A_336 = tpu.memref_slice %arg8[%sub3A_81, %dma_wait3A_334, %dma_wait3A_335] : memref<2x16x64xi32, #tpu.memory_space<vmem>> -> memref<1x16x64xi32, #tpu.memory_space<vmem>>
        %dma_wait3A_337 = tpu.memref_squeeze %dma_wait3A_336 : memref<1x16x64xi32, #tpu.memory_space<vmem>> -> memref<16x64xi32, #tpu.memory_space<vmem>>
        %dma_wait3A_338 = arith.constant 0 : i32
        %dma_wait3A_339 = arith.constant 0 : i32
        %dma_wait3A_340 = tpu.memref_slice %arg3[%add3A, %add3A_333, %dma_wait3A_338, %dma_wait3A_339] : memref<32x10x16x64xi32, #tpu.memory_space<hbm>> -> memref<1x1x16x64xi32, #tpu.memory_space<hbm>>
        %dma_wait3A_341 = tpu.memref_squeeze %dma_wait3A_340 : memref<1x1x16x64xi32, #tpu.memory_space<hbm>> -> memref<16x64xi32, #tpu.memory_space<hbm>>
        %dma_wait3A_342 = arith.constant 0 : i32
        %dma_wait3A_343 = arith.constant 0 : i32
        %dma_wait3A_344 = tpu.memref_slice %arg8[%sub3A_81, %dma_wait3A_342, %dma_wait3A_343] : memref<2x16x64xi32, #tpu.memory_space<vmem>> -> memref<1x16x64xi32, #tpu.memory_space<vmem>>
        %dma_wait3A_345 = tpu.memref_squeeze %dma_wait3A_344 : memref<1x16x64xi32, #tpu.memory_space<vmem>> -> memref<16x64xi32, #tpu.memory_space<vmem>>
        %dma_wait3A_346 = arith.constant 0 : i32
        %dma_wait3A_347 = arith.constant 0 : i32
        %dma_wait3A_348 = tpu.memref_slice %arg3[%add3A, %add3A_333, %dma_wait3A_346, %dma_wait3A_347] : memref<32x10x16x64xi32, #tpu.memory_space<hbm>> -> memref<1x1x16x64xi32, #tpu.memory_space<hbm>>
        %dma_wait3A_349 = tpu.memref_squeeze %dma_wait3A_348 : memref<1x1x16x64xi32, #tpu.memory_space<hbm>> -> memref<16x64xi32, #tpu.memory_space<hbm>>
        tpu.wait_dma2 semaphore(%arg18 : memref<!tpu.dma_semaphore, #tpu.memory_space<semaphore_mem>>) src(%dma_wait3A_349 : memref<16x64xi32, #tpu.memory_space<hbm>>) dst(%dma_wait3A_345 : memref<16x64xi32, #tpu.memory_space<vmem>>)
        %add3A_350 = arith.constant 1 : i32
        %add3A_351 = arith.addi %scan3A_79, %add3A_350 : i32
        %dma_wait3A_352 = arith.constant 0 : i32
        %dma_wait3A_353 = arith.constant 0 : i32
        %dma_wait3A_354 = tpu.memref_slice %arg9[%sub3A_81, %dma_wait3A_352, %dma_wait3A_353] : memref<2x16x64xi32, #tpu.memory_space<vmem>> -> memref<1x16x64xi32, #tpu.memory_space<vmem>>
        %dma_wait3A_355 = tpu.memref_squeeze %dma_wait3A_354 : memref<1x16x64xi32, #tpu.memory_space<vmem>> -> memref<16x64xi32, #tpu.memory_space<vmem>>
        %dma_wait3A_356 = arith.constant 0 : i32
        %dma_wait3A_357 = arith.constant 0 : i32
        %dma_wait3A_358 = tpu.memref_slice %arg4[%add3A, %add3A_351, %dma_wait3A_356, %dma_wait3A_357] : memref<32x10x16x64xi32, #tpu.memory_space<hbm>> -> memref<1x1x16x64xi32, #tpu.memory_space<hbm>>
        %dma_wait3A_359 = tpu.memref_squeeze %dma_wait3A_358 : memref<1x1x16x64xi32, #tpu.memory_space<hbm>> -> memref<16x64xi32, #tpu.memory_space<hbm>>
        %dma_wait3A_360 = arith.constant 0 : i32
        %dma_wait3A_361 = arith.constant 0 : i32
        %dma_wait3A_362 = tpu.memref_slice %arg9[%sub3A_81, %dma_wait3A_360, %dma_wait3A_361] : memref<2x16x64xi32, #tpu.memory_space<vmem>> -> memref<1x16x64xi32, #tpu.memory_space<vmem>>
        %dma_wait3A_363 = tpu.memref_squeeze %dma_wait3A_362 : memref<1x16x64xi32, #tpu.memory_space<vmem>> -> memref<16x64xi32, #tpu.memory_space<vmem>>
        %dma_wait3A_364 = arith.constant 0 : i32
        %dma_wait3A_365 = arith.constant 0 : i32
        %dma_wait3A_366 = tpu.memref_slice %arg4[%add3A, %add3A_351, %dma_wait3A_364, %dma_wait3A_365] : memref<32x10x16x64xi32, #tpu.memory_space<hbm>> -> memref<1x1x16x64xi32, #tpu.memory_space<hbm>>
        %dma_wait3A_367 = tpu.memref_squeeze %dma_wait3A_366 : memref<1x1x16x64xi32, #tpu.memory_space<hbm>> -> memref<16x64xi32, #tpu.memory_space<hbm>>
        tpu.wait_dma2 semaphore(%arg18 : memref<!tpu.dma_semaphore, #tpu.memory_space<semaphore_mem>>) src(%dma_wait3A_367 : memref<16x64xi32, #tpu.memory_space<hbm>>) dst(%dma_wait3A_363 : memref<16x64xi32, #tpu.memory_space<vmem>>)
      } else {
      }
      %add3A_273 = arith.constant 1 : i32
      %add3A_274 = arith.addi %scan3A_79, %add3A_273 : i32
      %lt3A_275 = arith.constant 10 : i32
      %lt3A_276 = arith.cmpi slt, %add3A_274, %lt3A_275 : i32
      %convert_element_type3A_277 = arith.extui %lt3A_276 : i1 to i32
      %cond3A_278 = arith.constant 0 : i32
      %cond3A_279 = arith.cmpi ne, %convert_element_type3A_277, %cond3A_278 : i32
      scf.if %cond3A_279 {
        %dma_start3A_332 = arith.constant 0 : i32
        %dma_start3A_333 = arith.constant 0 : i32
        %dma_start3A_334 = tpu.memref_slice %arg8[%sub3A_81, %dma_start3A_332, %dma_start3A_333] : memref<2x16x64xi32, #tpu.memory_space<vmem>> -> memref<1x1x64xi32, #tpu.memory_space<vmem>>
        %dma_start3A_335 = tpu.memref_squeeze %dma_start3A_334 : memref<1x1x64xi32, #tpu.memory_space<vmem>> -> memref<64xi32, #tpu.memory_space<vmem>>
        %dma_start3A_336 = arith.constant 0 : i32
        %dma_start3A_337 = arith.constant 0 : i32
        %dma_start3A_338 = tpu.memref_slice %arg2[%dma_start3A_336, %dma_start3A_337] : memref<10000x128xf32, #tpu.memory_space<hbm>> -> memref<10000x128xf32, #tpu.memory_space<hbm>>
        tpu.enqueue_indirect_dma source(%dma_start3A_338 : memref<10000x128xf32, #tpu.memory_space<hbm>>) target(%arg10 : memref<64x128xf32, #tpu.memory_space<vmem>>) offsets(%dma_start3A_335 : memref<64xi32, #tpu.memory_space<vmem>>) semaphore(%arg14 : memref<!tpu.dma_semaphore, #tpu.memory_space<semaphore_mem>>)
      } else {
      }
      %dma_wait3A_280 = arith.constant 13 : i32
      %dma_wait3A_281 = arith.constant 0 : i32
      %dma_wait3A_282 = tpu.memref_slice %arg8[%rem3A_80, %dma_wait3A_280, %dma_wait3A_281] : memref<2x16x64xi32, #tpu.memory_space<vmem>> -> memref<1x1x64xi32, #tpu.memory_space<vmem>>
      %dma_wait3A_283 = tpu.memref_squeeze %dma_wait3A_282 : memref<1x1x64xi32, #tpu.memory_space<vmem>> -> memref<64xi32, #tpu.memory_space<vmem>>
      %dma_wait3A_284 = arith.constant 0 : i32
      %dma_wait3A_285 = arith.constant 0 : i32
      %dma_wait3A_286 = tpu.memref_slice %arg2[%dma_wait3A_284, %dma_wait3A_285] : memref<10000x128xf32, #tpu.memory_space<hbm>> -> memref<10000x128xf32, #tpu.memory_space<hbm>>
      tpu.wait_indirect_dma semaphore(%arg15 : memref<!tpu.dma_semaphore, #tpu.memory_space<semaphore_mem>>) src(%dma_wait3A_286 : memref<10000x128xf32, #tpu.memory_space<hbm>>) dst(%arg11 : memref<64x128xf32, #tpu.memory_space<vmem>>)
      %run_scoped3A_287 = arith.constant 13 : i32
      "tpu.region"() ({
        %run_scoped3A_332 = tpu.sem_alloc : memref<!tpu.dma_semaphore, #tpu.memory_space<semaphore_mem>>
        %dma_start3A_333 = arith.constant 0 : i32
        %dma_start3A_334 = tpu.memref_slice %arg9[%rem3A_80, %run_scoped3A_287, %dma_start3A_333] : memref<2x16x64xi32, #tpu.memory_space<vmem>> -> memref<1x1x64xi32, #tpu.memory_space<vmem>>
        %dma_start3A_335 = tpu.memref_squeeze %dma_start3A_334 : memref<1x1x64xi32, #tpu.memory_space<vmem>> -> memref<64xi32, #tpu.memory_space<vmem>>
        %dma_start3A_336 = arith.constant 0 : i32
        %dma_start3A_337 = arith.constant 0 : i32
        %dma_start3A_338 = tpu.memref_slice %arg7[%dma_start3A_336, %dma_start3A_337] : memref<10240x128xf32, #tpu.memory_space<vmem_shared>> -> memref<10240x128xf32, #tpu.memory_space<vmem_shared>>
        tpu.enqueue_indirect_dma source(%arg11 : memref<64x128xf32, #tpu.memory_space<vmem>>) target(%dma_start3A_338 : memref<10240x128xf32, #tpu.memory_space<vmem_shared>>) offsets(%dma_start3A_335 : memref<64xi32, #tpu.memory_space<vmem>>) semaphore(%run_scoped3A_332 : memref<!tpu.dma_semaphore, #tpu.memory_space<semaphore_mem>>) {add = true}
        %dma_wait3A_339 = arith.constant 0 : i32
        %dma_wait3A_340 = tpu.memref_slice %arg9[%rem3A_80, %run_scoped3A_287, %dma_wait3A_339] : memref<2x16x64xi32, #tpu.memory_space<vmem>> -> memref<1x1x64xi32, #tpu.memory_space<vmem>>
        %dma_wait3A_341 = tpu.memref_squeeze %dma_wait3A_340 : memref<1x1x64xi32, #tpu.memory_space<vmem>> -> memref<64xi32, #tpu.memory_space<vmem>>
        %dma_wait3A_342 = arith.constant 0 : i32
        %dma_wait3A_343 = arith.constant 0 : i32
        %dma_wait3A_344 = tpu.memref_slice %arg7[%dma_wait3A_342, %dma_wait3A_343] : memref<10240x128xf32, #tpu.memory_space<vmem_shared>> -> memref<10240x128xf32, #tpu.memory_space<vmem_shared>>
        tpu.wait_indirect_dma semaphore(%run_scoped3A_332 : memref<!tpu.dma_semaphore, #tpu.memory_space<semaphore_mem>>) src(%arg11 : memref<64x128xf32, #tpu.memory_space<vmem>>) dst(%dma_wait3A_344 : memref<10240x128xf32, #tpu.memory_space<vmem_shared>>)
        tpu.yield
      }) : () -> ()
      %add3A_288 = arith.constant 1 : i32
      %add3A_289 = arith.addi %scan3A_79, %add3A_288 : i32
      %lt3A_290 = arith.constant 10 : i32
      %lt3A_291 = arith.cmpi slt, %add3A_289, %lt3A_290 : i32
      %convert_element_type3A_292 = arith.extui %lt3A_291 : i1 to i32
      %cond3A_293 = arith.constant 0 : i32
      %cond3A_294 = arith.cmpi ne, %convert_element_type3A_292, %cond3A_293 : i32
      scf.if %cond3A_294 {
        %dma_start3A_332 = arith.constant 1 : i32
        %dma_start3A_333 = arith.constant 0 : i32
        %dma_start3A_334 = tpu.memref_slice %arg8[%sub3A_81, %dma_start3A_332, %dma_start3A_333] : memref<2x16x64xi32, #tpu.memory_space<vmem>> -> memref<1x1x64xi32, #tpu.memory_space<vmem>>
        %dma_start3A_335 = tpu.memref_squeeze %dma_start3A_334 : memref<1x1x64xi32, #tpu.memory_space<vmem>> -> memref<64xi32, #tpu.memory_space<vmem>>
        %dma_start3A_336 = arith.constant 0 : i32
        %dma_start3A_337 = arith.constant 0 : i32
        %dma_start3A_338 = tpu.memref_slice %arg2[%dma_start3A_336, %dma_start3A_337] : memref<10000x128xf32, #tpu.memory_space<hbm>> -> memref<10000x128xf32, #tpu.memory_space<hbm>>
        tpu.enqueue_indirect_dma source(%dma_start3A_338 : memref<10000x128xf32, #tpu.memory_space<hbm>>) target(%arg11 : memref<64x128xf32, #tpu.memory_space<vmem>>) offsets(%dma_start3A_335 : memref<64xi32, #tpu.memory_space<vmem>>) semaphore(%arg15 : memref<!tpu.dma_semaphore, #tpu.memory_space<semaphore_mem>>)
      } else {
      }
      %dma_wait3A_295 = arith.constant 14 : i32
      %dma_wait3A_296 = arith.constant 0 : i32
      %dma_wait3A_297 = tpu.memref_slice %arg8[%rem3A_80, %dma_wait3A_295, %dma_wait3A_296] : memref<2x16x64xi32, #tpu.memory_space<vmem>> -> memref<1x1x64xi32, #tpu.memory_space<vmem>>
      %dma_wait3A_298 = tpu.memref_squeeze %dma_wait3A_297 : memref<1x1x64xi32, #tpu.memory_space<vmem>> -> memref<64xi32, #tpu.memory_space<vmem>>
      %dma_wait3A_299 = arith.constant 0 : i32
      %dma_wait3A_300 = arith.constant 0 : i32
      %dma_wait3A_301 = tpu.memref_slice %arg2[%dma_wait3A_299, %dma_wait3A_300] : memref<10000x128xf32, #tpu.memory_space<hbm>> -> memref<10000x128xf32, #tpu.memory_space<hbm>>
      tpu.wait_indirect_dma semaphore(%arg16 : memref<!tpu.dma_semaphore, #tpu.memory_space<semaphore_mem>>) src(%dma_wait3A_301 : memref<10000x128xf32, #tpu.memory_space<hbm>>) dst(%arg12 : memref<64x128xf32, #tpu.memory_space<vmem>>)
      %run_scoped3A_302 = arith.constant 14 : i32
      "tpu.region"() ({
        %run_scoped3A_332 = tpu.sem_alloc : memref<!tpu.dma_semaphore, #tpu.memory_space<semaphore_mem>>
        %dma_start3A_333 = arith.constant 0 : i32
        %dma_start3A_334 = tpu.memref_slice %arg9[%rem3A_80, %run_scoped3A_302, %dma_start3A_333] : memref<2x16x64xi32, #tpu.memory_space<vmem>> -> memref<1x1x64xi32, #tpu.memory_space<vmem>>
        %dma_start3A_335 = tpu.memref_squeeze %dma_start3A_334 : memref<1x1x64xi32, #tpu.memory_space<vmem>> -> memref<64xi32, #tpu.memory_space<vmem>>
        %dma_start3A_336 = arith.constant 0 : i32
        %dma_start3A_337 = arith.constant 0 : i32
        %dma_start3A_338 = tpu.memref_slice %arg7[%dma_start3A_336, %dma_start3A_337] : memref<10240x128xf32, #tpu.memory_space<vmem_shared>> -> memref<10240x128xf32, #tpu.memory_space<vmem_shared>>
        tpu.enqueue_indirect_dma source(%arg12 : memref<64x128xf32, #tpu.memory_space<vmem>>) target(%dma_start3A_338 : memref<10240x128xf32, #tpu.memory_space<vmem_shared>>) offsets(%dma_start3A_335 : memref<64xi32, #tpu.memory_space<vmem>>) semaphore(%run_scoped3A_332 : memref<!tpu.dma_semaphore, #tpu.memory_space<semaphore_mem>>) {add = true}
        %dma_wait3A_339 = arith.constant 0 : i32
        %dma_wait3A_340 = tpu.memref_slice %arg9[%rem3A_80, %run_scoped3A_302, %dma_wait3A_339] : memref<2x16x64xi32, #tpu.memory_space<vmem>> -> memref<1x1x64xi32, #tpu.memory_space<vmem>>
        %dma_wait3A_341 = tpu.memref_squeeze %dma_wait3A_340 : memref<1x1x64xi32, #tpu.memory_space<vmem>> -> memref<64xi32, #tpu.memory_space<vmem>>
        %dma_wait3A_342 = arith.constant 0 : i32
        %dma_wait3A_343 = arith.constant 0 : i32
        %dma_wait3A_344 = tpu.memref_slice %arg7[%dma_wait3A_342, %dma_wait3A_343] : memref<10240x128xf32, #tpu.memory_space<vmem_shared>> -> memref<10240x128xf32, #tpu.memory_space<vmem_shared>>
        tpu.wait_indirect_dma semaphore(%run_scoped3A_332 : memref<!tpu.dma_semaphore, #tpu.memory_space<semaphore_mem>>) src(%arg12 : memref<64x128xf32, #tpu.memory_space<vmem>>) dst(%dma_wait3A_344 : memref<10240x128xf32, #tpu.memory_space<vmem_shared>>)
        tpu.yield
      }) : () -> ()
      %add3A_303 = arith.constant 1 : i32
      %add3A_304 = arith.addi %scan3A_79, %add3A_303 : i32
      %lt3A_305 = arith.constant 10 : i32
      %lt3A_306 = arith.cmpi slt, %add3A_304, %lt3A_305 : i32
      %convert_element_type3A_307 = arith.extui %lt3A_306 : i1 to i32
      %cond3A_308 = arith.constant 0 : i32
      %cond3A_309 = arith.cmpi ne, %convert_element_type3A_307, %cond3A_308 : i32
      scf.if %cond3A_309 {
        %dma_start3A_332 = arith.constant 2 : i32
        %dma_start3A_333 = arith.constant 0 : i32
        %dma_start3A_334 = tpu.memref_slice %arg8[%sub3A_81, %dma_start3A_332, %dma_start3A_333] : memref<2x16x64xi32, #tpu.memory_space<vmem>> -> memref<1x1x64xi32, #tpu.memory_space<vmem>>
        %dma_start3A_335 = tpu.memref_squeeze %dma_start3A_334 : memref<1x1x64xi32, #tpu.memory_space<vmem>> -> memref<64xi32, #tpu.memory_space<vmem>>
        %dma_start3A_336 = arith.constant 0 : i32
        %dma_start3A_337 = arith.constant 0 : i32
        %dma_start3A_338 = tpu.memref_slice %arg2[%dma_start3A_336, %dma_start3A_337] : memref<10000x128xf32, #tpu.memory_space<hbm>> -> memref<10000x128xf32, #tpu.memory_space<hbm>>
        tpu.enqueue_indirect_dma source(%dma_start3A_338 : memref<10000x128xf32, #tpu.memory_space<hbm>>) target(%arg12 : memref<64x128xf32, #tpu.memory_space<vmem>>) offsets(%dma_start3A_335 : memref<64xi32, #tpu.memory_space<vmem>>) semaphore(%arg16 : memref<!tpu.dma_semaphore, #tpu.memory_space<semaphore_mem>>)
      } else {
      }
      %dma_wait3A_310 = arith.constant 15 : i32
      %dma_wait3A_311 = arith.constant 0 : i32
      %dma_wait3A_312 = tpu.memref_slice %arg8[%rem3A_80, %dma_wait3A_310, %dma_wait3A_311] : memref<2x16x64xi32, #tpu.memory_space<vmem>> -> memref<1x1x64xi32, #tpu.memory_space<vmem>>
      %dma_wait3A_313 = tpu.memref_squeeze %dma_wait3A_312 : memref<1x1x64xi32, #tpu.memory_space<vmem>> -> memref<64xi32, #tpu.memory_space<vmem>>
      %dma_wait3A_314 = arith.constant 0 : i32
      %dma_wait3A_315 = arith.constant 0 : i32
      %dma_wait3A_316 = tpu.memref_slice %arg2[%dma_wait3A_314, %dma_wait3A_315] : memref<10000x128xf32, #tpu.memory_space<hbm>> -> memref<10000x128xf32, #tpu.memory_space<hbm>>
      tpu.wait_indirect_dma semaphore(%arg17 : memref<!tpu.dma_semaphore, #tpu.memory_space<semaphore_mem>>) src(%dma_wait3A_316 : memref<10000x128xf32, #tpu.memory_space<hbm>>) dst(%arg13 : memref<64x128xf32, #tpu.memory_space<vmem>>)
      %run_scoped3A_317 = arith.constant 15 : i32
      "tpu.region"() ({
        %run_scoped3A_332 = tpu.sem_alloc : memref<!tpu.dma_semaphore, #tpu.memory_space<semaphore_mem>>
        %dma_start3A_333 = arith.constant 0 : i32
        %dma_start3A_334 = tpu.memref_slice %arg9[%rem3A_80, %run_scoped3A_317, %dma_start3A_333] : memref<2x16x64xi32, #tpu.memory_space<vmem>> -> memref<1x1x64xi32, #tpu.memory_space<vmem>>
        %dma_start3A_335 = tpu.memref_squeeze %dma_start3A_334 : memref<1x1x64xi32, #tpu.memory_space<vmem>> -> memref<64xi32, #tpu.memory_space<vmem>>
        %dma_start3A_336 = arith.constant 0 : i32
        %dma_start3A_337 = arith.constant 0 : i32
        %dma_start3A_338 = tpu.memref_slice %arg7[%dma_start3A_336, %dma_start3A_337] : memref<10240x128xf32, #tpu.memory_space<vmem_shared>> -> memref<10240x128xf32, #tpu.memory_space<vmem_shared>>
        tpu.enqueue_indirect_dma source(%arg13 : memref<64x128xf32, #tpu.memory_space<vmem>>) target(%dma_start3A_338 : memref<10240x128xf32, #tpu.memory_space<vmem_shared>>) offsets(%dma_start3A_335 : memref<64xi32, #tpu.memory_space<vmem>>) semaphore(%run_scoped3A_332 : memref<!tpu.dma_semaphore, #tpu.memory_space<semaphore_mem>>) {add = true}
        %dma_wait3A_339 = arith.constant 0 : i32
        %dma_wait3A_340 = tpu.memref_slice %arg9[%rem3A_80, %run_scoped3A_317, %dma_wait3A_339] : memref<2x16x64xi32, #tpu.memory_space<vmem>> -> memref<1x1x64xi32, #tpu.memory_space<vmem>>
        %dma_wait3A_341 = tpu.memref_squeeze %dma_wait3A_340 : memref<1x1x64xi32, #tpu.memory_space<vmem>> -> memref<64xi32, #tpu.memory_space<vmem>>
        %dma_wait3A_342 = arith.constant 0 : i32
        %dma_wait3A_343 = arith.constant 0 : i32
        %dma_wait3A_344 = tpu.memref_slice %arg7[%dma_wait3A_342, %dma_wait3A_343] : memref<10240x128xf32, #tpu.memory_space<vmem_shared>> -> memref<10240x128xf32, #tpu.memory_space<vmem_shared>>
        tpu.wait_indirect_dma semaphore(%run_scoped3A_332 : memref<!tpu.dma_semaphore, #tpu.memory_space<semaphore_mem>>) src(%arg13 : memref<64x128xf32, #tpu.memory_space<vmem>>) dst(%dma_wait3A_344 : memref<10240x128xf32, #tpu.memory_space<vmem_shared>>)
        tpu.yield
      }) : () -> ()
      %add3A_318 = arith.constant 1 : i32
      %add3A_319 = arith.addi %scan3A_79, %add3A_318 : i32
      %lt3A_320 = arith.constant 10 : i32
      %lt3A_321 = arith.cmpi slt, %add3A_319, %lt3A_320 : i32
      %convert_element_type3A_322 = arith.extui %lt3A_321 : i1 to i32
      %cond3A_323 = arith.constant 0 : i32
      %cond3A_324 = arith.cmpi ne, %convert_element_type3A_322, %cond3A_323 : i32
      scf.if %cond3A_324 {
        %dma_start3A_332 = arith.constant 3 : i32
        %dma_start3A_333 = arith.constant 0 : i32
        %dma_start3A_334 = tpu.memref_slice %arg8[%sub3A_81, %dma_start3A_332, %dma_start3A_333] : memref<2x16x64xi32, #tpu.memory_space<vmem>> -> memref<1x1x64xi32, #tpu.memory_space<vmem>>
        %dma_start3A_335 = tpu.memref_squeeze %dma_start3A_334 : memref<1x1x64xi32, #tpu.memory_space<vmem>> -> memref<64xi32, #tpu.memory_space<vmem>>
        %dma_start3A_336 = arith.constant 0 : i32
        %dma_start3A_337 = arith.constant 0 : i32
        %dma_start3A_338 = tpu.memref_slice %arg2[%dma_start3A_336, %dma_start3A_337] : memref<10000x128xf32, #tpu.memory_space<hbm>> -> memref<10000x128xf32, #tpu.memory_space<hbm>>
        tpu.enqueue_indirect_dma source(%dma_start3A_338 : memref<10000x128xf32, #tpu.memory_space<hbm>>) target(%arg13 : memref<64x128xf32, #tpu.memory_space<vmem>>) offsets(%dma_start3A_335 : memref<64xi32, #tpu.memory_space<vmem>>) semaphore(%arg17 : memref<!tpu.dma_semaphore, #tpu.memory_space<semaphore_mem>>)
      } else {
      }
      %add3A_325 = arith.constant 2 : i32
      %add3A_326 = arith.addi %scan3A_79, %add3A_325 : i32
      %lt3A_327 = arith.constant 10 : i32
      %lt3A_328 = arith.cmpi slt, %add3A_326, %lt3A_327 : i32
      %convert_element_type3A_329 = arith.extui %lt3A_328 : i1 to i32
      %cond3A_330 = arith.constant 0 : i32
      %cond3A_331 = arith.cmpi ne, %convert_element_type3A_329, %cond3A_330 : i32
      scf.if %cond3A_331 {
        %add3A_332 = arith.constant 2 : i32
        %add3A_333 = arith.addi %scan3A_79, %add3A_332 : i32
        %dma_start3A_334 = arith.constant 0 : i32
        %dma_start3A_335 = arith.constant 0 : i32
        %dma_start3A_336 = tpu.memref_slice %arg8[%rem3A_80, %dma_start3A_334, %dma_start3A_335] : memref<2x16x64xi32, #tpu.memory_space<vmem>> -> memref<1x16x64xi32, #tpu.memory_space<vmem>>
        %dma_start3A_337 = tpu.memref_squeeze %dma_start3A_336 : memref<1x16x64xi32, #tpu.memory_space<vmem>> -> memref<16x64xi32, #tpu.memory_space<vmem>>
        %dma_start3A_338 = arith.constant 0 : i32
        %dma_start3A_339 = arith.constant 0 : i32
        %dma_start3A_340 = tpu.memref_slice %arg3[%add3A, %add3A_333, %dma_start3A_338, %dma_start3A_339] : memref<32x10x16x64xi32, #tpu.memory_space<hbm>> -> memref<1x1x16x64xi32, #tpu.memory_space<hbm>>
        %dma_start3A_341 = tpu.memref_squeeze %dma_start3A_340 : memref<1x1x16x64xi32, #tpu.memory_space<hbm>> -> memref<16x64xi32, #tpu.memory_space<hbm>>
        %dma_start3A_342 = arith.constant 0 : i32
        %dma_start3A_343 = arith.constant 0 : i32
        %dma_start3A_344 = tpu.memref_slice %arg8[%rem3A_80, %dma_start3A_342, %dma_start3A_343] : memref<2x16x64xi32, #tpu.memory_space<vmem>> -> memref<1x16x64xi32, #tpu.memory_space<vmem>>
        %dma_start3A_345 = tpu.memref_squeeze %dma_start3A_344 : memref<1x16x64xi32, #tpu.memory_space<vmem>> -> memref<16x64xi32, #tpu.memory_space<vmem>>
        %dma_start3A_346 = arith.constant 0 : i32
        %dma_start3A_347 = arith.constant 0 : i32
        %dma_start3A_348 = tpu.memref_slice %arg3[%add3A, %add3A_333, %dma_start3A_346, %dma_start3A_347] : memref<32x10x16x64xi32, #tpu.memory_space<hbm>> -> memref<1x1x16x64xi32, #tpu.memory_space<hbm>>
        %dma_start3A_349 = tpu.memref_squeeze %dma_start3A_348 : memref<1x1x16x64xi32, #tpu.memory_space<hbm>> -> memref<16x64xi32, #tpu.memory_space<hbm>>
        tpu.enqueue_dma source(%dma_start3A_349 : memref<16x64xi32, #tpu.memory_space<hbm>>) target(%dma_start3A_345 : memref<16x64xi32, #tpu.memory_space<vmem>>) target_semaphore(%arg18 : memref<!tpu.dma_semaphore, #tpu.memory_space<semaphore_mem>>)
        %add3A_350 = arith.constant 2 : i32
        %add3A_351 = arith.addi %scan3A_79, %add3A_350 : i32
        %dma_start3A_352 = arith.constant 0 : i32
        %dma_start3A_353 = arith.constant 0 : i32
        %dma_start3A_354 = tpu.memref_slice %arg9[%rem3A_80, %dma_start3A_352, %dma_start3A_353] : memref<2x16x64xi32, #tpu.memory_space<vmem>> -> memref<1x16x64xi32, #tpu.memory_space<vmem>>
        %dma_start3A_355 = tpu.memref_squeeze %dma_start3A_354 : memref<1x16x64xi32, #tpu.memory_space<vmem>> -> memref<16x64xi32, #tpu.memory_space<vmem>>
        %dma_start3A_356 = arith.constant 0 : i32
        %dma_start3A_357 = arith.constant 0 : i32
        %dma_start3A_358 = tpu.memref_slice %arg4[%add3A, %add3A_351, %dma_start3A_356, %dma_start3A_357] : memref<32x10x16x64xi32, #tpu.memory_space<hbm>> -> memref<1x1x16x64xi32, #tpu.memory_space<hbm>>
        %dma_start3A_359 = tpu.memref_squeeze %dma_start3A_358 : memref<1x1x16x64xi32, #tpu.memory_space<hbm>> -> memref<16x64xi32, #tpu.memory_space<hbm>>
        %dma_start3A_360 = arith.constant 0 : i32
        %dma_start3A_361 = arith.constant 0 : i32
        %dma_start3A_362 = tpu.memref_slice %arg9[%rem3A_80, %dma_start3A_360, %dma_start3A_361] : memref<2x16x64xi32, #tpu.memory_space<vmem>> -> memref<1x16x64xi32, #tpu.memory_space<vmem>>
        %dma_start3A_363 = tpu.memref_squeeze %dma_start3A_362 : memref<1x16x64xi32, #tpu.memory_space<vmem>> -> memref<16x64xi32, #tpu.memory_space<vmem>>
        %dma_start3A_364 = arith.constant 0 : i32
        %dma_start3A_365 = arith.constant 0 : i32
        %dma_start3A_366 = tpu.memref_slice %arg4[%add3A, %add3A_351, %dma_start3A_364, %dma_start3A_365] : memref<32x10x16x64xi32, #tpu.memory_space<hbm>> -> memref<1x1x16x64xi32, #tpu.memory_space<hbm>>
        %dma_start3A_367 = tpu.memref_squeeze %dma_start3A_366 : memref<1x1x16x64xi32, #tpu.memory_space<hbm>> -> memref<16x64xi32, #tpu.memory_space<hbm>>
        tpu.enqueue_dma source(%dma_start3A_367 : memref<16x64xi32, #tpu.memory_space<hbm>>) target(%dma_start3A_363 : memref<16x64xi32, #tpu.memory_space<vmem>>) target_semaphore(%arg18 : memref<!tpu.dma_semaphore, #tpu.memory_space<semaphore_mem>>)
      } else {
      }
    }
    %scan3A_77 = arith.constant 10 : i32
    %barrier3A_78 = arith.constant 0 : index
    tpu.barrier barrier_id(%barrier3A_78)
    "tpu.region"() ({
      %run_scoped3A_79 = tpu.sem_alloc : memref<!tpu.dma_semaphore, #tpu.memory_space<semaphore_mem>>
      %dma_start3A_80 = arith.constant 0 : i32
      %dma_start3A_81 = tpu.memref_slice %arg6[%arg0, %mul3A_2, %dma_start3A_80] : memref<2x10240x128xf32, #tpu.memory_space<hbm>> -> memref<1x640x128xf32, #tpu.memory_space<hbm>>
      %dma_start3A_82 = tpu.memref_squeeze %dma_start3A_81 : memref<1x640x128xf32, #tpu.memory_space<hbm>> -> memref<640x128xf32, #tpu.memory_space<hbm>>
      %dma_start3A_83 = arith.constant 0 : i32
      %dma_start3A_84 = tpu.memref_slice %arg7[%mul3A_2, %dma_start3A_83] : memref<10240x128xf32, #tpu.memory_space<vmem_shared>> -> memref<640x128xf32, #tpu.memory_space<vmem_shared>>
      tpu.enqueue_dma source(%dma_start3A_84 : memref<640x128xf32, #tpu.memory_space<vmem_shared>>) target(%dma_start3A_82 : memref<640x128xf32, #tpu.memory_space<hbm>>) target_semaphore(%run_scoped3A_79 : memref<!tpu.dma_semaphore, #tpu.memory_space<semaphore_mem>>)
      %dma_wait3A = arith.constant 0 : i32
      %dma_wait3A_85 = tpu.memref_slice %arg6[%arg0, %mul3A_2, %dma_wait3A] : memref<2x10240x128xf32, #tpu.memory_space<hbm>> -> memref<1x640x128xf32, #tpu.memory_space<hbm>>
      %dma_wait3A_86 = tpu.memref_squeeze %dma_wait3A_85 : memref<1x640x128xf32, #tpu.memory_space<hbm>> -> memref<640x128xf32, #tpu.memory_space<hbm>>
      %dma_wait3A_87 = arith.constant 0 : i32
      %dma_wait3A_88 = tpu.memref_slice %arg7[%mul3A_2, %dma_wait3A_87] : memref<10240x128xf32, #tpu.memory_space<vmem_shared>> -> memref<640x128xf32, #tpu.memory_space<vmem_shared>>
      tpu.wait_dma2 semaphore(%run_scoped3A_79 : memref<!tpu.dma_semaphore, #tpu.memory_space<semaphore_mem>>) src(%dma_wait3A_88 : memref<640x128xf32, #tpu.memory_space<vmem_shared>>) dst(%dma_wait3A_86 : memref<640x128xf32, #tpu.memory_space<hbm>>)
      tpu.yield
    }) : () -> ()
    return
  }
}

#map = affine_map<(d0, d1) -> (0, 0)>
#map1 = affine_map<(d0, d1) -> (0, 0, 0, 0)>
#map2 = affine_map<(d0, d1) -> (0, 0, 0)>
module attributes {stable_mosaic.version = 14 : i64} {
  func.func @_agg_kernel(%arg0: i32, %arg1: i32, %arg2: memref<10000x128xf32, #tpu.memory_space<hbm>>, %arg3: memref<32x10x16x64xi32, #tpu.memory_space<hbm>>, %arg4: memref<32x10x16x64xi32, #tpu.memory_space<hbm>>, %arg5: memref<640x128xf32, #tpu.memory_space<hbm>>, %arg6: memref<2x10240x128xf32, #tpu.memory_space<hbm>>, %arg7: memref<10240x128xf32, #tpu.memory_space<vmem_shared>>, %arg8: memref<2x16x64xi32, #tpu.memory_space<vmem>>, %arg9: memref<2x16x64xi32, #tpu.memory_space<vmem>>, %arg10: memref<64x128xf32, #tpu.memory_space<vmem>>, %arg11: memref<64x128xf32, #tpu.memory_space<vmem>>, %arg12: memref<64x128xf32, #tpu.memory_space<vmem>>, %arg13: memref<64x128xf32, #tpu.memory_space<vmem>>, %arg14: memref<!tpu.dma_semaphore, #tpu.memory_space<semaphore_mem>>, %arg15: memref<!tpu.dma_semaphore, #tpu.memory_space<semaphore_mem>>, %arg16: memref<!tpu.dma_semaphore, #tpu.memory_space<semaphore_mem>>, %arg17: memref<!tpu.dma_semaphore, #tpu.memory_space<semaphore_mem>>, %arg18: memref<!tpu.dma_semaphore, #tpu.memory_space<semaphore_mem>>) attributes {dimension_semantics = [#tpu.dimension_semantics<core_parallel>, #tpu.dimension_semantics<subcore_parallel>], iteration_bounds = array<i64: 2, 16>, scalar_prefetch = 0 : i64, scratch_operands = 12 : i64, tpu.core_type = #tpu.core_type<sc_vector_subcore>, window_params = [{transform_indices = #map}, {transform_indices = #map1}, {transform_indices = #map1}, {transform_indices = #map}, {transform_indices = #map2}]} {
    %mul3A = arith.constant 2 : i32
    %mul3A_0 = arith.muli %arg1, %mul3A : i32
    %add3A = arith.addi %mul3A_0, %arg0 : i32
    %mul3A_1 = arith.constant 640 : i32
    %mul3A_2 = arith.muli %arg1, %mul3A_1 : i32
    "tpu.region"() ({
      %run_scoped3A_79 = tpu.sem_alloc : memref<!tpu.dma_semaphore, #tpu.memory_space<semaphore_mem>>
      %dma_start3A_80 = arith.constant 0 : i32
      %dma_start3A_81 = tpu.memref_slice %arg7[%mul3A_2, %dma_start3A_80] : memref<10240x128xf32, #tpu.memory_space<vmem_shared>> -> memref<640x128xf32, #tpu.memory_space<vmem_shared>>
      tpu.enqueue_dma source(%arg5 : memref<640x128xf32, #tpu.memory_space<hbm>>) target(%dma_start3A_81 : memref<640x128xf32, #tpu.memory_space<vmem_shared>>) target_semaphore(%run_scoped3A_79 : memref<!tpu.dma_semaphore, #tpu.memory_space<semaphore_mem>>)
      %dma_wait3A = arith.constant 0 : i32
      %dma_wait3A_82 = tpu.memref_slice %arg7[%mul3A_2, %dma_wait3A] : memref<10240x128xf32, #tpu.memory_space<vmem_shared>> -> memref<640x128xf32, #tpu.memory_space<vmem_shared>>
      tpu.wait_dma2 semaphore(%run_scoped3A_79 : memref<!tpu.dma_semaphore, #tpu.memory_space<semaphore_mem>>) src(%arg5 : memref<640x128xf32, #tpu.memory_space<hbm>>) dst(%dma_wait3A_82 : memref<640x128xf32, #tpu.memory_space<vmem_shared>>)
      tpu.yield
    }) : () -> ()
    %barrier3A = arith.constant 0 : index
    tpu.barrier barrier_id(%barrier3A)
    %run_scoped3A = arith.constant 0 : i32
    %run_scoped3A_3 = arith.constant 0 : i32
    "tpu.region"() ({
      %run_scoped3A_79 = tpu.sem_alloc : memref<!tpu.dma_semaphore, #tpu.memory_space<semaphore_mem>>
      %dma_start3A_80 = arith.constant 0 : i32
      %dma_start3A_81 = arith.constant 0 : i32
      %dma_start3A_82 = tpu.memref_slice %arg8[%run_scoped3A_3, %dma_start3A_80, %dma_start3A_81] : memref<2x16x64xi32, #tpu.memory_space<vmem>> -> memref<1x16x64xi32, #tpu.memory_space<vmem>>
      %dma_start3A_83 = tpu.memref_squeeze %dma_start3A_82 : memref<1x16x64xi32, #tpu.memory_space<vmem>> -> memref<16x64xi32, #tpu.memory_space<vmem>>
      %dma_start3A_84 = arith.constant 0 : i32
      %dma_start3A_85 = arith.constant 0 : i32
      %dma_start3A_86 = tpu.memref_slice %arg3[%add3A, %run_scoped3A, %dma_start3A_84, %dma_start3A_85] : memref<32x10x16x64xi32, #tpu.memory_space<hbm>> -> memref<1x1x16x64xi32, #tpu.memory_space<hbm>>
      %dma_start3A_87 = tpu.memref_squeeze %dma_start3A_86 : memref<1x1x16x64xi32, #tpu.memory_space<hbm>> -> memref<16x64xi32, #tpu.memory_space<hbm>>
      %dma_start3A_88 = arith.constant 0 : i32
      %dma_start3A_89 = arith.constant 0 : i32
      %dma_start3A_90 = tpu.memref_slice %arg8[%run_scoped3A_3, %dma_start3A_88, %dma_start3A_89] : memref<2x16x64xi32, #tpu.memory_space<vmem>> -> memref<1x16x64xi32, #tpu.memory_space<vmem>>
      %dma_start3A_91 = tpu.memref_squeeze %dma_start3A_90 : memref<1x16x64xi32, #tpu.memory_space<vmem>> -> memref<16x64xi32, #tpu.memory_space<vmem>>
      %dma_start3A_92 = arith.constant 0 : i32
      %dma_start3A_93 = arith.constant 0 : i32
      %dma_start3A_94 = tpu.memref_slice %arg3[%add3A, %run_scoped3A, %dma_start3A_92, %dma_start3A_93] : memref<32x10x16x64xi32, #tpu.memory_space<hbm>> -> memref<1x1x16x64xi32, #tpu.memory_space<hbm>>
      %dma_start3A_95 = tpu.memref_squeeze %dma_start3A_94 : memref<1x1x16x64xi32, #tpu.memory_space<hbm>> -> memref<16x64xi32, #tpu.memory_space<hbm>>
      tpu.enqueue_dma source(%dma_start3A_95 : memref<16x64xi32, #tpu.memory_space<hbm>>) target(%dma_start3A_91 : memref<16x64xi32, #tpu.memory_space<vmem>>) target_semaphore(%run_scoped3A_79 : memref<!tpu.dma_semaphore, #tpu.memory_space<semaphore_mem>>)
      %dma_wait3A = arith.constant 0 : i32
      %dma_wait3A_96 = arith.constant 0 : i32
      %dma_wait3A_97 = tpu.memref_slice %arg8[%run_scoped3A_3, %dma_wait3A, %dma_wait3A_96] : memref<2x16x64xi32, #tpu.memory_space<vmem>> -> memref<1x16x64xi32, #tpu.memory_space<vmem>>
      %dma_wait3A_98 = tpu.memref_squeeze %dma_wait3A_97 : memref<1x16x64xi32, #tpu.memory_space<vmem>> -> memref<16x64xi32, #tpu.memory_space<vmem>>
      %dma_wait3A_99 = arith.constant 0 : i32
      %dma_wait3A_100 = arith.constant 0 : i32
      %dma_wait3A_101 = tpu.memref_slice %arg3[%add3A, %run_scoped3A, %dma_wait3A_99, %dma_wait3A_100] : memref<32x10x16x64xi32, #tpu.memory_space<hbm>> -> memref<1x1x16x64xi32, #tpu.memory_space<hbm>>
      %dma_wait3A_102 = tpu.memref_squeeze %dma_wait3A_101 : memref<1x1x16x64xi32, #tpu.memory_space<hbm>> -> memref<16x64xi32, #tpu.memory_space<hbm>>
      %dma_wait3A_103 = arith.constant 0 : i32
      %dma_wait3A_104 = arith.constant 0 : i32
      %dma_wait3A_105 = tpu.memref_slice %arg8[%run_scoped3A_3, %dma_wait3A_103, %dma_wait3A_104] : memref<2x16x64xi32, #tpu.memory_space<vmem>> -> memref<1x16x64xi32, #tpu.memory_space<vmem>>
      %dma_wait3A_106 = tpu.memref_squeeze %dma_wait3A_105 : memref<1x16x64xi32, #tpu.memory_space<vmem>> -> memref<16x64xi32, #tpu.memory_space<vmem>>
      %dma_wait3A_107 = arith.constant 0 : i32
      %dma_wait3A_108 = arith.constant 0 : i32
      %dma_wait3A_109 = tpu.memref_slice %arg3[%add3A, %run_scoped3A, %dma_wait3A_107, %dma_wait3A_108] : memref<32x10x16x64xi32, #tpu.memory_space<hbm>> -> memref<1x1x16x64xi32, #tpu.memory_space<hbm>>
      %dma_wait3A_110 = tpu.memref_squeeze %dma_wait3A_109 : memref<1x1x16x64xi32, #tpu.memory_space<hbm>> -> memref<16x64xi32, #tpu.memory_space<hbm>>
      tpu.wait_dma2 semaphore(%run_scoped3A_79 : memref<!tpu.dma_semaphore, #tpu.memory_space<semaphore_mem>>) src(%dma_wait3A_110 : memref<16x64xi32, #tpu.memory_space<hbm>>) dst(%dma_wait3A_106 : memref<16x64xi32, #tpu.memory_space<vmem>>)
      tpu.yield
    }) : () -> ()
    %run_scoped3A_4 = arith.constant 0 : i32
    %run_scoped3A_5 = arith.constant 0 : i32
    "tpu.region"() ({
      %run_scoped3A_79 = tpu.sem_alloc : memref<!tpu.dma_semaphore, #tpu.memory_space<semaphore_mem>>
      %dma_start3A_80 = arith.constant 0 : i32
      %dma_start3A_81 = arith.constant 0 : i32
      %dma_start3A_82 = tpu.memref_slice %arg9[%run_scoped3A_5, %dma_start3A_80, %dma_start3A_81] : memref<2x16x64xi32, #tpu.memory_space<vmem>> -> memref<1x16x64xi32, #tpu.memory_space<vmem>>
      %dma_start3A_83 = tpu.memref_squeeze %dma_start3A_82 : memref<1x16x64xi32, #tpu.memory_space<vmem>> -> memref<16x64xi32, #tpu.memory_space<vmem>>
      %dma_start3A_84 = arith.constant 0 : i32
      %dma_start3A_85 = arith.constant 0 : i32
      %dma_start3A_86 = tpu.memref_slice %arg4[%add3A, %run_scoped3A_4, %dma_start3A_84, %dma_start3A_85] : memref<32x10x16x64xi32, #tpu.memory_space<hbm>> -> memref<1x1x16x64xi32, #tpu.memory_space<hbm>>
      %dma_start3A_87 = tpu.memref_squeeze %dma_start3A_86 : memref<1x1x16x64xi32, #tpu.memory_space<hbm>> -> memref<16x64xi32, #tpu.memory_space<hbm>>
      %dma_start3A_88 = arith.constant 0 : i32
      %dma_start3A_89 = arith.constant 0 : i32
      %dma_start3A_90 = tpu.memref_slice %arg9[%run_scoped3A_5, %dma_start3A_88, %dma_start3A_89] : memref<2x16x64xi32, #tpu.memory_space<vmem>> -> memref<1x16x64xi32, #tpu.memory_space<vmem>>
      %dma_start3A_91 = tpu.memref_squeeze %dma_start3A_90 : memref<1x16x64xi32, #tpu.memory_space<vmem>> -> memref<16x64xi32, #tpu.memory_space<vmem>>
      %dma_start3A_92 = arith.constant 0 : i32
      %dma_start3A_93 = arith.constant 0 : i32
      %dma_start3A_94 = tpu.memref_slice %arg4[%add3A, %run_scoped3A_4, %dma_start3A_92, %dma_start3A_93] : memref<32x10x16x64xi32, #tpu.memory_space<hbm>> -> memref<1x1x16x64xi32, #tpu.memory_space<hbm>>
      %dma_start3A_95 = tpu.memref_squeeze %dma_start3A_94 : memref<1x1x16x64xi32, #tpu.memory_space<hbm>> -> memref<16x64xi32, #tpu.memory_space<hbm>>
      tpu.enqueue_dma source(%dma_start3A_95 : memref<16x64xi32, #tpu.memory_space<hbm>>) target(%dma_start3A_91 : memref<16x64xi32, #tpu.memory_space<vmem>>) target_semaphore(%run_scoped3A_79 : memref<!tpu.dma_semaphore, #tpu.memory_space<semaphore_mem>>)
      %dma_wait3A = arith.constant 0 : i32
      %dma_wait3A_96 = arith.constant 0 : i32
      %dma_wait3A_97 = tpu.memref_slice %arg9[%run_scoped3A_5, %dma_wait3A, %dma_wait3A_96] : memref<2x16x64xi32, #tpu.memory_space<vmem>> -> memref<1x16x64xi32, #tpu.memory_space<vmem>>
      %dma_wait3A_98 = tpu.memref_squeeze %dma_wait3A_97 : memref<1x16x64xi32, #tpu.memory_space<vmem>> -> memref<16x64xi32, #tpu.memory_space<vmem>>
      %dma_wait3A_99 = arith.constant 0 : i32
      %dma_wait3A_100 = arith.constant 0 : i32
      %dma_wait3A_101 = tpu.memref_slice %arg4[%add3A, %run_scoped3A_4, %dma_wait3A_99, %dma_wait3A_100] : memref<32x10x16x64xi32, #tpu.memory_space<hbm>> -> memref<1x1x16x64xi32, #tpu.memory_space<hbm>>
      %dma_wait3A_102 = tpu.memref_squeeze %dma_wait3A_101 : memref<1x1x16x64xi32, #tpu.memory_space<hbm>> -> memref<16x64xi32, #tpu.memory_space<hbm>>
      %dma_wait3A_103 = arith.constant 0 : i32
      %dma_wait3A_104 = arith.constant 0 : i32
      %dma_wait3A_105 = tpu.memref_slice %arg9[%run_scoped3A_5, %dma_wait3A_103, %dma_wait3A_104] : memref<2x16x64xi32, #tpu.memory_space<vmem>> -> memref<1x16x64xi32, #tpu.memory_space<vmem>>
      %dma_wait3A_106 = tpu.memref_squeeze %dma_wait3A_105 : memref<1x16x64xi32, #tpu.memory_space<vmem>> -> memref<16x64xi32, #tpu.memory_space<vmem>>
      %dma_wait3A_107 = arith.constant 0 : i32
      %dma_wait3A_108 = arith.constant 0 : i32
      %dma_wait3A_109 = tpu.memref_slice %arg4[%add3A, %run_scoped3A_4, %dma_wait3A_107, %dma_wait3A_108] : memref<32x10x16x64xi32, #tpu.memory_space<hbm>> -> memref<1x1x16x64xi32, #tpu.memory_space<hbm>>
      %dma_wait3A_110 = tpu.memref_squeeze %dma_wait3A_109 : memref<1x1x16x64xi32, #tpu.memory_space<hbm>> -> memref<16x64xi32, #tpu.memory_space<hbm>>
      tpu.wait_dma2 semaphore(%run_scoped3A_79 : memref<!tpu.dma_semaphore, #tpu.memory_space<semaphore_mem>>) src(%dma_wait3A_110 : memref<16x64xi32, #tpu.memory_space<hbm>>) dst(%dma_wait3A_106 : memref<16x64xi32, #tpu.memory_space<vmem>>)
      tpu.yield
    }) : () -> ()
    %dma_start3A = arith.constant 1 : i32
    %dma_start3A_6 = arith.constant 1 : i32
    %dma_start3A_7 = arith.constant 0 : i32
    %dma_start3A_8 = arith.constant 0 : i32
    %dma_start3A_9 = tpu.memref_slice %arg8[%dma_start3A_6, %dma_start3A_7, %dma_start3A_8] : memref<2x16x64xi32, #tpu.memory_space<vmem>> -> memref<1x16x64xi32, #tpu.memory_space<vmem>>
    %dma_start3A_10 = tpu.memref_squeeze %dma_start3A_9 : memref<1x16x64xi32, #tpu.memory_space<vmem>> -> memref<16x64xi32, #tpu.memory_space<vmem>>
    %dma_start3A_11 = arith.constant 0 : i32
    %dma_start3A_12 = arith.constant 0 : i32
    %dma_start3A_13 = tpu.memref_slice %arg3[%add3A, %dma_start3A, %dma_start3A_11, %dma_start3A_12] : memref<32x10x16x64xi32, #tpu.memory_space<hbm>> -> memref<1x1x16x64xi32, #tpu.memory_space<hbm>>
    %dma_start3A_14 = tpu.memref_squeeze %dma_start3A_13 : memref<1x1x16x64xi32, #tpu.memory_space<hbm>> -> memref<16x64xi32, #tpu.memory_space<hbm>>
    %dma_start3A_15 = arith.constant 0 : i32
    %dma_start3A_16 = arith.constant 0 : i32
    %dma_start3A_17 = tpu.memref_slice %arg8[%dma_start3A_6, %dma_start3A_15, %dma_start3A_16] : memref<2x16x64xi32, #tpu.memory_space<vmem>> -> memref<1x16x64xi32, #tpu.memory_space<vmem>>
    %dma_start3A_18 = tpu.memref_squeeze %dma_start3A_17 : memref<1x16x64xi32, #tpu.memory_space<vmem>> -> memref<16x64xi32, #tpu.memory_space<vmem>>
    %dma_start3A_19 = arith.constant 0 : i32
    %dma_start3A_20 = arith.constant 0 : i32
    %dma_start3A_21 = tpu.memref_slice %arg3[%add3A, %dma_start3A, %dma_start3A_19, %dma_start3A_20] : memref<32x10x16x64xi32, #tpu.memory_space<hbm>> -> memref<1x1x16x64xi32, #tpu.memory_space<hbm>>
    %dma_start3A_22 = tpu.memref_squeeze %dma_start3A_21 : memref<1x1x16x64xi32, #tpu.memory_space<hbm>> -> memref<16x64xi32, #tpu.memory_space<hbm>>
    tpu.enqueue_dma source(%dma_start3A_22 : memref<16x64xi32, #tpu.memory_space<hbm>>) target(%dma_start3A_18 : memref<16x64xi32, #tpu.memory_space<vmem>>) target_semaphore(%arg18 : memref<!tpu.dma_semaphore, #tpu.memory_space<semaphore_mem>>)
    %dma_start3A_23 = arith.constant 1 : i32
    %dma_start3A_24 = arith.constant 1 : i32
    %dma_start3A_25 = arith.constant 0 : i32
    %dma_start3A_26 = arith.constant 0 : i32
    %dma_start3A_27 = tpu.memref_slice %arg9[%dma_start3A_24, %dma_start3A_25, %dma_start3A_26] : memref<2x16x64xi32, #tpu.memory_space<vmem>> -> memref<1x16x64xi32, #tpu.memory_space<vmem>>
    %dma_start3A_28 = tpu.memref_squeeze %dma_start3A_27 : memref<1x16x64xi32, #tpu.memory_space<vmem>> -> memref<16x64xi32, #tpu.memory_space<vmem>>
    %dma_start3A_29 = arith.constant 0 : i32
    %dma_start3A_30 = arith.constant 0 : i32
    %dma_start3A_31 = tpu.memref_slice %arg4[%add3A, %dma_start3A_23, %dma_start3A_29, %dma_start3A_30] : memref<32x10x16x64xi32, #tpu.memory_space<hbm>> -> memref<1x1x16x64xi32, #tpu.memory_space<hbm>>
    %dma_start3A_32 = tpu.memref_squeeze %dma_start3A_31 : memref<1x1x16x64xi32, #tpu.memory_space<hbm>> -> memref<16x64xi32, #tpu.memory_space<hbm>>
    %dma_start3A_33 = arith.constant 0 : i32
    %dma_start3A_34 = arith.constant 0 : i32
    %dma_start3A_35 = tpu.memref_slice %arg9[%dma_start3A_24, %dma_start3A_33, %dma_start3A_34] : memref<2x16x64xi32, #tpu.memory_space<vmem>> -> memref<1x16x64xi32, #tpu.memory_space<vmem>>
    %dma_start3A_36 = tpu.memref_squeeze %dma_start3A_35 : memref<1x16x64xi32, #tpu.memory_space<vmem>> -> memref<16x64xi32, #tpu.memory_space<vmem>>
    %dma_start3A_37 = arith.constant 0 : i32
    %dma_start3A_38 = arith.constant 0 : i32
    %dma_start3A_39 = tpu.memref_slice %arg4[%add3A, %dma_start3A_23, %dma_start3A_37, %dma_start3A_38] : memref<32x10x16x64xi32, #tpu.memory_space<hbm>> -> memref<1x1x16x64xi32, #tpu.memory_space<hbm>>
    %dma_start3A_40 = tpu.memref_squeeze %dma_start3A_39 : memref<1x1x16x64xi32, #tpu.memory_space<hbm>> -> memref<16x64xi32, #tpu.memory_space<hbm>>
    tpu.enqueue_dma source(%dma_start3A_40 : memref<16x64xi32, #tpu.memory_space<hbm>>) target(%dma_start3A_36 : memref<16x64xi32, #tpu.memory_space<vmem>>) target_semaphore(%arg18 : memref<!tpu.dma_semaphore, #tpu.memory_space<semaphore_mem>>)
    %dma_start3A_41 = arith.constant 0 : i32
    %dma_start3A_42 = arith.constant 0 : i32
    %dma_start3A_43 = arith.constant 0 : i32
    %dma_start3A_44 = tpu.memref_slice %arg8[%dma_start3A_41, %dma_start3A_42, %dma_start3A_43] : memref<2x16x64xi32, #tpu.memory_space<vmem>> -> memref<1x1x64xi32, #tpu.memory_space<vmem>>
    %dma_start3A_45 = tpu.memref_squeeze %dma_start3A_44 : memref<1x1x64xi32, #tpu.memory_space<vmem>> -> memref<64xi32, #tpu.memory_space<vmem>>
    %dma_start3A_46 = arith.constant 0 : i32
    %dma_start3A_47 = arith.constant 0 : i32
    %dma_start3A_48 = tpu.memref_slice %arg2[%dma_start3A_46, %dma_start3A_47] : memref<10000x128xf32, #tpu.memory_space<hbm>> -> memref<10000x128xf32, #tpu.memory_space<hbm>>
    tpu.enqueue_indirect_dma source(%dma_start3A_48 : memref<10000x128xf32, #tpu.memory_space<hbm>>) target(%arg10 : memref<64x128xf32, #tpu.memory_space<vmem>>) offsets(%dma_start3A_45 : memref<64xi32, #tpu.memory_space<vmem>>) semaphore(%arg14 : memref<!tpu.dma_semaphore, #tpu.memory_space<semaphore_mem>>)
    %dma_start3A_49 = arith.constant 0 : i32
    %dma_start3A_50 = arith.constant 1 : i32
    %dma_start3A_51 = arith.constant 0 : i32
    %dma_start3A_52 = tpu.memref_slice %arg8[%dma_start3A_49, %dma_start3A_50, %dma_start3A_51] : memref<2x16x64xi32, #tpu.memory_space<vmem>> -> memref<1x1x64xi32, #tpu.memory_space<vmem>>
    %dma_start3A_53 = tpu.memref_squeeze %dma_start3A_52 : memref<1x1x64xi32, #tpu.memory_space<vmem>> -> memref<64xi32, #tpu.memory_space<vmem>>
    %dma_start3A_54 = arith.constant 0 : i32
    %dma_start3A_55 = arith.constant 0 : i32
    %dma_start3A_56 = tpu.memref_slice %arg2[%dma_start3A_54, %dma_start3A_55] : memref<10000x128xf32, #tpu.memory_space<hbm>> -> memref<10000x128xf32, #tpu.memory_space<hbm>>
    tpu.enqueue_indirect_dma source(%dma_start3A_56 : memref<10000x128xf32, #tpu.memory_space<hbm>>) target(%arg11 : memref<64x128xf32, #tpu.memory_space<vmem>>) offsets(%dma_start3A_53 : memref<64xi32, #tpu.memory_space<vmem>>) semaphore(%arg15 : memref<!tpu.dma_semaphore, #tpu.memory_space<semaphore_mem>>)
    %dma_start3A_57 = arith.constant 0 : i32
    %dma_start3A_58 = arith.constant 2 : i32
    %dma_start3A_59 = arith.constant 0 : i32
    %dma_start3A_60 = tpu.memref_slice %arg8[%dma_start3A_57, %dma_start3A_58, %dma_start3A_59] : memref<2x16x64xi32, #tpu.memory_space<vmem>> -> memref<1x1x64xi32, #tpu.memory_space<vmem>>
    %dma_start3A_61 = tpu.memref_squeeze %dma_start3A_60 : memref<1x1x64xi32, #tpu.memory_space<vmem>> -> memref<64xi32, #tpu.memory_space<vmem>>
    %dma_start3A_62 = arith.constant 0 : i32
    %dma_start3A_63 = arith.constant 0 : i32
    %dma_start3A_64 = tpu.memref_slice %arg2[%dma_start3A_62, %dma_start3A_63] : memref<10000x128xf32, #tpu.memory_space<hbm>> -> memref<10000x128xf32, #tpu.memory_space<hbm>>
    tpu.enqueue_indirect_dma source(%dma_start3A_64 : memref<10000x128xf32, #tpu.memory_space<hbm>>) target(%arg12 : memref<64x128xf32, #tpu.memory_space<vmem>>) offsets(%dma_start3A_61 : memref<64xi32, #tpu.memory_space<vmem>>) semaphore(%arg16 : memref<!tpu.dma_semaphore, #tpu.memory_space<semaphore_mem>>)
    %dma_start3A_65 = arith.constant 0 : i32
    %dma_start3A_66 = arith.constant 3 : i32
    %dma_start3A_67 = arith.constant 0 : i32
    %dma_start3A_68 = tpu.memref_slice %arg8[%dma_start3A_65, %dma_start3A_66, %dma_start3A_67] : memref<2x16x64xi32, #tpu.memory_space<vmem>> -> memref<1x1x64xi32, #tpu.memory_space<vmem>>
    %dma_start3A_69 = tpu.memref_squeeze %dma_start3A_68 : memref<1x1x64xi32, #tpu.memory_space<vmem>> -> memref<64xi32, #tpu.memory_space<vmem>>
    %dma_start3A_70 = arith.constant 0 : i32
    %dma_start3A_71 = arith.constant 0 : i32
    %dma_start3A_72 = tpu.memref_slice %arg2[%dma_start3A_70, %dma_start3A_71] : memref<10000x128xf32, #tpu.memory_space<hbm>> -> memref<10000x128xf32, #tpu.memory_space<hbm>>
    tpu.enqueue_indirect_dma source(%dma_start3A_72 : memref<10000x128xf32, #tpu.memory_space<hbm>>) target(%arg13 : memref<64x128xf32, #tpu.memory_space<vmem>>) offsets(%dma_start3A_69 : memref<64xi32, #tpu.memory_space<vmem>>) semaphore(%arg17 : memref<!tpu.dma_semaphore, #tpu.memory_space<semaphore_mem>>)
    %scan3A = arith.constant 0 : i32
    %scan3A_73 = arith.constant 0 : i32
    %scan3A_74 = arith.constant 10 : i32
    %scan3A_75 = arith.addi %scan3A_73, %scan3A_74 : i32
    %scan3A_76 = arith.constant 1 : i32
    scf.for %scan3A_79 = %scan3A_73 to %scan3A_75 step %scan3A_76  : i32 {
      %rem3A = arith.constant 2 : i32
      %rem3A_80 = arith.remsi %scan3A_79, %rem3A : i32
      %sub3A = arith.constant 1 : i32
      %sub3A_81 = arith.subi %sub3A, %rem3A_80 : i32
      %dma_wait3A = arith.constant 0 : i32
      %dma_wait3A_82 = arith.constant 0 : i32
      %dma_wait3A_83 = tpu.memref_slice %arg8[%rem3A_80, %dma_wait3A, %dma_wait3A_82] : memref<2x16x64xi32, #tpu.memory_space<vmem>> -> memref<1x1x64xi32, #tpu.memory_space<vmem>>
      %dma_wait3A_84 = tpu.memref_squeeze %dma_wait3A_83 : memref<1x1x64xi32, #tpu.memory_space<vmem>> -> memref<64xi32, #tpu.memory_space<vmem>>
      %dma_wait3A_85 = arith.constant 0 : i32
      %dma_wait3A_86 = arith.constant 0 : i32
      %dma_wait3A_87 = tpu.memref_slice %arg2[%dma_wait3A_85, %dma_wait3A_86] : memref<10000x128xf32, #tpu.memory_space<hbm>> -> memref<10000x128xf32, #tpu.memory_space<hbm>>
      tpu.wait_indirect_dma semaphore(%arg14 : memref<!tpu.dma_semaphore, #tpu.memory_space<semaphore_mem>>) src(%dma_wait3A_87 : memref<10000x128xf32, #tpu.memory_space<hbm>>) dst(%arg10 : memref<64x128xf32, #tpu.memory_space<vmem>>)
      %run_scoped3A_88 = arith.constant 0 : i32
      "tpu.region"() ({
        %run_scoped3A_332 = tpu.sem_alloc : memref<!tpu.dma_semaphore, #tpu.memory_space<semaphore_mem>>
        %dma_start3A_333 = arith.constant 0 : i32
        %dma_start3A_334 = tpu.memref_slice %arg9[%rem3A_80, %run_scoped3A_88, %dma_start3A_333] : memref<2x16x64xi32, #tpu.memory_space<vmem>> -> memref<1x1x64xi32, #tpu.memory_space<vmem>>
        %dma_start3A_335 = tpu.memref_squeeze %dma_start3A_334 : memref<1x1x64xi32, #tpu.memory_space<vmem>> -> memref<64xi32, #tpu.memory_space<vmem>>
        %dma_start3A_336 = arith.constant 0 : i32
        %dma_start3A_337 = arith.constant 0 : i32
        %dma_start3A_338 = tpu.memref_slice %arg7[%dma_start3A_336, %dma_start3A_337] : memref<10240x128xf32, #tpu.memory_space<vmem_shared>> -> memref<10240x128xf32, #tpu.memory_space<vmem_shared>>
        tpu.enqueue_indirect_dma source(%arg10 : memref<64x128xf32, #tpu.memory_space<vmem>>) target(%dma_start3A_338 : memref<10240x128xf32, #tpu.memory_space<vmem_shared>>) offsets(%dma_start3A_335 : memref<64xi32, #tpu.memory_space<vmem>>) semaphore(%run_scoped3A_332 : memref<!tpu.dma_semaphore, #tpu.memory_space<semaphore_mem>>) {add = true}
        %dma_wait3A_339 = arith.constant 0 : i32
        %dma_wait3A_340 = tpu.memref_slice %arg9[%rem3A_80, %run_scoped3A_88, %dma_wait3A_339] : memref<2x16x64xi32, #tpu.memory_space<vmem>> -> memref<1x1x64xi32, #tpu.memory_space<vmem>>
        %dma_wait3A_341 = tpu.memref_squeeze %dma_wait3A_340 : memref<1x1x64xi32, #tpu.memory_space<vmem>> -> memref<64xi32, #tpu.memory_space<vmem>>
        %dma_wait3A_342 = arith.constant 0 : i32
        %dma_wait3A_343 = arith.constant 0 : i32
        %dma_wait3A_344 = tpu.memref_slice %arg7[%dma_wait3A_342, %dma_wait3A_343] : memref<10240x128xf32, #tpu.memory_space<vmem_shared>> -> memref<10240x128xf32, #tpu.memory_space<vmem_shared>>
        tpu.wait_indirect_dma semaphore(%run_scoped3A_332 : memref<!tpu.dma_semaphore, #tpu.memory_space<semaphore_mem>>) src(%arg10 : memref<64x128xf32, #tpu.memory_space<vmem>>) dst(%dma_wait3A_344 : memref<10240x128xf32, #tpu.memory_space<vmem_shared>>)
        tpu.yield
      }) : () -> ()
      %dma_start3A_89 = arith.constant 4 : i32
      %dma_start3A_90 = arith.constant 0 : i32
      %dma_start3A_91 = tpu.memref_slice %arg8[%rem3A_80, %dma_start3A_89, %dma_start3A_90] : memref<2x16x64xi32, #tpu.memory_space<vmem>> -> memref<1x1x64xi32, #tpu.memory_space<vmem>>
      %dma_start3A_92 = tpu.memref_squeeze %dma_start3A_91 : memref<1x1x64xi32, #tpu.memory_space<vmem>> -> memref<64xi32, #tpu.memory_space<vmem>>
      %dma_start3A_93 = arith.constant 0 : i32
      %dma_start3A_94 = arith.constant 0 : i32
      %dma_start3A_95 = tpu.memref_slice %arg2[%dma_start3A_93, %dma_start3A_94] : memref<10000x128xf32, #tpu.memory_space<hbm>> -> memref<10000x128xf32, #tpu.memory_space<hbm>>
      tpu.enqueue_indirect_dma source(%dma_start3A_95 : memref<10000x128xf32, #tpu.memory_space<hbm>>) target(%arg10 : memref<64x128xf32, #tpu.memory_space<vmem>>) offsets(%dma_start3A_92 : memref<64xi32, #tpu.memory_space<vmem>>) semaphore(%arg14 : memref<!tpu.dma_semaphore, #tpu.memory_space<semaphore_mem>>)
      %dma_wait3A_96 = arith.constant 1 : i32
      %dma_wait3A_97 = arith.constant 0 : i32
      %dma_wait3A_98 = tpu.memref_slice %arg8[%rem3A_80, %dma_wait3A_96, %dma_wait3A_97] : memref<2x16x64xi32, #tpu.memory_space<vmem>> -> memref<1x1x64xi32, #tpu.memory_space<vmem>>
      %dma_wait3A_99 = tpu.memref_squeeze %dma_wait3A_98 : memref<1x1x64xi32, #tpu.memory_space<vmem>> -> memref<64xi32, #tpu.memory_space<vmem>>
      %dma_wait3A_100 = arith.constant 0 : i32
      %dma_wait3A_101 = arith.constant 0 : i32
      %dma_wait3A_102 = tpu.memref_slice %arg2[%dma_wait3A_100, %dma_wait3A_101] : memref<10000x128xf32, #tpu.memory_space<hbm>> -> memref<10000x128xf32, #tpu.memory_space<hbm>>
      tpu.wait_indirect_dma semaphore(%arg15 : memref<!tpu.dma_semaphore, #tpu.memory_space<semaphore_mem>>) src(%dma_wait3A_102 : memref<10000x128xf32, #tpu.memory_space<hbm>>) dst(%arg11 : memref<64x128xf32, #tpu.memory_space<vmem>>)
      %run_scoped3A_103 = arith.constant 1 : i32
      "tpu.region"() ({
        %run_scoped3A_332 = tpu.sem_alloc : memref<!tpu.dma_semaphore, #tpu.memory_space<semaphore_mem>>
        %dma_start3A_333 = arith.constant 0 : i32
        %dma_start3A_334 = tpu.memref_slice %arg9[%rem3A_80, %run_scoped3A_103, %dma_start3A_333] : memref<2x16x64xi32, #tpu.memory_space<vmem>> -> memref<1x1x64xi32, #tpu.memory_space<vmem>>
        %dma_start3A_335 = tpu.memref_squeeze %dma_start3A_334 : memref<1x1x64xi32, #tpu.memory_space<vmem>> -> memref<64xi32, #tpu.memory_space<vmem>>
        %dma_start3A_336 = arith.constant 0 : i32
        %dma_start3A_337 = arith.constant 0 : i32
        %dma_start3A_338 = tpu.memref_slice %arg7[%dma_start3A_336, %dma_start3A_337] : memref<10240x128xf32, #tpu.memory_space<vmem_shared>> -> memref<10240x128xf32, #tpu.memory_space<vmem_shared>>
        tpu.enqueue_indirect_dma source(%arg11 : memref<64x128xf32, #tpu.memory_space<vmem>>) target(%dma_start3A_338 : memref<10240x128xf32, #tpu.memory_space<vmem_shared>>) offsets(%dma_start3A_335 : memref<64xi32, #tpu.memory_space<vmem>>) semaphore(%run_scoped3A_332 : memref<!tpu.dma_semaphore, #tpu.memory_space<semaphore_mem>>) {add = true}
        %dma_wait3A_339 = arith.constant 0 : i32
        %dma_wait3A_340 = tpu.memref_slice %arg9[%rem3A_80, %run_scoped3A_103, %dma_wait3A_339] : memref<2x16x64xi32, #tpu.memory_space<vmem>> -> memref<1x1x64xi32, #tpu.memory_space<vmem>>
        %dma_wait3A_341 = tpu.memref_squeeze %dma_wait3A_340 : memref<1x1x64xi32, #tpu.memory_space<vmem>> -> memref<64xi32, #tpu.memory_space<vmem>>
        %dma_wait3A_342 = arith.constant 0 : i32
        %dma_wait3A_343 = arith.constant 0 : i32
        %dma_wait3A_344 = tpu.memref_slice %arg7[%dma_wait3A_342, %dma_wait3A_343] : memref<10240x128xf32, #tpu.memory_space<vmem_shared>> -> memref<10240x128xf32, #tpu.memory_space<vmem_shared>>
        tpu.wait_indirect_dma semaphore(%run_scoped3A_332 : memref<!tpu.dma_semaphore, #tpu.memory_space<semaphore_mem>>) src(%arg11 : memref<64x128xf32, #tpu.memory_space<vmem>>) dst(%dma_wait3A_344 : memref<10240x128xf32, #tpu.memory_space<vmem_shared>>)
        tpu.yield
      }) : () -> ()
      %dma_start3A_104 = arith.constant 5 : i32
      %dma_start3A_105 = arith.constant 0 : i32
      %dma_start3A_106 = tpu.memref_slice %arg8[%rem3A_80, %dma_start3A_104, %dma_start3A_105] : memref<2x16x64xi32, #tpu.memory_space<vmem>> -> memref<1x1x64xi32, #tpu.memory_space<vmem>>
      %dma_start3A_107 = tpu.memref_squeeze %dma_start3A_106 : memref<1x1x64xi32, #tpu.memory_space<vmem>> -> memref<64xi32, #tpu.memory_space<vmem>>
      %dma_start3A_108 = arith.constant 0 : i32
      %dma_start3A_109 = arith.constant 0 : i32
      %dma_start3A_110 = tpu.memref_slice %arg2[%dma_start3A_108, %dma_start3A_109] : memref<10000x128xf32, #tpu.memory_space<hbm>> -> memref<10000x128xf32, #tpu.memory_space<hbm>>
      tpu.enqueue_indirect_dma source(%dma_start3A_110 : memref<10000x128xf32, #tpu.memory_space<hbm>>) target(%arg11 : memref<64x128xf32, #tpu.memory_space<vmem>>) offsets(%dma_start3A_107 : memref<64xi32, #tpu.memory_space<vmem>>) semaphore(%arg15 : memref<!tpu.dma_semaphore, #tpu.memory_space<semaphore_mem>>)
      %dma_wait3A_111 = arith.constant 2 : i32
      %dma_wait3A_112 = arith.constant 0 : i32
      %dma_wait3A_113 = tpu.memref_slice %arg8[%rem3A_80, %dma_wait3A_111, %dma_wait3A_112] : memref<2x16x64xi32, #tpu.memory_space<vmem>> -> memref<1x1x64xi32, #tpu.memory_space<vmem>>
      %dma_wait3A_114 = tpu.memref_squeeze %dma_wait3A_113 : memref<1x1x64xi32, #tpu.memory_space<vmem>> -> memref<64xi32, #tpu.memory_space<vmem>>
      %dma_wait3A_115 = arith.constant 0 : i32
      %dma_wait3A_116 = arith.constant 0 : i32
      %dma_wait3A_117 = tpu.memref_slice %arg2[%dma_wait3A_115, %dma_wait3A_116] : memref<10000x128xf32, #tpu.memory_space<hbm>> -> memref<10000x128xf32, #tpu.memory_space<hbm>>
      tpu.wait_indirect_dma semaphore(%arg16 : memref<!tpu.dma_semaphore, #tpu.memory_space<semaphore_mem>>) src(%dma_wait3A_117 : memref<10000x128xf32, #tpu.memory_space<hbm>>) dst(%arg12 : memref<64x128xf32, #tpu.memory_space<vmem>>)
      %run_scoped3A_118 = arith.constant 2 : i32
      "tpu.region"() ({
        %run_scoped3A_332 = tpu.sem_alloc : memref<!tpu.dma_semaphore, #tpu.memory_space<semaphore_mem>>
        %dma_start3A_333 = arith.constant 0 : i32
        %dma_start3A_334 = tpu.memref_slice %arg9[%rem3A_80, %run_scoped3A_118, %dma_start3A_333] : memref<2x16x64xi32, #tpu.memory_space<vmem>> -> memref<1x1x64xi32, #tpu.memory_space<vmem>>
        %dma_start3A_335 = tpu.memref_squeeze %dma_start3A_334 : memref<1x1x64xi32, #tpu.memory_space<vmem>> -> memref<64xi32, #tpu.memory_space<vmem>>
        %dma_start3A_336 = arith.constant 0 : i32
        %dma_start3A_337 = arith.constant 0 : i32
        %dma_start3A_338 = tpu.memref_slice %arg7[%dma_start3A_336, %dma_start3A_337] : memref<10240x128xf32, #tpu.memory_space<vmem_shared>> -> memref<10240x128xf32, #tpu.memory_space<vmem_shared>>
        tpu.enqueue_indirect_dma source(%arg12 : memref<64x128xf32, #tpu.memory_space<vmem>>) target(%dma_start3A_338 : memref<10240x128xf32, #tpu.memory_space<vmem_shared>>) offsets(%dma_start3A_335 : memref<64xi32, #tpu.memory_space<vmem>>) semaphore(%run_scoped3A_332 : memref<!tpu.dma_semaphore, #tpu.memory_space<semaphore_mem>>) {add = true}
        %dma_wait3A_339 = arith.constant 0 : i32
        %dma_wait3A_340 = tpu.memref_slice %arg9[%rem3A_80, %run_scoped3A_118, %dma_wait3A_339] : memref<2x16x64xi32, #tpu.memory_space<vmem>> -> memref<1x1x64xi32, #tpu.memory_space<vmem>>
        %dma_wait3A_341 = tpu.memref_squeeze %dma_wait3A_340 : memref<1x1x64xi32, #tpu.memory_space<vmem>> -> memref<64xi32, #tpu.memory_space<vmem>>
        %dma_wait3A_342 = arith.constant 0 : i32
        %dma_wait3A_343 = arith.constant 0 : i32
        %dma_wait3A_344 = tpu.memref_slice %arg7[%dma_wait3A_342, %dma_wait3A_343] : memref<10240x128xf32, #tpu.memory_space<vmem_shared>> -> memref<10240x128xf32, #tpu.memory_space<vmem_shared>>
        tpu.wait_indirect_dma semaphore(%run_scoped3A_332 : memref<!tpu.dma_semaphore, #tpu.memory_space<semaphore_mem>>) src(%arg12 : memref<64x128xf32, #tpu.memory_space<vmem>>) dst(%dma_wait3A_344 : memref<10240x128xf32, #tpu.memory_space<vmem_shared>>)
        tpu.yield
      }) : () -> ()
      %dma_start3A_119 = arith.constant 6 : i32
      %dma_start3A_120 = arith.constant 0 : i32
      %dma_start3A_121 = tpu.memref_slice %arg8[%rem3A_80, %dma_start3A_119, %dma_start3A_120] : memref<2x16x64xi32, #tpu.memory_space<vmem>> -> memref<1x1x64xi32, #tpu.memory_space<vmem>>
      %dma_start3A_122 = tpu.memref_squeeze %dma_start3A_121 : memref<1x1x64xi32, #tpu.memory_space<vmem>> -> memref<64xi32, #tpu.memory_space<vmem>>
      %dma_start3A_123 = arith.constant 0 : i32
      %dma_start3A_124 = arith.constant 0 : i32
      %dma_start3A_125 = tpu.memref_slice %arg2[%dma_start3A_123, %dma_start3A_124] : memref<10000x128xf32, #tpu.memory_space<hbm>> -> memref<10000x128xf32, #tpu.memory_space<hbm>>
      tpu.enqueue_indirect_dma source(%dma_start3A_125 : memref<10000x128xf32, #tpu.memory_space<hbm>>) target(%arg12 : memref<64x128xf32, #tpu.memory_space<vmem>>) offsets(%dma_start3A_122 : memref<64xi32, #tpu.memory_space<vmem>>) semaphore(%arg16 : memref<!tpu.dma_semaphore, #tpu.memory_space<semaphore_mem>>)
      %dma_wait3A_126 = arith.constant 3 : i32
      %dma_wait3A_127 = arith.constant 0 : i32
      %dma_wait3A_128 = tpu.memref_slice %arg8[%rem3A_80, %dma_wait3A_126, %dma_wait3A_127] : memref<2x16x64xi32, #tpu.memory_space<vmem>> -> memref<1x1x64xi32, #tpu.memory_space<vmem>>
      %dma_wait3A_129 = tpu.memref_squeeze %dma_wait3A_128 : memref<1x1x64xi32, #tpu.memory_space<vmem>> -> memref<64xi32, #tpu.memory_space<vmem>>
      %dma_wait3A_130 = arith.constant 0 : i32
      %dma_wait3A_131 = arith.constant 0 : i32
      %dma_wait3A_132 = tpu.memref_slice %arg2[%dma_wait3A_130, %dma_wait3A_131] : memref<10000x128xf32, #tpu.memory_space<hbm>> -> memref<10000x128xf32, #tpu.memory_space<hbm>>
      tpu.wait_indirect_dma semaphore(%arg17 : memref<!tpu.dma_semaphore, #tpu.memory_space<semaphore_mem>>) src(%dma_wait3A_132 : memref<10000x128xf32, #tpu.memory_space<hbm>>) dst(%arg13 : memref<64x128xf32, #tpu.memory_space<vmem>>)
      %run_scoped3A_133 = arith.constant 3 : i32
      "tpu.region"() ({
        %run_scoped3A_332 = tpu.sem_alloc : memref<!tpu.dma_semaphore, #tpu.memory_space<semaphore_mem>>
        %dma_start3A_333 = arith.constant 0 : i32
        %dma_start3A_334 = tpu.memref_slice %arg9[%rem3A_80, %run_scoped3A_133, %dma_start3A_333] : memref<2x16x64xi32, #tpu.memory_space<vmem>> -> memref<1x1x64xi32, #tpu.memory_space<vmem>>
        %dma_start3A_335 = tpu.memref_squeeze %dma_start3A_334 : memref<1x1x64xi32, #tpu.memory_space<vmem>> -> memref<64xi32, #tpu.memory_space<vmem>>
        %dma_start3A_336 = arith.constant 0 : i32
        %dma_start3A_337 = arith.constant 0 : i32
        %dma_start3A_338 = tpu.memref_slice %arg7[%dma_start3A_336, %dma_start3A_337] : memref<10240x128xf32, #tpu.memory_space<vmem_shared>> -> memref<10240x128xf32, #tpu.memory_space<vmem_shared>>
        tpu.enqueue_indirect_dma source(%arg13 : memref<64x128xf32, #tpu.memory_space<vmem>>) target(%dma_start3A_338 : memref<10240x128xf32, #tpu.memory_space<vmem_shared>>) offsets(%dma_start3A_335 : memref<64xi32, #tpu.memory_space<vmem>>) semaphore(%run_scoped3A_332 : memref<!tpu.dma_semaphore, #tpu.memory_space<semaphore_mem>>) {add = true}
        %dma_wait3A_339 = arith.constant 0 : i32
        %dma_wait3A_340 = tpu.memref_slice %arg9[%rem3A_80, %run_scoped3A_133, %dma_wait3A_339] : memref<2x16x64xi32, #tpu.memory_space<vmem>> -> memref<1x1x64xi32, #tpu.memory_space<vmem>>
        %dma_wait3A_341 = tpu.memref_squeeze %dma_wait3A_340 : memref<1x1x64xi32, #tpu.memory_space<vmem>> -> memref<64xi32, #tpu.memory_space<vmem>>
        %dma_wait3A_342 = arith.constant 0 : i32
        %dma_wait3A_343 = arith.constant 0 : i32
        %dma_wait3A_344 = tpu.memref_slice %arg7[%dma_wait3A_342, %dma_wait3A_343] : memref<10240x128xf32, #tpu.memory_space<vmem_shared>> -> memref<10240x128xf32, #tpu.memory_space<vmem_shared>>
        tpu.wait_indirect_dma semaphore(%run_scoped3A_332 : memref<!tpu.dma_semaphore, #tpu.memory_space<semaphore_mem>>) src(%arg13 : memref<64x128xf32, #tpu.memory_space<vmem>>) dst(%dma_wait3A_344 : memref<10240x128xf32, #tpu.memory_space<vmem_shared>>)
        tpu.yield
      }) : () -> ()
      %dma_start3A_134 = arith.constant 7 : i32
      %dma_start3A_135 = arith.constant 0 : i32
      %dma_start3A_136 = tpu.memref_slice %arg8[%rem3A_80, %dma_start3A_134, %dma_start3A_135] : memref<2x16x64xi32, #tpu.memory_space<vmem>> -> memref<1x1x64xi32, #tpu.memory_space<vmem>>
      %dma_start3A_137 = tpu.memref_squeeze %dma_start3A_136 : memref<1x1x64xi32, #tpu.memory_space<vmem>> -> memref<64xi32, #tpu.memory_space<vmem>>
      %dma_start3A_138 = arith.constant 0 : i32
      %dma_start3A_139 = arith.constant 0 : i32
      %dma_start3A_140 = tpu.memref_slice %arg2[%dma_start3A_138, %dma_start3A_139] : memref<10000x128xf32, #tpu.memory_space<hbm>> -> memref<10000x128xf32, #tpu.memory_space<hbm>>
      tpu.enqueue_indirect_dma source(%dma_start3A_140 : memref<10000x128xf32, #tpu.memory_space<hbm>>) target(%arg13 : memref<64x128xf32, #tpu.memory_space<vmem>>) offsets(%dma_start3A_137 : memref<64xi32, #tpu.memory_space<vmem>>) semaphore(%arg17 : memref<!tpu.dma_semaphore, #tpu.memory_space<semaphore_mem>>)
      %dma_wait3A_141 = arith.constant 4 : i32
      %dma_wait3A_142 = arith.constant 0 : i32
      %dma_wait3A_143 = tpu.memref_slice %arg8[%rem3A_80, %dma_wait3A_141, %dma_wait3A_142] : memref<2x16x64xi32, #tpu.memory_space<vmem>> -> memref<1x1x64xi32, #tpu.memory_space<vmem>>
      %dma_wait3A_144 = tpu.memref_squeeze %dma_wait3A_143 : memref<1x1x64xi32, #tpu.memory_space<vmem>> -> memref<64xi32, #tpu.memory_space<vmem>>
      %dma_wait3A_145 = arith.constant 0 : i32
      %dma_wait3A_146 = arith.constant 0 : i32
      %dma_wait3A_147 = tpu.memref_slice %arg2[%dma_wait3A_145, %dma_wait3A_146] : memref<10000x128xf32, #tpu.memory_space<hbm>> -> memref<10000x128xf32, #tpu.memory_space<hbm>>
      tpu.wait_indirect_dma semaphore(%arg14 : memref<!tpu.dma_semaphore, #tpu.memory_space<semaphore_mem>>) src(%dma_wait3A_147 : memref<10000x128xf32, #tpu.memory_space<hbm>>) dst(%arg10 : memref<64x128xf32, #tpu.memory_space<vmem>>)
      %run_scoped3A_148 = arith.constant 4 : i32
      "tpu.region"() ({
        %run_scoped3A_332 = tpu.sem_alloc : memref<!tpu.dma_semaphore, #tpu.memory_space<semaphore_mem>>
        %dma_start3A_333 = arith.constant 0 : i32
        %dma_start3A_334 = tpu.memref_slice %arg9[%rem3A_80, %run_scoped3A_148, %dma_start3A_333] : memref<2x16x64xi32, #tpu.memory_space<vmem>> -> memref<1x1x64xi32, #tpu.memory_space<vmem>>
        %dma_start3A_335 = tpu.memref_squeeze %dma_start3A_334 : memref<1x1x64xi32, #tpu.memory_space<vmem>> -> memref<64xi32, #tpu.memory_space<vmem>>
        %dma_start3A_336 = arith.constant 0 : i32
        %dma_start3A_337 = arith.constant 0 : i32
        %dma_start3A_338 = tpu.memref_slice %arg7[%dma_start3A_336, %dma_start3A_337] : memref<10240x128xf32, #tpu.memory_space<vmem_shared>> -> memref<10240x128xf32, #tpu.memory_space<vmem_shared>>
        tpu.enqueue_indirect_dma source(%arg10 : memref<64x128xf32, #tpu.memory_space<vmem>>) target(%dma_start3A_338 : memref<10240x128xf32, #tpu.memory_space<vmem_shared>>) offsets(%dma_start3A_335 : memref<64xi32, #tpu.memory_space<vmem>>) semaphore(%run_scoped3A_332 : memref<!tpu.dma_semaphore, #tpu.memory_space<semaphore_mem>>) {add = true}
        %dma_wait3A_339 = arith.constant 0 : i32
        %dma_wait3A_340 = tpu.memref_slice %arg9[%rem3A_80, %run_scoped3A_148, %dma_wait3A_339] : memref<2x16x64xi32, #tpu.memory_space<vmem>> -> memref<1x1x64xi32, #tpu.memory_space<vmem>>
        %dma_wait3A_341 = tpu.memref_squeeze %dma_wait3A_340 : memref<1x1x64xi32, #tpu.memory_space<vmem>> -> memref<64xi32, #tpu.memory_space<vmem>>
        %dma_wait3A_342 = arith.constant 0 : i32
        %dma_wait3A_343 = arith.constant 0 : i32
        %dma_wait3A_344 = tpu.memref_slice %arg7[%dma_wait3A_342, %dma_wait3A_343] : memref<10240x128xf32, #tpu.memory_space<vmem_shared>> -> memref<10240x128xf32, #tpu.memory_space<vmem_shared>>
        tpu.wait_indirect_dma semaphore(%run_scoped3A_332 : memref<!tpu.dma_semaphore, #tpu.memory_space<semaphore_mem>>) src(%arg10 : memref<64x128xf32, #tpu.memory_space<vmem>>) dst(%dma_wait3A_344 : memref<10240x128xf32, #tpu.memory_space<vmem_shared>>)
        tpu.yield
      }) : () -> ()
      %dma_start3A_149 = arith.constant 8 : i32
      %dma_start3A_150 = arith.constant 0 : i32
      %dma_start3A_151 = tpu.memref_slice %arg8[%rem3A_80, %dma_start3A_149, %dma_start3A_150] : memref<2x16x64xi32, #tpu.memory_space<vmem>> -> memref<1x1x64xi32, #tpu.memory_space<vmem>>
      %dma_start3A_152 = tpu.memref_squeeze %dma_start3A_151 : memref<1x1x64xi32, #tpu.memory_space<vmem>> -> memref<64xi32, #tpu.memory_space<vmem>>
      %dma_start3A_153 = arith.constant 0 : i32
      %dma_start3A_154 = arith.constant 0 : i32
      %dma_start3A_155 = tpu.memref_slice %arg2[%dma_start3A_153, %dma_start3A_154] : memref<10000x128xf32, #tpu.memory_space<hbm>> -> memref<10000x128xf32, #tpu.memory_space<hbm>>
      tpu.enqueue_indirect_dma source(%dma_start3A_155 : memref<10000x128xf32, #tpu.memory_space<hbm>>) target(%arg10 : memref<64x128xf32, #tpu.memory_space<vmem>>) offsets(%dma_start3A_152 : memref<64xi32, #tpu.memory_space<vmem>>) semaphore(%arg14 : memref<!tpu.dma_semaphore, #tpu.memory_space<semaphore_mem>>)
      %dma_wait3A_156 = arith.constant 5 : i32
      %dma_wait3A_157 = arith.constant 0 : i32
      %dma_wait3A_158 = tpu.memref_slice %arg8[%rem3A_80, %dma_wait3A_156, %dma_wait3A_157] : memref<2x16x64xi32, #tpu.memory_space<vmem>> -> memref<1x1x64xi32, #tpu.memory_space<vmem>>
      %dma_wait3A_159 = tpu.memref_squeeze %dma_wait3A_158 : memref<1x1x64xi32, #tpu.memory_space<vmem>> -> memref<64xi32, #tpu.memory_space<vmem>>
      %dma_wait3A_160 = arith.constant 0 : i32
      %dma_wait3A_161 = arith.constant 0 : i32
      %dma_wait3A_162 = tpu.memref_slice %arg2[%dma_wait3A_160, %dma_wait3A_161] : memref<10000x128xf32, #tpu.memory_space<hbm>> -> memref<10000x128xf32, #tpu.memory_space<hbm>>
      tpu.wait_indirect_dma semaphore(%arg15 : memref<!tpu.dma_semaphore, #tpu.memory_space<semaphore_mem>>) src(%dma_wait3A_162 : memref<10000x128xf32, #tpu.memory_space<hbm>>) dst(%arg11 : memref<64x128xf32, #tpu.memory_space<vmem>>)
      %run_scoped3A_163 = arith.constant 5 : i32
      "tpu.region"() ({
        %run_scoped3A_332 = tpu.sem_alloc : memref<!tpu.dma_semaphore, #tpu.memory_space<semaphore_mem>>
        %dma_start3A_333 = arith.constant 0 : i32
        %dma_start3A_334 = tpu.memref_slice %arg9[%rem3A_80, %run_scoped3A_163, %dma_start3A_333] : memref<2x16x64xi32, #tpu.memory_space<vmem>> -> memref<1x1x64xi32, #tpu.memory_space<vmem>>
        %dma_start3A_335 = tpu.memref_squeeze %dma_start3A_334 : memref<1x1x64xi32, #tpu.memory_space<vmem>> -> memref<64xi32, #tpu.memory_space<vmem>>
        %dma_start3A_336 = arith.constant 0 : i32
        %dma_start3A_337 = arith.constant 0 : i32
        %dma_start3A_338 = tpu.memref_slice %arg7[%dma_start3A_336, %dma_start3A_337] : memref<10240x128xf32, #tpu.memory_space<vmem_shared>> -> memref<10240x128xf32, #tpu.memory_space<vmem_shared>>
        tpu.enqueue_indirect_dma source(%arg11 : memref<64x128xf32, #tpu.memory_space<vmem>>) target(%dma_start3A_338 : memref<10240x128xf32, #tpu.memory_space<vmem_shared>>) offsets(%dma_start3A_335 : memref<64xi32, #tpu.memory_space<vmem>>) semaphore(%run_scoped3A_332 : memref<!tpu.dma_semaphore, #tpu.memory_space<semaphore_mem>>) {add = true}
        %dma_wait3A_339 = arith.constant 0 : i32
        %dma_wait3A_340 = tpu.memref_slice %arg9[%rem3A_80, %run_scoped3A_163, %dma_wait3A_339] : memref<2x16x64xi32, #tpu.memory_space<vmem>> -> memref<1x1x64xi32, #tpu.memory_space<vmem>>
        %dma_wait3A_341 = tpu.memref_squeeze %dma_wait3A_340 : memref<1x1x64xi32, #tpu.memory_space<vmem>> -> memref<64xi32, #tpu.memory_space<vmem>>
        %dma_wait3A_342 = arith.constant 0 : i32
        %dma_wait3A_343 = arith.constant 0 : i32
        %dma_wait3A_344 = tpu.memref_slice %arg7[%dma_wait3A_342, %dma_wait3A_343] : memref<10240x128xf32, #tpu.memory_space<vmem_shared>> -> memref<10240x128xf32, #tpu.memory_space<vmem_shared>>
        tpu.wait_indirect_dma semaphore(%run_scoped3A_332 : memref<!tpu.dma_semaphore, #tpu.memory_space<semaphore_mem>>) src(%arg11 : memref<64x128xf32, #tpu.memory_space<vmem>>) dst(%dma_wait3A_344 : memref<10240x128xf32, #tpu.memory_space<vmem_shared>>)
        tpu.yield
      }) : () -> ()
      %dma_start3A_164 = arith.constant 9 : i32
      %dma_start3A_165 = arith.constant 0 : i32
      %dma_start3A_166 = tpu.memref_slice %arg8[%rem3A_80, %dma_start3A_164, %dma_start3A_165] : memref<2x16x64xi32, #tpu.memory_space<vmem>> -> memref<1x1x64xi32, #tpu.memory_space<vmem>>
      %dma_start3A_167 = tpu.memref_squeeze %dma_start3A_166 : memref<1x1x64xi32, #tpu.memory_space<vmem>> -> memref<64xi32, #tpu.memory_space<vmem>>
      %dma_start3A_168 = arith.constant 0 : i32
      %dma_start3A_169 = arith.constant 0 : i32
      %dma_start3A_170 = tpu.memref_slice %arg2[%dma_start3A_168, %dma_start3A_169] : memref<10000x128xf32, #tpu.memory_space<hbm>> -> memref<10000x128xf32, #tpu.memory_space<hbm>>
      tpu.enqueue_indirect_dma source(%dma_start3A_170 : memref<10000x128xf32, #tpu.memory_space<hbm>>) target(%arg11 : memref<64x128xf32, #tpu.memory_space<vmem>>) offsets(%dma_start3A_167 : memref<64xi32, #tpu.memory_space<vmem>>) semaphore(%arg15 : memref<!tpu.dma_semaphore, #tpu.memory_space<semaphore_mem>>)
      %dma_wait3A_171 = arith.constant 6 : i32
      %dma_wait3A_172 = arith.constant 0 : i32
      %dma_wait3A_173 = tpu.memref_slice %arg8[%rem3A_80, %dma_wait3A_171, %dma_wait3A_172] : memref<2x16x64xi32, #tpu.memory_space<vmem>> -> memref<1x1x64xi32, #tpu.memory_space<vmem>>
      %dma_wait3A_174 = tpu.memref_squeeze %dma_wait3A_173 : memref<1x1x64xi32, #tpu.memory_space<vmem>> -> memref<64xi32, #tpu.memory_space<vmem>>
      %dma_wait3A_175 = arith.constant 0 : i32
      %dma_wait3A_176 = arith.constant 0 : i32
      %dma_wait3A_177 = tpu.memref_slice %arg2[%dma_wait3A_175, %dma_wait3A_176] : memref<10000x128xf32, #tpu.memory_space<hbm>> -> memref<10000x128xf32, #tpu.memory_space<hbm>>
      tpu.wait_indirect_dma semaphore(%arg16 : memref<!tpu.dma_semaphore, #tpu.memory_space<semaphore_mem>>) src(%dma_wait3A_177 : memref<10000x128xf32, #tpu.memory_space<hbm>>) dst(%arg12 : memref<64x128xf32, #tpu.memory_space<vmem>>)
      %run_scoped3A_178 = arith.constant 6 : i32
      "tpu.region"() ({
        %run_scoped3A_332 = tpu.sem_alloc : memref<!tpu.dma_semaphore, #tpu.memory_space<semaphore_mem>>
        %dma_start3A_333 = arith.constant 0 : i32
        %dma_start3A_334 = tpu.memref_slice %arg9[%rem3A_80, %run_scoped3A_178, %dma_start3A_333] : memref<2x16x64xi32, #tpu.memory_space<vmem>> -> memref<1x1x64xi32, #tpu.memory_space<vmem>>
        %dma_start3A_335 = tpu.memref_squeeze %dma_start3A_334 : memref<1x1x64xi32, #tpu.memory_space<vmem>> -> memref<64xi32, #tpu.memory_space<vmem>>
        %dma_start3A_336 = arith.constant 0 : i32
        %dma_start3A_337 = arith.constant 0 : i32
        %dma_start3A_338 = tpu.memref_slice %arg7[%dma_start3A_336, %dma_start3A_337] : memref<10240x128xf32, #tpu.memory_space<vmem_shared>> -> memref<10240x128xf32, #tpu.memory_space<vmem_shared>>
        tpu.enqueue_indirect_dma source(%arg12 : memref<64x128xf32, #tpu.memory_space<vmem>>) target(%dma_start3A_338 : memref<10240x128xf32, #tpu.memory_space<vmem_shared>>) offsets(%dma_start3A_335 : memref<64xi32, #tpu.memory_space<vmem>>) semaphore(%run_scoped3A_332 : memref<!tpu.dma_semaphore, #tpu.memory_space<semaphore_mem>>) {add = true}
        %dma_wait3A_339 = arith.constant 0 : i32
        %dma_wait3A_340 = tpu.memref_slice %arg9[%rem3A_80, %run_scoped3A_178, %dma_wait3A_339] : memref<2x16x64xi32, #tpu.memory_space<vmem>> -> memref<1x1x64xi32, #tpu.memory_space<vmem>>
        %dma_wait3A_341 = tpu.memref_squeeze %dma_wait3A_340 : memref<1x1x64xi32, #tpu.memory_space<vmem>> -> memref<64xi32, #tpu.memory_space<vmem>>
        %dma_wait3A_342 = arith.constant 0 : i32
        %dma_wait3A_343 = arith.constant 0 : i32
        %dma_wait3A_344 = tpu.memref_slice %arg7[%dma_wait3A_342, %dma_wait3A_343] : memref<10240x128xf32, #tpu.memory_space<vmem_shared>> -> memref<10240x128xf32, #tpu.memory_space<vmem_shared>>
        tpu.wait_indirect_dma semaphore(%run_scoped3A_332 : memref<!tpu.dma_semaphore, #tpu.memory_space<semaphore_mem>>) src(%arg12 : memref<64x128xf32, #tpu.memory_space<vmem>>) dst(%dma_wait3A_344 : memref<10240x128xf32, #tpu.memory_space<vmem_shared>>)
        tpu.yield
      }) : () -> ()
      %dma_start3A_179 = arith.constant 10 : i32
      %dma_start3A_180 = arith.constant 0 : i32
      %dma_start3A_181 = tpu.memref_slice %arg8[%rem3A_80, %dma_start3A_179, %dma_start3A_180] : memref<2x16x64xi32, #tpu.memory_space<vmem>> -> memref<1x1x64xi32, #tpu.memory_space<vmem>>
      %dma_start3A_182 = tpu.memref_squeeze %dma_start3A_181 : memref<1x1x64xi32, #tpu.memory_space<vmem>> -> memref<64xi32, #tpu.memory_space<vmem>>
      %dma_start3A_183 = arith.constant 0 : i32
      %dma_start3A_184 = arith.constant 0 : i32
      %dma_start3A_185 = tpu.memref_slice %arg2[%dma_start3A_183, %dma_start3A_184] : memref<10000x128xf32, #tpu.memory_space<hbm>> -> memref<10000x128xf32, #tpu.memory_space<hbm>>
      tpu.enqueue_indirect_dma source(%dma_start3A_185 : memref<10000x128xf32, #tpu.memory_space<hbm>>) target(%arg12 : memref<64x128xf32, #tpu.memory_space<vmem>>) offsets(%dma_start3A_182 : memref<64xi32, #tpu.memory_space<vmem>>) semaphore(%arg16 : memref<!tpu.dma_semaphore, #tpu.memory_space<semaphore_mem>>)
      %dma_wait3A_186 = arith.constant 7 : i32
      %dma_wait3A_187 = arith.constant 0 : i32
      %dma_wait3A_188 = tpu.memref_slice %arg8[%rem3A_80, %dma_wait3A_186, %dma_wait3A_187] : memref<2x16x64xi32, #tpu.memory_space<vmem>> -> memref<1x1x64xi32, #tpu.memory_space<vmem>>
      %dma_wait3A_189 = tpu.memref_squeeze %dma_wait3A_188 : memref<1x1x64xi32, #tpu.memory_space<vmem>> -> memref<64xi32, #tpu.memory_space<vmem>>
      %dma_wait3A_190 = arith.constant 0 : i32
      %dma_wait3A_191 = arith.constant 0 : i32
      %dma_wait3A_192 = tpu.memref_slice %arg2[%dma_wait3A_190, %dma_wait3A_191] : memref<10000x128xf32, #tpu.memory_space<hbm>> -> memref<10000x128xf32, #tpu.memory_space<hbm>>
      tpu.wait_indirect_dma semaphore(%arg17 : memref<!tpu.dma_semaphore, #tpu.memory_space<semaphore_mem>>) src(%dma_wait3A_192 : memref<10000x128xf32, #tpu.memory_space<hbm>>) dst(%arg13 : memref<64x128xf32, #tpu.memory_space<vmem>>)
      %run_scoped3A_193 = arith.constant 7 : i32
      "tpu.region"() ({
        %run_scoped3A_332 = tpu.sem_alloc : memref<!tpu.dma_semaphore, #tpu.memory_space<semaphore_mem>>
        %dma_start3A_333 = arith.constant 0 : i32
        %dma_start3A_334 = tpu.memref_slice %arg9[%rem3A_80, %run_scoped3A_193, %dma_start3A_333] : memref<2x16x64xi32, #tpu.memory_space<vmem>> -> memref<1x1x64xi32, #tpu.memory_space<vmem>>
        %dma_start3A_335 = tpu.memref_squeeze %dma_start3A_334 : memref<1x1x64xi32, #tpu.memory_space<vmem>> -> memref<64xi32, #tpu.memory_space<vmem>>
        %dma_start3A_336 = arith.constant 0 : i32
        %dma_start3A_337 = arith.constant 0 : i32
        %dma_start3A_338 = tpu.memref_slice %arg7[%dma_start3A_336, %dma_start3A_337] : memref<10240x128xf32, #tpu.memory_space<vmem_shared>> -> memref<10240x128xf32, #tpu.memory_space<vmem_shared>>
        tpu.enqueue_indirect_dma source(%arg13 : memref<64x128xf32, #tpu.memory_space<vmem>>) target(%dma_start3A_338 : memref<10240x128xf32, #tpu.memory_space<vmem_shared>>) offsets(%dma_start3A_335 : memref<64xi32, #tpu.memory_space<vmem>>) semaphore(%run_scoped3A_332 : memref<!tpu.dma_semaphore, #tpu.memory_space<semaphore_mem>>) {add = true}
        %dma_wait3A_339 = arith.constant 0 : i32
        %dma_wait3A_340 = tpu.memref_slice %arg9[%rem3A_80, %run_scoped3A_193, %dma_wait3A_339] : memref<2x16x64xi32, #tpu.memory_space<vmem>> -> memref<1x1x64xi32, #tpu.memory_space<vmem>>
        %dma_wait3A_341 = tpu.memref_squeeze %dma_wait3A_340 : memref<1x1x64xi32, #tpu.memory_space<vmem>> -> memref<64xi32, #tpu.memory_space<vmem>>
        %dma_wait3A_342 = arith.constant 0 : i32
        %dma_wait3A_343 = arith.constant 0 : i32
        %dma_wait3A_344 = tpu.memref_slice %arg7[%dma_wait3A_342, %dma_wait3A_343] : memref<10240x128xf32, #tpu.memory_space<vmem_shared>> -> memref<10240x128xf32, #tpu.memory_space<vmem_shared>>
        tpu.wait_indirect_dma semaphore(%run_scoped3A_332 : memref<!tpu.dma_semaphore, #tpu.memory_space<semaphore_mem>>) src(%arg13 : memref<64x128xf32, #tpu.memory_space<vmem>>) dst(%dma_wait3A_344 : memref<10240x128xf32, #tpu.memory_space<vmem_shared>>)
        tpu.yield
      }) : () -> ()
      %dma_start3A_194 = arith.constant 11 : i32
      %dma_start3A_195 = arith.constant 0 : i32
      %dma_start3A_196 = tpu.memref_slice %arg8[%rem3A_80, %dma_start3A_194, %dma_start3A_195] : memref<2x16x64xi32, #tpu.memory_space<vmem>> -> memref<1x1x64xi32, #tpu.memory_space<vmem>>
      %dma_start3A_197 = tpu.memref_squeeze %dma_start3A_196 : memref<1x1x64xi32, #tpu.memory_space<vmem>> -> memref<64xi32, #tpu.memory_space<vmem>>
      %dma_start3A_198 = arith.constant 0 : i32
      %dma_start3A_199 = arith.constant 0 : i32
      %dma_start3A_200 = tpu.memref_slice %arg2[%dma_start3A_198, %dma_start3A_199] : memref<10000x128xf32, #tpu.memory_space<hbm>> -> memref<10000x128xf32, #tpu.memory_space<hbm>>
      tpu.enqueue_indirect_dma source(%dma_start3A_200 : memref<10000x128xf32, #tpu.memory_space<hbm>>) target(%arg13 : memref<64x128xf32, #tpu.memory_space<vmem>>) offsets(%dma_start3A_197 : memref<64xi32, #tpu.memory_space<vmem>>) semaphore(%arg17 : memref<!tpu.dma_semaphore, #tpu.memory_space<semaphore_mem>>)
      %dma_wait3A_201 = arith.constant 8 : i32
      %dma_wait3A_202 = arith.constant 0 : i32
      %dma_wait3A_203 = tpu.memref_slice %arg8[%rem3A_80, %dma_wait3A_201, %dma_wait3A_202] : memref<2x16x64xi32, #tpu.memory_space<vmem>> -> memref<1x1x64xi32, #tpu.memory_space<vmem>>
      %dma_wait3A_204 = tpu.memref_squeeze %dma_wait3A_203 : memref<1x1x64xi32, #tpu.memory_space<vmem>> -> memref<64xi32, #tpu.memory_space<vmem>>
      %dma_wait3A_205 = arith.constant 0 : i32
      %dma_wait3A_206 = arith.constant 0 : i32
      %dma_wait3A_207 = tpu.memref_slice %arg2[%dma_wait3A_205, %dma_wait3A_206] : memref<10000x128xf32, #tpu.memory_space<hbm>> -> memref<10000x128xf32, #tpu.memory_space<hbm>>
      tpu.wait_indirect_dma semaphore(%arg14 : memref<!tpu.dma_semaphore, #tpu.memory_space<semaphore_mem>>) src(%dma_wait3A_207 : memref<10000x128xf32, #tpu.memory_space<hbm>>) dst(%arg10 : memref<64x128xf32, #tpu.memory_space<vmem>>)
      %run_scoped3A_208 = arith.constant 8 : i32
      "tpu.region"() ({
        %run_scoped3A_332 = tpu.sem_alloc : memref<!tpu.dma_semaphore, #tpu.memory_space<semaphore_mem>>
        %dma_start3A_333 = arith.constant 0 : i32
        %dma_start3A_334 = tpu.memref_slice %arg9[%rem3A_80, %run_scoped3A_208, %dma_start3A_333] : memref<2x16x64xi32, #tpu.memory_space<vmem>> -> memref<1x1x64xi32, #tpu.memory_space<vmem>>
        %dma_start3A_335 = tpu.memref_squeeze %dma_start3A_334 : memref<1x1x64xi32, #tpu.memory_space<vmem>> -> memref<64xi32, #tpu.memory_space<vmem>>
        %dma_start3A_336 = arith.constant 0 : i32
        %dma_start3A_337 = arith.constant 0 : i32
        %dma_start3A_338 = tpu.memref_slice %arg7[%dma_start3A_336, %dma_start3A_337] : memref<10240x128xf32, #tpu.memory_space<vmem_shared>> -> memref<10240x128xf32, #tpu.memory_space<vmem_shared>>
        tpu.enqueue_indirect_dma source(%arg10 : memref<64x128xf32, #tpu.memory_space<vmem>>) target(%dma_start3A_338 : memref<10240x128xf32, #tpu.memory_space<vmem_shared>>) offsets(%dma_start3A_335 : memref<64xi32, #tpu.memory_space<vmem>>) semaphore(%run_scoped3A_332 : memref<!tpu.dma_semaphore, #tpu.memory_space<semaphore_mem>>) {add = true}
        %dma_wait3A_339 = arith.constant 0 : i32
        %dma_wait3A_340 = tpu.memref_slice %arg9[%rem3A_80, %run_scoped3A_208, %dma_wait3A_339] : memref<2x16x64xi32, #tpu.memory_space<vmem>> -> memref<1x1x64xi32, #tpu.memory_space<vmem>>
        %dma_wait3A_341 = tpu.memref_squeeze %dma_wait3A_340 : memref<1x1x64xi32, #tpu.memory_space<vmem>> -> memref<64xi32, #tpu.memory_space<vmem>>
        %dma_wait3A_342 = arith.constant 0 : i32
        %dma_wait3A_343 = arith.constant 0 : i32
        %dma_wait3A_344 = tpu.memref_slice %arg7[%dma_wait3A_342, %dma_wait3A_343] : memref<10240x128xf32, #tpu.memory_space<vmem_shared>> -> memref<10240x128xf32, #tpu.memory_space<vmem_shared>>
        tpu.wait_indirect_dma semaphore(%run_scoped3A_332 : memref<!tpu.dma_semaphore, #tpu.memory_space<semaphore_mem>>) src(%arg10 : memref<64x128xf32, #tpu.memory_space<vmem>>) dst(%dma_wait3A_344 : memref<10240x128xf32, #tpu.memory_space<vmem_shared>>)
        tpu.yield
      }) : () -> ()
      %dma_start3A_209 = arith.constant 12 : i32
      %dma_start3A_210 = arith.constant 0 : i32
      %dma_start3A_211 = tpu.memref_slice %arg8[%rem3A_80, %dma_start3A_209, %dma_start3A_210] : memref<2x16x64xi32, #tpu.memory_space<vmem>> -> memref<1x1x64xi32, #tpu.memory_space<vmem>>
      %dma_start3A_212 = tpu.memref_squeeze %dma_start3A_211 : memref<1x1x64xi32, #tpu.memory_space<vmem>> -> memref<64xi32, #tpu.memory_space<vmem>>
      %dma_start3A_213 = arith.constant 0 : i32
      %dma_start3A_214 = arith.constant 0 : i32
      %dma_start3A_215 = tpu.memref_slice %arg2[%dma_start3A_213, %dma_start3A_214] : memref<10000x128xf32, #tpu.memory_space<hbm>> -> memref<10000x128xf32, #tpu.memory_space<hbm>>
      tpu.enqueue_indirect_dma source(%dma_start3A_215 : memref<10000x128xf32, #tpu.memory_space<hbm>>) target(%arg10 : memref<64x128xf32, #tpu.memory_space<vmem>>) offsets(%dma_start3A_212 : memref<64xi32, #tpu.memory_space<vmem>>) semaphore(%arg14 : memref<!tpu.dma_semaphore, #tpu.memory_space<semaphore_mem>>)
      %dma_wait3A_216 = arith.constant 9 : i32
      %dma_wait3A_217 = arith.constant 0 : i32
      %dma_wait3A_218 = tpu.memref_slice %arg8[%rem3A_80, %dma_wait3A_216, %dma_wait3A_217] : memref<2x16x64xi32, #tpu.memory_space<vmem>> -> memref<1x1x64xi32, #tpu.memory_space<vmem>>
      %dma_wait3A_219 = tpu.memref_squeeze %dma_wait3A_218 : memref<1x1x64xi32, #tpu.memory_space<vmem>> -> memref<64xi32, #tpu.memory_space<vmem>>
      %dma_wait3A_220 = arith.constant 0 : i32
      %dma_wait3A_221 = arith.constant 0 : i32
      %dma_wait3A_222 = tpu.memref_slice %arg2[%dma_wait3A_220, %dma_wait3A_221] : memref<10000x128xf32, #tpu.memory_space<hbm>> -> memref<10000x128xf32, #tpu.memory_space<hbm>>
      tpu.wait_indirect_dma semaphore(%arg15 : memref<!tpu.dma_semaphore, #tpu.memory_space<semaphore_mem>>) src(%dma_wait3A_222 : memref<10000x128xf32, #tpu.memory_space<hbm>>) dst(%arg11 : memref<64x128xf32, #tpu.memory_space<vmem>>)
      %run_scoped3A_223 = arith.constant 9 : i32
      "tpu.region"() ({
        %run_scoped3A_332 = tpu.sem_alloc : memref<!tpu.dma_semaphore, #tpu.memory_space<semaphore_mem>>
        %dma_start3A_333 = arith.constant 0 : i32
        %dma_start3A_334 = tpu.memref_slice %arg9[%rem3A_80, %run_scoped3A_223, %dma_start3A_333] : memref<2x16x64xi32, #tpu.memory_space<vmem>> -> memref<1x1x64xi32, #tpu.memory_space<vmem>>
        %dma_start3A_335 = tpu.memref_squeeze %dma_start3A_334 : memref<1x1x64xi32, #tpu.memory_space<vmem>> -> memref<64xi32, #tpu.memory_space<vmem>>
        %dma_start3A_336 = arith.constant 0 : i32
        %dma_start3A_337 = arith.constant 0 : i32
        %dma_start3A_338 = tpu.memref_slice %arg7[%dma_start3A_336, %dma_start3A_337] : memref<10240x128xf32, #tpu.memory_space<vmem_shared>> -> memref<10240x128xf32, #tpu.memory_space<vmem_shared>>
        tpu.enqueue_indirect_dma source(%arg11 : memref<64x128xf32, #tpu.memory_space<vmem>>) target(%dma_start3A_338 : memref<10240x128xf32, #tpu.memory_space<vmem_shared>>) offsets(%dma_start3A_335 : memref<64xi32, #tpu.memory_space<vmem>>) semaphore(%run_scoped3A_332 : memref<!tpu.dma_semaphore, #tpu.memory_space<semaphore_mem>>) {add = true}
        %dma_wait3A_339 = arith.constant 0 : i32
        %dma_wait3A_340 = tpu.memref_slice %arg9[%rem3A_80, %run_scoped3A_223, %dma_wait3A_339] : memref<2x16x64xi32, #tpu.memory_space<vmem>> -> memref<1x1x64xi32, #tpu.memory_space<vmem>>
        %dma_wait3A_341 = tpu.memref_squeeze %dma_wait3A_340 : memref<1x1x64xi32, #tpu.memory_space<vmem>> -> memref<64xi32, #tpu.memory_space<vmem>>
        %dma_wait3A_342 = arith.constant 0 : i32
        %dma_wait3A_343 = arith.constant 0 : i32
        %dma_wait3A_344 = tpu.memref_slice %arg7[%dma_wait3A_342, %dma_wait3A_343] : memref<10240x128xf32, #tpu.memory_space<vmem_shared>> -> memref<10240x128xf32, #tpu.memory_space<vmem_shared>>
        tpu.wait_indirect_dma semaphore(%run_scoped3A_332 : memref<!tpu.dma_semaphore, #tpu.memory_space<semaphore_mem>>) src(%arg11 : memref<64x128xf32, #tpu.memory_space<vmem>>) dst(%dma_wait3A_344 : memref<10240x128xf32, #tpu.memory_space<vmem_shared>>)
        tpu.yield
      }) : () -> ()
      %dma_start3A_224 = arith.constant 13 : i32
      %dma_start3A_225 = arith.constant 0 : i32
      %dma_start3A_226 = tpu.memref_slice %arg8[%rem3A_80, %dma_start3A_224, %dma_start3A_225] : memref<2x16x64xi32, #tpu.memory_space<vmem>> -> memref<1x1x64xi32, #tpu.memory_space<vmem>>
      %dma_start3A_227 = tpu.memref_squeeze %dma_start3A_226 : memref<1x1x64xi32, #tpu.memory_space<vmem>> -> memref<64xi32, #tpu.memory_space<vmem>>
      %dma_start3A_228 = arith.constant 0 : i32
      %dma_start3A_229 = arith.constant 0 : i32
      %dma_start3A_230 = tpu.memref_slice %arg2[%dma_start3A_228, %dma_start3A_229] : memref<10000x128xf32, #tpu.memory_space<hbm>> -> memref<10000x128xf32, #tpu.memory_space<hbm>>
      tpu.enqueue_indirect_dma source(%dma_start3A_230 : memref<10000x128xf32, #tpu.memory_space<hbm>>) target(%arg11 : memref<64x128xf32, #tpu.memory_space<vmem>>) offsets(%dma_start3A_227 : memref<64xi32, #tpu.memory_space<vmem>>) semaphore(%arg15 : memref<!tpu.dma_semaphore, #tpu.memory_space<semaphore_mem>>)
      %dma_wait3A_231 = arith.constant 10 : i32
      %dma_wait3A_232 = arith.constant 0 : i32
      %dma_wait3A_233 = tpu.memref_slice %arg8[%rem3A_80, %dma_wait3A_231, %dma_wait3A_232] : memref<2x16x64xi32, #tpu.memory_space<vmem>> -> memref<1x1x64xi32, #tpu.memory_space<vmem>>
      %dma_wait3A_234 = tpu.memref_squeeze %dma_wait3A_233 : memref<1x1x64xi32, #tpu.memory_space<vmem>> -> memref<64xi32, #tpu.memory_space<vmem>>
      %dma_wait3A_235 = arith.constant 0 : i32
      %dma_wait3A_236 = arith.constant 0 : i32
      %dma_wait3A_237 = tpu.memref_slice %arg2[%dma_wait3A_235, %dma_wait3A_236] : memref<10000x128xf32, #tpu.memory_space<hbm>> -> memref<10000x128xf32, #tpu.memory_space<hbm>>
      tpu.wait_indirect_dma semaphore(%arg16 : memref<!tpu.dma_semaphore, #tpu.memory_space<semaphore_mem>>) src(%dma_wait3A_237 : memref<10000x128xf32, #tpu.memory_space<hbm>>) dst(%arg12 : memref<64x128xf32, #tpu.memory_space<vmem>>)
      %run_scoped3A_238 = arith.constant 10 : i32
      "tpu.region"() ({
        %run_scoped3A_332 = tpu.sem_alloc : memref<!tpu.dma_semaphore, #tpu.memory_space<semaphore_mem>>
        %dma_start3A_333 = arith.constant 0 : i32
        %dma_start3A_334 = tpu.memref_slice %arg9[%rem3A_80, %run_scoped3A_238, %dma_start3A_333] : memref<2x16x64xi32, #tpu.memory_space<vmem>> -> memref<1x1x64xi32, #tpu.memory_space<vmem>>
        %dma_start3A_335 = tpu.memref_squeeze %dma_start3A_334 : memref<1x1x64xi32, #tpu.memory_space<vmem>> -> memref<64xi32, #tpu.memory_space<vmem>>
        %dma_start3A_336 = arith.constant 0 : i32
        %dma_start3A_337 = arith.constant 0 : i32
        %dma_start3A_338 = tpu.memref_slice %arg7[%dma_start3A_336, %dma_start3A_337] : memref<10240x128xf32, #tpu.memory_space<vmem_shared>> -> memref<10240x128xf32, #tpu.memory_space<vmem_shared>>
        tpu.enqueue_indirect_dma source(%arg12 : memref<64x128xf32, #tpu.memory_space<vmem>>) target(%dma_start3A_338 : memref<10240x128xf32, #tpu.memory_space<vmem_shared>>) offsets(%dma_start3A_335 : memref<64xi32, #tpu.memory_space<vmem>>) semaphore(%run_scoped3A_332 : memref<!tpu.dma_semaphore, #tpu.memory_space<semaphore_mem>>) {add = true}
        %dma_wait3A_339 = arith.constant 0 : i32
        %dma_wait3A_340 = tpu.memref_slice %arg9[%rem3A_80, %run_scoped3A_238, %dma_wait3A_339] : memref<2x16x64xi32, #tpu.memory_space<vmem>> -> memref<1x1x64xi32, #tpu.memory_space<vmem>>
        %dma_wait3A_341 = tpu.memref_squeeze %dma_wait3A_340 : memref<1x1x64xi32, #tpu.memory_space<vmem>> -> memref<64xi32, #tpu.memory_space<vmem>>
        %dma_wait3A_342 = arith.constant 0 : i32
        %dma_wait3A_343 = arith.constant 0 : i32
        %dma_wait3A_344 = tpu.memref_slice %arg7[%dma_wait3A_342, %dma_wait3A_343] : memref<10240x128xf32, #tpu.memory_space<vmem_shared>> -> memref<10240x128xf32, #tpu.memory_space<vmem_shared>>
        tpu.wait_indirect_dma semaphore(%run_scoped3A_332 : memref<!tpu.dma_semaphore, #tpu.memory_space<semaphore_mem>>) src(%arg12 : memref<64x128xf32, #tpu.memory_space<vmem>>) dst(%dma_wait3A_344 : memref<10240x128xf32, #tpu.memory_space<vmem_shared>>)
        tpu.yield
      }) : () -> ()
      %dma_start3A_239 = arith.constant 14 : i32
      %dma_start3A_240 = arith.constant 0 : i32
      %dma_start3A_241 = tpu.memref_slice %arg8[%rem3A_80, %dma_start3A_239, %dma_start3A_240] : memref<2x16x64xi32, #tpu.memory_space<vmem>> -> memref<1x1x64xi32, #tpu.memory_space<vmem>>
      %dma_start3A_242 = tpu.memref_squeeze %dma_start3A_241 : memref<1x1x64xi32, #tpu.memory_space<vmem>> -> memref<64xi32, #tpu.memory_space<vmem>>
      %dma_start3A_243 = arith.constant 0 : i32
      %dma_start3A_244 = arith.constant 0 : i32
      %dma_start3A_245 = tpu.memref_slice %arg2[%dma_start3A_243, %dma_start3A_244] : memref<10000x128xf32, #tpu.memory_space<hbm>> -> memref<10000x128xf32, #tpu.memory_space<hbm>>
      tpu.enqueue_indirect_dma source(%dma_start3A_245 : memref<10000x128xf32, #tpu.memory_space<hbm>>) target(%arg12 : memref<64x128xf32, #tpu.memory_space<vmem>>) offsets(%dma_start3A_242 : memref<64xi32, #tpu.memory_space<vmem>>) semaphore(%arg16 : memref<!tpu.dma_semaphore, #tpu.memory_space<semaphore_mem>>)
      %dma_wait3A_246 = arith.constant 11 : i32
      %dma_wait3A_247 = arith.constant 0 : i32
      %dma_wait3A_248 = tpu.memref_slice %arg8[%rem3A_80, %dma_wait3A_246, %dma_wait3A_247] : memref<2x16x64xi32, #tpu.memory_space<vmem>> -> memref<1x1x64xi32, #tpu.memory_space<vmem>>
      %dma_wait3A_249 = tpu.memref_squeeze %dma_wait3A_248 : memref<1x1x64xi32, #tpu.memory_space<vmem>> -> memref<64xi32, #tpu.memory_space<vmem>>
      %dma_wait3A_250 = arith.constant 0 : i32
      %dma_wait3A_251 = arith.constant 0 : i32
      %dma_wait3A_252 = tpu.memref_slice %arg2[%dma_wait3A_250, %dma_wait3A_251] : memref<10000x128xf32, #tpu.memory_space<hbm>> -> memref<10000x128xf32, #tpu.memory_space<hbm>>
      tpu.wait_indirect_dma semaphore(%arg17 : memref<!tpu.dma_semaphore, #tpu.memory_space<semaphore_mem>>) src(%dma_wait3A_252 : memref<10000x128xf32, #tpu.memory_space<hbm>>) dst(%arg13 : memref<64x128xf32, #tpu.memory_space<vmem>>)
      %run_scoped3A_253 = arith.constant 11 : i32
      "tpu.region"() ({
        %run_scoped3A_332 = tpu.sem_alloc : memref<!tpu.dma_semaphore, #tpu.memory_space<semaphore_mem>>
        %dma_start3A_333 = arith.constant 0 : i32
        %dma_start3A_334 = tpu.memref_slice %arg9[%rem3A_80, %run_scoped3A_253, %dma_start3A_333] : memref<2x16x64xi32, #tpu.memory_space<vmem>> -> memref<1x1x64xi32, #tpu.memory_space<vmem>>
        %dma_start3A_335 = tpu.memref_squeeze %dma_start3A_334 : memref<1x1x64xi32, #tpu.memory_space<vmem>> -> memref<64xi32, #tpu.memory_space<vmem>>
        %dma_start3A_336 = arith.constant 0 : i32
        %dma_start3A_337 = arith.constant 0 : i32
        %dma_start3A_338 = tpu.memref_slice %arg7[%dma_start3A_336, %dma_start3A_337] : memref<10240x128xf32, #tpu.memory_space<vmem_shared>> -> memref<10240x128xf32, #tpu.memory_space<vmem_shared>>
        tpu.enqueue_indirect_dma source(%arg13 : memref<64x128xf32, #tpu.memory_space<vmem>>) target(%dma_start3A_338 : memref<10240x128xf32, #tpu.memory_space<vmem_shared>>) offsets(%dma_start3A_335 : memref<64xi32, #tpu.memory_space<vmem>>) semaphore(%run_scoped3A_332 : memref<!tpu.dma_semaphore, #tpu.memory_space<semaphore_mem>>) {add = true}
        %dma_wait3A_339 = arith.constant 0 : i32
        %dma_wait3A_340 = tpu.memref_slice %arg9[%rem3A_80, %run_scoped3A_253, %dma_wait3A_339] : memref<2x16x64xi32, #tpu.memory_space<vmem>> -> memref<1x1x64xi32, #tpu.memory_space<vmem>>
        %dma_wait3A_341 = tpu.memref_squeeze %dma_wait3A_340 : memref<1x1x64xi32, #tpu.memory_space<vmem>> -> memref<64xi32, #tpu.memory_space<vmem>>
        %dma_wait3A_342 = arith.constant 0 : i32
        %dma_wait3A_343 = arith.constant 0 : i32
        %dma_wait3A_344 = tpu.memref_slice %arg7[%dma_wait3A_342, %dma_wait3A_343] : memref<10240x128xf32, #tpu.memory_space<vmem_shared>> -> memref<10240x128xf32, #tpu.memory_space<vmem_shared>>
        tpu.wait_indirect_dma semaphore(%run_scoped3A_332 : memref<!tpu.dma_semaphore, #tpu.memory_space<semaphore_mem>>) src(%arg13 : memref<64x128xf32, #tpu.memory_space<vmem>>) dst(%dma_wait3A_344 : memref<10240x128xf32, #tpu.memory_space<vmem_shared>>)
        tpu.yield
      }) : () -> ()
      %dma_start3A_254 = arith.constant 15 : i32
      %dma_start3A_255 = arith.constant 0 : i32
      %dma_start3A_256 = tpu.memref_slice %arg8[%rem3A_80, %dma_start3A_254, %dma_start3A_255] : memref<2x16x64xi32, #tpu.memory_space<vmem>> -> memref<1x1x64xi32, #tpu.memory_space<vmem>>
      %dma_start3A_257 = tpu.memref_squeeze %dma_start3A_256 : memref<1x1x64xi32, #tpu.memory_space<vmem>> -> memref<64xi32, #tpu.memory_space<vmem>>
      %dma_start3A_258 = arith.constant 0 : i32
      %dma_start3A_259 = arith.constant 0 : i32
      %dma_start3A_260 = tpu.memref_slice %arg2[%dma_start3A_258, %dma_start3A_259] : memref<10000x128xf32, #tpu.memory_space<hbm>> -> memref<10000x128xf32, #tpu.memory_space<hbm>>
      tpu.enqueue_indirect_dma source(%dma_start3A_260 : memref<10000x128xf32, #tpu.memory_space<hbm>>) target(%arg13 : memref<64x128xf32, #tpu.memory_space<vmem>>) offsets(%dma_start3A_257 : memref<64xi32, #tpu.memory_space<vmem>>) semaphore(%arg17 : memref<!tpu.dma_semaphore, #tpu.memory_space<semaphore_mem>>)
      %dma_wait3A_261 = arith.constant 12 : i32
      %dma_wait3A_262 = arith.constant 0 : i32
      %dma_wait3A_263 = tpu.memref_slice %arg8[%rem3A_80, %dma_wait3A_261, %dma_wait3A_262] : memref<2x16x64xi32, #tpu.memory_space<vmem>> -> memref<1x1x64xi32, #tpu.memory_space<vmem>>
      %dma_wait3A_264 = tpu.memref_squeeze %dma_wait3A_263 : memref<1x1x64xi32, #tpu.memory_space<vmem>> -> memref<64xi32, #tpu.memory_space<vmem>>
      %dma_wait3A_265 = arith.constant 0 : i32
      %dma_wait3A_266 = arith.constant 0 : i32
      %dma_wait3A_267 = tpu.memref_slice %arg2[%dma_wait3A_265, %dma_wait3A_266] : memref<10000x128xf32, #tpu.memory_space<hbm>> -> memref<10000x128xf32, #tpu.memory_space<hbm>>
      tpu.wait_indirect_dma semaphore(%arg14 : memref<!tpu.dma_semaphore, #tpu.memory_space<semaphore_mem>>) src(%dma_wait3A_267 : memref<10000x128xf32, #tpu.memory_space<hbm>>) dst(%arg10 : memref<64x128xf32, #tpu.memory_space<vmem>>)
      %run_scoped3A_268 = arith.constant 12 : i32
      "tpu.region"() ({
        %run_scoped3A_332 = tpu.sem_alloc : memref<!tpu.dma_semaphore, #tpu.memory_space<semaphore_mem>>
        %dma_start3A_333 = arith.constant 0 : i32
        %dma_start3A_334 = tpu.memref_slice %arg9[%rem3A_80, %run_scoped3A_268, %dma_start3A_333] : memref<2x16x64xi32, #tpu.memory_space<vmem>> -> memref<1x1x64xi32, #tpu.memory_space<vmem>>
        %dma_start3A_335 = tpu.memref_squeeze %dma_start3A_334 : memref<1x1x64xi32, #tpu.memory_space<vmem>> -> memref<64xi32, #tpu.memory_space<vmem>>
        %dma_start3A_336 = arith.constant 0 : i32
        %dma_start3A_337 = arith.constant 0 : i32
        %dma_start3A_338 = tpu.memref_slice %arg7[%dma_start3A_336, %dma_start3A_337] : memref<10240x128xf32, #tpu.memory_space<vmem_shared>> -> memref<10240x128xf32, #tpu.memory_space<vmem_shared>>
        tpu.enqueue_indirect_dma source(%arg10 : memref<64x128xf32, #tpu.memory_space<vmem>>) target(%dma_start3A_338 : memref<10240x128xf32, #tpu.memory_space<vmem_shared>>) offsets(%dma_start3A_335 : memref<64xi32, #tpu.memory_space<vmem>>) semaphore(%run_scoped3A_332 : memref<!tpu.dma_semaphore, #tpu.memory_space<semaphore_mem>>) {add = true}
        %dma_wait3A_339 = arith.constant 0 : i32
        %dma_wait3A_340 = tpu.memref_slice %arg9[%rem3A_80, %run_scoped3A_268, %dma_wait3A_339] : memref<2x16x64xi32, #tpu.memory_space<vmem>> -> memref<1x1x64xi32, #tpu.memory_space<vmem>>
        %dma_wait3A_341 = tpu.memref_squeeze %dma_wait3A_340 : memref<1x1x64xi32, #tpu.memory_space<vmem>> -> memref<64xi32, #tpu.memory_space<vmem>>
        %dma_wait3A_342 = arith.constant 0 : i32
        %dma_wait3A_343 = arith.constant 0 : i32
        %dma_wait3A_344 = tpu.memref_slice %arg7[%dma_wait3A_342, %dma_wait3A_343] : memref<10240x128xf32, #tpu.memory_space<vmem_shared>> -> memref<10240x128xf32, #tpu.memory_space<vmem_shared>>
        tpu.wait_indirect_dma semaphore(%run_scoped3A_332 : memref<!tpu.dma_semaphore, #tpu.memory_space<semaphore_mem>>) src(%arg10 : memref<64x128xf32, #tpu.memory_space<vmem>>) dst(%dma_wait3A_344 : memref<10240x128xf32, #tpu.memory_space<vmem_shared>>)
        tpu.yield
      }) : () -> ()
      %add3A_269 = arith.constant 1 : i32
      %add3A_270 = arith.addi %scan3A_79, %add3A_269 : i32
      %lt3A = arith.constant 10 : i32
      %lt3A_271 = arith.cmpi slt, %add3A_270, %lt3A : i32
      %convert_element_type3A = arith.extui %lt3A_271 : i1 to i32
      %cond3A = arith.constant 0 : i32
      %cond3A_272 = arith.cmpi ne, %convert_element_type3A, %cond3A : i32
      scf.if %cond3A_272 {
        %add3A_332 = arith.constant 1 : i32
        %add3A_333 = arith.addi %scan3A_79, %add3A_332 : i32
        %dma_wait3A_334 = arith.constant 0 : i32
        %dma_wait3A_335 = arith.constant 0 : i32
        %dma_wait3A_336 = tpu.memref_slice %arg8[%sub3A_81, %dma_wait3A_334, %dma_wait3A_335] : memref<2x16x64xi32, #tpu.memory_space<vmem>> -> memref<1x16x64xi32, #tpu.memory_space<vmem>>
        %dma_wait3A_337 = tpu.memref_squeeze %dma_wait3A_336 : memref<1x16x64xi32, #tpu.memory_space<vmem>> -> memref<16x64xi32, #tpu.memory_space<vmem>>
        %dma_wait3A_338 = arith.constant 0 : i32
        %dma_wait3A_339 = arith.constant 0 : i32
        %dma_wait3A_340 = tpu.memref_slice %arg3[%add3A, %add3A_333, %dma_wait3A_338, %dma_wait3A_339] : memref<32x10x16x64xi32, #tpu.memory_space<hbm>> -> memref<1x1x16x64xi32, #tpu.memory_space<hbm>>
        %dma_wait3A_341 = tpu.memref_squeeze %dma_wait3A_340 : memref<1x1x16x64xi32, #tpu.memory_space<hbm>> -> memref<16x64xi32, #tpu.memory_space<hbm>>
        %dma_wait3A_342 = arith.constant 0 : i32
        %dma_wait3A_343 = arith.constant 0 : i32
        %dma_wait3A_344 = tpu.memref_slice %arg8[%sub3A_81, %dma_wait3A_342, %dma_wait3A_343] : memref<2x16x64xi32, #tpu.memory_space<vmem>> -> memref<1x16x64xi32, #tpu.memory_space<vmem>>
        %dma_wait3A_345 = tpu.memref_squeeze %dma_wait3A_344 : memref<1x16x64xi32, #tpu.memory_space<vmem>> -> memref<16x64xi32, #tpu.memory_space<vmem>>
        %dma_wait3A_346 = arith.constant 0 : i32
        %dma_wait3A_347 = arith.constant 0 : i32
        %dma_wait3A_348 = tpu.memref_slice %arg3[%add3A, %add3A_333, %dma_wait3A_346, %dma_wait3A_347] : memref<32x10x16x64xi32, #tpu.memory_space<hbm>> -> memref<1x1x16x64xi32, #tpu.memory_space<hbm>>
        %dma_wait3A_349 = tpu.memref_squeeze %dma_wait3A_348 : memref<1x1x16x64xi32, #tpu.memory_space<hbm>> -> memref<16x64xi32, #tpu.memory_space<hbm>>
        tpu.wait_dma2 semaphore(%arg18 : memref<!tpu.dma_semaphore, #tpu.memory_space<semaphore_mem>>) src(%dma_wait3A_349 : memref<16x64xi32, #tpu.memory_space<hbm>>) dst(%dma_wait3A_345 : memref<16x64xi32, #tpu.memory_space<vmem>>)
        %add3A_350 = arith.constant 1 : i32
        %add3A_351 = arith.addi %scan3A_79, %add3A_350 : i32
        %dma_wait3A_352 = arith.constant 0 : i32
        %dma_wait3A_353 = arith.constant 0 : i32
        %dma_wait3A_354 = tpu.memref_slice %arg9[%sub3A_81, %dma_wait3A_352, %dma_wait3A_353] : memref<2x16x64xi32, #tpu.memory_space<vmem>> -> memref<1x16x64xi32, #tpu.memory_space<vmem>>
        %dma_wait3A_355 = tpu.memref_squeeze %dma_wait3A_354 : memref<1x16x64xi32, #tpu.memory_space<vmem>> -> memref<16x64xi32, #tpu.memory_space<vmem>>
        %dma_wait3A_356 = arith.constant 0 : i32
        %dma_wait3A_357 = arith.constant 0 : i32
        %dma_wait3A_358 = tpu.memref_slice %arg4[%add3A, %add3A_351, %dma_wait3A_356, %dma_wait3A_357] : memref<32x10x16x64xi32, #tpu.memory_space<hbm>> -> memref<1x1x16x64xi32, #tpu.memory_space<hbm>>
        %dma_wait3A_359 = tpu.memref_squeeze %dma_wait3A_358 : memref<1x1x16x64xi32, #tpu.memory_space<hbm>> -> memref<16x64xi32, #tpu.memory_space<hbm>>
        %dma_wait3A_360 = arith.constant 0 : i32
        %dma_wait3A_361 = arith.constant 0 : i32
        %dma_wait3A_362 = tpu.memref_slice %arg9[%sub3A_81, %dma_wait3A_360, %dma_wait3A_361] : memref<2x16x64xi32, #tpu.memory_space<vmem>> -> memref<1x16x64xi32, #tpu.memory_space<vmem>>
        %dma_wait3A_363 = tpu.memref_squeeze %dma_wait3A_362 : memref<1x16x64xi32, #tpu.memory_space<vmem>> -> memref<16x64xi32, #tpu.memory_space<vmem>>
        %dma_wait3A_364 = arith.constant 0 : i32
        %dma_wait3A_365 = arith.constant 0 : i32
        %dma_wait3A_366 = tpu.memref_slice %arg4[%add3A, %add3A_351, %dma_wait3A_364, %dma_wait3A_365] : memref<32x10x16x64xi32, #tpu.memory_space<hbm>> -> memref<1x1x16x64xi32, #tpu.memory_space<hbm>>
        %dma_wait3A_367 = tpu.memref_squeeze %dma_wait3A_366 : memref<1x1x16x64xi32, #tpu.memory_space<hbm>> -> memref<16x64xi32, #tpu.memory_space<hbm>>
        tpu.wait_dma2 semaphore(%arg18 : memref<!tpu.dma_semaphore, #tpu.memory_space<semaphore_mem>>) src(%dma_wait3A_367 : memref<16x64xi32, #tpu.memory_space<hbm>>) dst(%dma_wait3A_363 : memref<16x64xi32, #tpu.memory_space<vmem>>)
      } else {
      }
      %add3A_273 = arith.constant 1 : i32
      %add3A_274 = arith.addi %scan3A_79, %add3A_273 : i32
      %lt3A_275 = arith.constant 10 : i32
      %lt3A_276 = arith.cmpi slt, %add3A_274, %lt3A_275 : i32
      %convert_element_type3A_277 = arith.extui %lt3A_276 : i1 to i32
      %cond3A_278 = arith.constant 0 : i32
      %cond3A_279 = arith.cmpi ne, %convert_element_type3A_277, %cond3A_278 : i32
      scf.if %cond3A_279 {
        %dma_start3A_332 = arith.constant 0 : i32
        %dma_start3A_333 = arith.constant 0 : i32
        %dma_start3A_334 = tpu.memref_slice %arg8[%sub3A_81, %dma_start3A_332, %dma_start3A_333] : memref<2x16x64xi32, #tpu.memory_space<vmem>> -> memref<1x1x64xi32, #tpu.memory_space<vmem>>
        %dma_start3A_335 = tpu.memref_squeeze %dma_start3A_334 : memref<1x1x64xi32, #tpu.memory_space<vmem>> -> memref<64xi32, #tpu.memory_space<vmem>>
        %dma_start3A_336 = arith.constant 0 : i32
        %dma_start3A_337 = arith.constant 0 : i32
        %dma_start3A_338 = tpu.memref_slice %arg2[%dma_start3A_336, %dma_start3A_337] : memref<10000x128xf32, #tpu.memory_space<hbm>> -> memref<10000x128xf32, #tpu.memory_space<hbm>>
        tpu.enqueue_indirect_dma source(%dma_start3A_338 : memref<10000x128xf32, #tpu.memory_space<hbm>>) target(%arg10 : memref<64x128xf32, #tpu.memory_space<vmem>>) offsets(%dma_start3A_335 : memref<64xi32, #tpu.memory_space<vmem>>) semaphore(%arg14 : memref<!tpu.dma_semaphore, #tpu.memory_space<semaphore_mem>>)
      } else {
      }
      %dma_wait3A_280 = arith.constant 13 : i32
      %dma_wait3A_281 = arith.constant 0 : i32
      %dma_wait3A_282 = tpu.memref_slice %arg8[%rem3A_80, %dma_wait3A_280, %dma_wait3A_281] : memref<2x16x64xi32, #tpu.memory_space<vmem>> -> memref<1x1x64xi32, #tpu.memory_space<vmem>>
      %dma_wait3A_283 = tpu.memref_squeeze %dma_wait3A_282 : memref<1x1x64xi32, #tpu.memory_space<vmem>> -> memref<64xi32, #tpu.memory_space<vmem>>
      %dma_wait3A_284 = arith.constant 0 : i32
      %dma_wait3A_285 = arith.constant 0 : i32
      %dma_wait3A_286 = tpu.memref_slice %arg2[%dma_wait3A_284, %dma_wait3A_285] : memref<10000x128xf32, #tpu.memory_space<hbm>> -> memref<10000x128xf32, #tpu.memory_space<hbm>>
      tpu.wait_indirect_dma semaphore(%arg15 : memref<!tpu.dma_semaphore, #tpu.memory_space<semaphore_mem>>) src(%dma_wait3A_286 : memref<10000x128xf32, #tpu.memory_space<hbm>>) dst(%arg11 : memref<64x128xf32, #tpu.memory_space<vmem>>)
      %run_scoped3A_287 = arith.constant 13 : i32
      "tpu.region"() ({
        %run_scoped3A_332 = tpu.sem_alloc : memref<!tpu.dma_semaphore, #tpu.memory_space<semaphore_mem>>
        %dma_start3A_333 = arith.constant 0 : i32
        %dma_start3A_334 = tpu.memref_slice %arg9[%rem3A_80, %run_scoped3A_287, %dma_start3A_333] : memref<2x16x64xi32, #tpu.memory_space<vmem>> -> memref<1x1x64xi32, #tpu.memory_space<vmem>>
        %dma_start3A_335 = tpu.memref_squeeze %dma_start3A_334 : memref<1x1x64xi32, #tpu.memory_space<vmem>> -> memref<64xi32, #tpu.memory_space<vmem>>
        %dma_start3A_336 = arith.constant 0 : i32
        %dma_start3A_337 = arith.constant 0 : i32
        %dma_start3A_338 = tpu.memref_slice %arg7[%dma_start3A_336, %dma_start3A_337] : memref<10240x128xf32, #tpu.memory_space<vmem_shared>> -> memref<10240x128xf32, #tpu.memory_space<vmem_shared>>
        tpu.enqueue_indirect_dma source(%arg11 : memref<64x128xf32, #tpu.memory_space<vmem>>) target(%dma_start3A_338 : memref<10240x128xf32, #tpu.memory_space<vmem_shared>>) offsets(%dma_start3A_335 : memref<64xi32, #tpu.memory_space<vmem>>) semaphore(%run_scoped3A_332 : memref<!tpu.dma_semaphore, #tpu.memory_space<semaphore_mem>>) {add = true}
        %dma_wait3A_339 = arith.constant 0 : i32
        %dma_wait3A_340 = tpu.memref_slice %arg9[%rem3A_80, %run_scoped3A_287, %dma_wait3A_339] : memref<2x16x64xi32, #tpu.memory_space<vmem>> -> memref<1x1x64xi32, #tpu.memory_space<vmem>>
        %dma_wait3A_341 = tpu.memref_squeeze %dma_wait3A_340 : memref<1x1x64xi32, #tpu.memory_space<vmem>> -> memref<64xi32, #tpu.memory_space<vmem>>
        %dma_wait3A_342 = arith.constant 0 : i32
        %dma_wait3A_343 = arith.constant 0 : i32
        %dma_wait3A_344 = tpu.memref_slice %arg7[%dma_wait3A_342, %dma_wait3A_343] : memref<10240x128xf32, #tpu.memory_space<vmem_shared>> -> memref<10240x128xf32, #tpu.memory_space<vmem_shared>>
        tpu.wait_indirect_dma semaphore(%run_scoped3A_332 : memref<!tpu.dma_semaphore, #tpu.memory_space<semaphore_mem>>) src(%arg11 : memref<64x128xf32, #tpu.memory_space<vmem>>) dst(%dma_wait3A_344 : memref<10240x128xf32, #tpu.memory_space<vmem_shared>>)
        tpu.yield
      }) : () -> ()
      %add3A_288 = arith.constant 1 : i32
      %add3A_289 = arith.addi %scan3A_79, %add3A_288 : i32
      %lt3A_290 = arith.constant 10 : i32
      %lt3A_291 = arith.cmpi slt, %add3A_289, %lt3A_290 : i32
      %convert_element_type3A_292 = arith.extui %lt3A_291 : i1 to i32
      %cond3A_293 = arith.constant 0 : i32
      %cond3A_294 = arith.cmpi ne, %convert_element_type3A_292, %cond3A_293 : i32
      scf.if %cond3A_294 {
        %dma_start3A_332 = arith.constant 1 : i32
        %dma_start3A_333 = arith.constant 0 : i32
        %dma_start3A_334 = tpu.memref_slice %arg8[%sub3A_81, %dma_start3A_332, %dma_start3A_333] : memref<2x16x64xi32, #tpu.memory_space<vmem>> -> memref<1x1x64xi32, #tpu.memory_space<vmem>>
        %dma_start3A_335 = tpu.memref_squeeze %dma_start3A_334 : memref<1x1x64xi32, #tpu.memory_space<vmem>> -> memref<64xi32, #tpu.memory_space<vmem>>
        %dma_start3A_336 = arith.constant 0 : i32
        %dma_start3A_337 = arith.constant 0 : i32
        %dma_start3A_338 = tpu.memref_slice %arg2[%dma_start3A_336, %dma_start3A_337] : memref<10000x128xf32, #tpu.memory_space<hbm>> -> memref<10000x128xf32, #tpu.memory_space<hbm>>
        tpu.enqueue_indirect_dma source(%dma_start3A_338 : memref<10000x128xf32, #tpu.memory_space<hbm>>) target(%arg11 : memref<64x128xf32, #tpu.memory_space<vmem>>) offsets(%dma_start3A_335 : memref<64xi32, #tpu.memory_space<vmem>>) semaphore(%arg15 : memref<!tpu.dma_semaphore, #tpu.memory_space<semaphore_mem>>)
      } else {
      }
      %dma_wait3A_295 = arith.constant 14 : i32
      %dma_wait3A_296 = arith.constant 0 : i32
      %dma_wait3A_297 = tpu.memref_slice %arg8[%rem3A_80, %dma_wait3A_295, %dma_wait3A_296] : memref<2x16x64xi32, #tpu.memory_space<vmem>> -> memref<1x1x64xi32, #tpu.memory_space<vmem>>
      %dma_wait3A_298 = tpu.memref_squeeze %dma_wait3A_297 : memref<1x1x64xi32, #tpu.memory_space<vmem>> -> memref<64xi32, #tpu.memory_space<vmem>>
      %dma_wait3A_299 = arith.constant 0 : i32
      %dma_wait3A_300 = arith.constant 0 : i32
      %dma_wait3A_301 = tpu.memref_slice %arg2[%dma_wait3A_299, %dma_wait3A_300] : memref<10000x128xf32, #tpu.memory_space<hbm>> -> memref<10000x128xf32, #tpu.memory_space<hbm>>
      tpu.wait_indirect_dma semaphore(%arg16 : memref<!tpu.dma_semaphore, #tpu.memory_space<semaphore_mem>>) src(%dma_wait3A_301 : memref<10000x128xf32, #tpu.memory_space<hbm>>) dst(%arg12 : memref<64x128xf32, #tpu.memory_space<vmem>>)
      %run_scoped3A_302 = arith.constant 14 : i32
      "tpu.region"() ({
        %run_scoped3A_332 = tpu.sem_alloc : memref<!tpu.dma_semaphore, #tpu.memory_space<semaphore_mem>>
        %dma_start3A_333 = arith.constant 0 : i32
        %dma_start3A_334 = tpu.memref_slice %arg9[%rem3A_80, %run_scoped3A_302, %dma_start3A_333] : memref<2x16x64xi32, #tpu.memory_space<vmem>> -> memref<1x1x64xi32, #tpu.memory_space<vmem>>
        %dma_start3A_335 = tpu.memref_squeeze %dma_start3A_334 : memref<1x1x64xi32, #tpu.memory_space<vmem>> -> memref<64xi32, #tpu.memory_space<vmem>>
        %dma_start3A_336 = arith.constant 0 : i32
        %dma_start3A_337 = arith.constant 0 : i32
        %dma_start3A_338 = tpu.memref_slice %arg7[%dma_start3A_336, %dma_start3A_337] : memref<10240x128xf32, #tpu.memory_space<vmem_shared>> -> memref<10240x128xf32, #tpu.memory_space<vmem_shared>>
        tpu.enqueue_indirect_dma source(%arg12 : memref<64x128xf32, #tpu.memory_space<vmem>>) target(%dma_start3A_338 : memref<10240x128xf32, #tpu.memory_space<vmem_shared>>) offsets(%dma_start3A_335 : memref<64xi32, #tpu.memory_space<vmem>>) semaphore(%run_scoped3A_332 : memref<!tpu.dma_semaphore, #tpu.memory_space<semaphore_mem>>) {add = true}
        %dma_wait3A_339 = arith.constant 0 : i32
        %dma_wait3A_340 = tpu.memref_slice %arg9[%rem3A_80, %run_scoped3A_302, %dma_wait3A_339] : memref<2x16x64xi32, #tpu.memory_space<vmem>> -> memref<1x1x64xi32, #tpu.memory_space<vmem>>
        %dma_wait3A_341 = tpu.memref_squeeze %dma_wait3A_340 : memref<1x1x64xi32, #tpu.memory_space<vmem>> -> memref<64xi32, #tpu.memory_space<vmem>>
        %dma_wait3A_342 = arith.constant 0 : i32
        %dma_wait3A_343 = arith.constant 0 : i32
        %dma_wait3A_344 = tpu.memref_slice %arg7[%dma_wait3A_342, %dma_wait3A_343] : memref<10240x128xf32, #tpu.memory_space<vmem_shared>> -> memref<10240x128xf32, #tpu.memory_space<vmem_shared>>
        tpu.wait_indirect_dma semaphore(%run_scoped3A_332 : memref<!tpu.dma_semaphore, #tpu.memory_space<semaphore_mem>>) src(%arg12 : memref<64x128xf32, #tpu.memory_space<vmem>>) dst(%dma_wait3A_344 : memref<10240x128xf32, #tpu.memory_space<vmem_shared>>)
        tpu.yield
      }) : () -> ()
      %add3A_303 = arith.constant 1 : i32
      %add3A_304 = arith.addi %scan3A_79, %add3A_303 : i32
      %lt3A_305 = arith.constant 10 : i32
      %lt3A_306 = arith.cmpi slt, %add3A_304, %lt3A_305 : i32
      %convert_element_type3A_307 = arith.extui %lt3A_306 : i1 to i32
      %cond3A_308 = arith.constant 0 : i32
      %cond3A_309 = arith.cmpi ne, %convert_element_type3A_307, %cond3A_308 : i32
      scf.if %cond3A_309 {
        %dma_start3A_332 = arith.constant 2 : i32
        %dma_start3A_333 = arith.constant 0 : i32
        %dma_start3A_334 = tpu.memref_slice %arg8[%sub3A_81, %dma_start3A_332, %dma_start3A_333] : memref<2x16x64xi32, #tpu.memory_space<vmem>> -> memref<1x1x64xi32, #tpu.memory_space<vmem>>
        %dma_start3A_335 = tpu.memref_squeeze %dma_start3A_334 : memref<1x1x64xi32, #tpu.memory_space<vmem>> -> memref<64xi32, #tpu.memory_space<vmem>>
        %dma_start3A_336 = arith.constant 0 : i32
        %dma_start3A_337 = arith.constant 0 : i32
        %dma_start3A_338 = tpu.memref_slice %arg2[%dma_start3A_336, %dma_start3A_337] : memref<10000x128xf32, #tpu.memory_space<hbm>> -> memref<10000x128xf32, #tpu.memory_space<hbm>>
        tpu.enqueue_indirect_dma source(%dma_start3A_338 : memref<10000x128xf32, #tpu.memory_space<hbm>>) target(%arg12 : memref<64x128xf32, #tpu.memory_space<vmem>>) offsets(%dma_start3A_335 : memref<64xi32, #tpu.memory_space<vmem>>) semaphore(%arg16 : memref<!tpu.dma_semaphore, #tpu.memory_space<semaphore_mem>>)
      } else {
      }
      %dma_wait3A_310 = arith.constant 15 : i32
      %dma_wait3A_311 = arith.constant 0 : i32
      %dma_wait3A_312 = tpu.memref_slice %arg8[%rem3A_80, %dma_wait3A_310, %dma_wait3A_311] : memref<2x16x64xi32, #tpu.memory_space<vmem>> -> memref<1x1x64xi32, #tpu.memory_space<vmem>>
      %dma_wait3A_313 = tpu.memref_squeeze %dma_wait3A_312 : memref<1x1x64xi32, #tpu.memory_space<vmem>> -> memref<64xi32, #tpu.memory_space<vmem>>
      %dma_wait3A_314 = arith.constant 0 : i32
      %dma_wait3A_315 = arith.constant 0 : i32
      %dma_wait3A_316 = tpu.memref_slice %arg2[%dma_wait3A_314, %dma_wait3A_315] : memref<10000x128xf32, #tpu.memory_space<hbm>> -> memref<10000x128xf32, #tpu.memory_space<hbm>>
      tpu.wait_indirect_dma semaphore(%arg17 : memref<!tpu.dma_semaphore, #tpu.memory_space<semaphore_mem>>) src(%dma_wait3A_316 : memref<10000x128xf32, #tpu.memory_space<hbm>>) dst(%arg13 : memref<64x128xf32, #tpu.memory_space<vmem>>)
      %run_scoped3A_317 = arith.constant 15 : i32
      "tpu.region"() ({
        %run_scoped3A_332 = tpu.sem_alloc : memref<!tpu.dma_semaphore, #tpu.memory_space<semaphore_mem>>
        %dma_start3A_333 = arith.constant 0 : i32
        %dma_start3A_334 = tpu.memref_slice %arg9[%rem3A_80, %run_scoped3A_317, %dma_start3A_333] : memref<2x16x64xi32, #tpu.memory_space<vmem>> -> memref<1x1x64xi32, #tpu.memory_space<vmem>>
        %dma_start3A_335 = tpu.memref_squeeze %dma_start3A_334 : memref<1x1x64xi32, #tpu.memory_space<vmem>> -> memref<64xi32, #tpu.memory_space<vmem>>
        %dma_start3A_336 = arith.constant 0 : i32
        %dma_start3A_337 = arith.constant 0 : i32
        %dma_start3A_338 = tpu.memref_slice %arg7[%dma_start3A_336, %dma_start3A_337] : memref<10240x128xf32, #tpu.memory_space<vmem_shared>> -> memref<10240x128xf32, #tpu.memory_space<vmem_shared>>
        tpu.enqueue_indirect_dma source(%arg13 : memref<64x128xf32, #tpu.memory_space<vmem>>) target(%dma_start3A_338 : memref<10240x128xf32, #tpu.memory_space<vmem_shared>>) offsets(%dma_start3A_335 : memref<64xi32, #tpu.memory_space<vmem>>) semaphore(%run_scoped3A_332 : memref<!tpu.dma_semaphore, #tpu.memory_space<semaphore_mem>>) {add = true}
        %dma_wait3A_339 = arith.constant 0 : i32
        %dma_wait3A_340 = tpu.memref_slice %arg9[%rem3A_80, %run_scoped3A_317, %dma_wait3A_339] : memref<2x16x64xi32, #tpu.memory_space<vmem>> -> memref<1x1x64xi32, #tpu.memory_space<vmem>>
        %dma_wait3A_341 = tpu.memref_squeeze %dma_wait3A_340 : memref<1x1x64xi32, #tpu.memory_space<vmem>> -> memref<64xi32, #tpu.memory_space<vmem>>
        %dma_wait3A_342 = arith.constant 0 : i32
        %dma_wait3A_343 = arith.constant 0 : i32
        %dma_wait3A_344 = tpu.memref_slice %arg7[%dma_wait3A_342, %dma_wait3A_343] : memref<10240x128xf32, #tpu.memory_space<vmem_shared>> -> memref<10240x128xf32, #tpu.memory_space<vmem_shared>>
        tpu.wait_indirect_dma semaphore(%run_scoped3A_332 : memref<!tpu.dma_semaphore, #tpu.memory_space<semaphore_mem>>) src(%arg13 : memref<64x128xf32, #tpu.memory_space<vmem>>) dst(%dma_wait3A_344 : memref<10240x128xf32, #tpu.memory_space<vmem_shared>>)
        tpu.yield
      }) : () -> ()
      %add3A_318 = arith.constant 1 : i32
      %add3A_319 = arith.addi %scan3A_79, %add3A_318 : i32
      %lt3A_320 = arith.constant 10 : i32
      %lt3A_321 = arith.cmpi slt, %add3A_319, %lt3A_320 : i32
      %convert_element_type3A_322 = arith.extui %lt3A_321 : i1 to i32
      %cond3A_323 = arith.constant 0 : i32
      %cond3A_324 = arith.cmpi ne, %convert_element_type3A_322, %cond3A_323 : i32
      scf.if %cond3A_324 {
        %dma_start3A_332 = arith.constant 3 : i32
        %dma_start3A_333 = arith.constant 0 : i32
        %dma_start3A_334 = tpu.memref_slice %arg8[%sub3A_81, %dma_start3A_332, %dma_start3A_333] : memref<2x16x64xi32, #tpu.memory_space<vmem>> -> memref<1x1x64xi32, #tpu.memory_space<vmem>>
        %dma_start3A_335 = tpu.memref_squeeze %dma_start3A_334 : memref<1x1x64xi32, #tpu.memory_space<vmem>> -> memref<64xi32, #tpu.memory_space<vmem>>
        %dma_start3A_336 = arith.constant 0 : i32
        %dma_start3A_337 = arith.constant 0 : i32
        %dma_start3A_338 = tpu.memref_slice %arg2[%dma_start3A_336, %dma_start3A_337] : memref<10000x128xf32, #tpu.memory_space<hbm>> -> memref<10000x128xf32, #tpu.memory_space<hbm>>
        tpu.enqueue_indirect_dma source(%dma_start3A_338 : memref<10000x128xf32, #tpu.memory_space<hbm>>) target(%arg13 : memref<64x128xf32, #tpu.memory_space<vmem>>) offsets(%dma_start3A_335 : memref<64xi32, #tpu.memory_space<vmem>>) semaphore(%arg17 : memref<!tpu.dma_semaphore, #tpu.memory_space<semaphore_mem>>)
      } else {
      }
      %add3A_325 = arith.constant 2 : i32
      %add3A_326 = arith.addi %scan3A_79, %add3A_325 : i32
      %lt3A_327 = arith.constant 10 : i32
      %lt3A_328 = arith.cmpi slt, %add3A_326, %lt3A_327 : i32
      %convert_element_type3A_329 = arith.extui %lt3A_328 : i1 to i32
      %cond3A_330 = arith.constant 0 : i32
      %cond3A_331 = arith.cmpi ne, %convert_element_type3A_329, %cond3A_330 : i32
      scf.if %cond3A_331 {
        %add3A_332 = arith.constant 2 : i32
        %add3A_333 = arith.addi %scan3A_79, %add3A_332 : i32
        %dma_start3A_334 = arith.constant 0 : i32
        %dma_start3A_335 = arith.constant 0 : i32
        %dma_start3A_336 = tpu.memref_slice %arg8[%rem3A_80, %dma_start3A_334, %dma_start3A_335] : memref<2x16x64xi32, #tpu.memory_space<vmem>> -> memref<1x16x64xi32, #tpu.memory_space<vmem>>
        %dma_start3A_337 = tpu.memref_squeeze %dma_start3A_336 : memref<1x16x64xi32, #tpu.memory_space<vmem>> -> memref<16x64xi32, #tpu.memory_space<vmem>>
        %dma_start3A_338 = arith.constant 0 : i32
        %dma_start3A_339 = arith.constant 0 : i32
        %dma_start3A_340 = tpu.memref_slice %arg3[%add3A, %add3A_333, %dma_start3A_338, %dma_start3A_339] : memref<32x10x16x64xi32, #tpu.memory_space<hbm>> -> memref<1x1x16x64xi32, #tpu.memory_space<hbm>>
        %dma_start3A_341 = tpu.memref_squeeze %dma_start3A_340 : memref<1x1x16x64xi32, #tpu.memory_space<hbm>> -> memref<16x64xi32, #tpu.memory_space<hbm>>
        %dma_start3A_342 = arith.constant 0 : i32
        %dma_start3A_343 = arith.constant 0 : i32
        %dma_start3A_344 = tpu.memref_slice %arg8[%rem3A_80, %dma_start3A_342, %dma_start3A_343] : memref<2x16x64xi32, #tpu.memory_space<vmem>> -> memref<1x16x64xi32, #tpu.memory_space<vmem>>
        %dma_start3A_345 = tpu.memref_squeeze %dma_start3A_344 : memref<1x16x64xi32, #tpu.memory_space<vmem>> -> memref<16x64xi32, #tpu.memory_space<vmem>>
        %dma_start3A_346 = arith.constant 0 : i32
        %dma_start3A_347 = arith.constant 0 : i32
        %dma_start3A_348 = tpu.memref_slice %arg3[%add3A, %add3A_333, %dma_start3A_346, %dma_start3A_347] : memref<32x10x16x64xi32, #tpu.memory_space<hbm>> -> memref<1x1x16x64xi32, #tpu.memory_space<hbm>>
        %dma_start3A_349 = tpu.memref_squeeze %dma_start3A_348 : memref<1x1x16x64xi32, #tpu.memory_space<hbm>> -> memref<16x64xi32, #tpu.memory_space<hbm>>
        tpu.enqueue_dma source(%dma_start3A_349 : memref<16x64xi32, #tpu.memory_space<hbm>>) target(%dma_start3A_345 : memref<16x64xi32, #tpu.memory_space<vmem>>) target_semaphore(%arg18 : memref<!tpu.dma_semaphore, #tpu.memory_space<semaphore_mem>>)
        %add3A_350 = arith.constant 2 : i32
        %add3A_351 = arith.addi %scan3A_79, %add3A_350 : i32
        %dma_start3A_352 = arith.constant 0 : i32
        %dma_start3A_353 = arith.constant 0 : i32
        %dma_start3A_354 = tpu.memref_slice %arg9[%rem3A_80, %dma_start3A_352, %dma_start3A_353] : memref<2x16x64xi32, #tpu.memory_space<vmem>> -> memref<1x16x64xi32, #tpu.memory_space<vmem>>
        %dma_start3A_355 = tpu.memref_squeeze %dma_start3A_354 : memref<1x16x64xi32, #tpu.memory_space<vmem>> -> memref<16x64xi32, #tpu.memory_space<vmem>>
        %dma_start3A_356 = arith.constant 0 : i32
        %dma_start3A_357 = arith.constant 0 : i32
        %dma_start3A_358 = tpu.memref_slice %arg4[%add3A, %add3A_351, %dma_start3A_356, %dma_start3A_357] : memref<32x10x16x64xi32, #tpu.memory_space<hbm>> -> memref<1x1x16x64xi32, #tpu.memory_space<hbm>>
        %dma_start3A_359 = tpu.memref_squeeze %dma_start3A_358 : memref<1x1x16x64xi32, #tpu.memory_space<hbm>> -> memref<16x64xi32, #tpu.memory_space<hbm>>
        %dma_start3A_360 = arith.constant 0 : i32
        %dma_start3A_361 = arith.constant 0 : i32
        %dma_start3A_362 = tpu.memref_slice %arg9[%rem3A_80, %dma_start3A_360, %dma_start3A_361] : memref<2x16x64xi32, #tpu.memory_space<vmem>> -> memref<1x16x64xi32, #tpu.memory_space<vmem>>
        %dma_start3A_363 = tpu.memref_squeeze %dma_start3A_362 : memref<1x16x64xi32, #tpu.memory_space<vmem>> -> memref<16x64xi32, #tpu.memory_space<vmem>>
        %dma_start3A_364 = arith.constant 0 : i32
        %dma_start3A_365 = arith.constant 0 : i32
        %dma_start3A_366 = tpu.memref_slice %arg4[%add3A, %add3A_351, %dma_start3A_364, %dma_start3A_365] : memref<32x10x16x64xi32, #tpu.memory_space<hbm>> -> memref<1x1x16x64xi32, #tpu.memory_space<hbm>>
        %dma_start3A_367 = tpu.memref_squeeze %dma_start3A_366 : memref<1x1x16x64xi32, #tpu.memory_space<hbm>> -> memref<16x64xi32, #tpu.memory_space<hbm>>
        tpu.enqueue_dma source(%dma_start3A_367 : memref<16x64xi32, #tpu.memory_space<hbm>>) target(%dma_start3A_363 : memref<16x64xi32, #tpu.memory_space<vmem>>) target_semaphore(%arg18 : memref<!tpu.dma_semaphore, #tpu.memory_space<semaphore_mem>>)
      } else {
      }
    }
    %scan3A_77 = arith.constant 10 : i32
    %barrier3A_78 = arith.constant 0 : index
    tpu.barrier barrier_id(%barrier3A_78)
    "tpu.region"() ({
      %run_scoped3A_79 = tpu.sem_alloc : memref<!tpu.dma_semaphore, #tpu.memory_space<semaphore_mem>>
      %dma_start3A_80 = arith.constant 0 : i32
      %dma_start3A_81 = tpu.memref_slice %arg6[%arg0, %mul3A_2, %dma_start3A_80] : memref<2x10240x128xf32, #tpu.memory_space<hbm>> -> memref<1x640x128xf32, #tpu.memory_space<hbm>>
      %dma_start3A_82 = tpu.memref_squeeze %dma_start3A_81 : memref<1x640x128xf32, #tpu.memory_space<hbm>> -> memref<640x128xf32, #tpu.memory_space<hbm>>
      %dma_start3A_83 = arith.constant 0 : i32
      %dma_start3A_84 = tpu.memref_slice %arg7[%mul3A_2, %dma_start3A_83] : memref<10240x128xf32, #tpu.memory_space<vmem_shared>> -> memref<640x128xf32, #tpu.memory_space<vmem_shared>>
      tpu.enqueue_dma source(%dma_start3A_84 : memref<640x128xf32, #tpu.memory_space<vmem_shared>>) target(%dma_start3A_82 : memref<640x128xf32, #tpu.memory_space<hbm>>) target_semaphore(%run_scoped3A_79 : memref<!tpu.dma_semaphore, #tpu.memory_space<semaphore_mem>>)
      %dma_wait3A = arith.constant 0 : i32
      %dma_wait3A_85 = tpu.memref_slice %arg6[%arg0, %mul3A_2, %dma_wait3A] : memref<2x10240x128xf32, #tpu.memory_space<hbm>> -> memref<1x640x128xf32, #tpu.memory_space<hbm>>
      %dma_wait3A_86 = tpu.memref_squeeze %dma_wait3A_85 : memref<1x640x128xf32, #tpu.memory_space<hbm>> -> memref<640x128xf32, #tpu.memory_space<hbm>>
      %dma_wait3A_87 = arith.constant 0 : i32
      %dma_wait3A_88 = tpu.memref_slice %arg7[%mul3A_2, %dma_wait3A_87] : memref<10240x128xf32, #tpu.memory_space<vmem_shared>> -> memref<640x128xf32, #tpu.memory_space<vmem_shared>>
      tpu.wait_dma2 semaphore(%run_scoped3A_79 : memref<!tpu.dma_semaphore, #tpu.memory_space<semaphore_mem>>) src(%dma_wait3A_88 : memref<640x128xf32, #tpu.memory_space<vmem_shared>>) dst(%dma_wait3A_86 : memref<640x128xf32, #tpu.memory_space<hbm>>)
      tpu.yield
    }) : () -> ()
    return
  }
}

module attributes {stable_mosaic.version = 14 : i64} {
  func.func @_mm1_body(%arg0: i32, %arg1: memref<1000x32xf32, #tpu.memory_space<vmem>>, %arg2: memref<1000x128xf32, #tpu.memory_space<vmem>>, %arg3: memref<128x128xf32, #tpu.memory_space<vmem>>, %arg4: memref<1000x128xf32, #tpu.memory_space<vmem>>) attributes {dimension_semantics = [#tpu.dimension_semantics<arbitrary>], iteration_bounds = array<i64: 10>, scalar_prefetch = 0 : i64, scratch_operands = 0 : i64, tpu.core_type = #tpu.core_type<tc>, window_params = [{transform_indices = @transform_0, window_bounds = array<i64: 1000, 32>}, {transform_indices = @transform_1, window_bounds = array<i64: 1000, 128>}, {pipeline_mode = #tpu.pipeline_mode<synchronous>, transform_indices = @transform_2, window_bounds = array<i64: 128, 128>}, {transform_indices = @transform_3, window_bounds = array<i64: 1000, 128>}]} {
    %get3A = arith.constant 0 : index
    %get3A_0 = arith.constant 0 : index
    %get3A_1 = vector.load %arg2[%get3A, %get3A_0] : memref<1000x128xf32, #tpu.memory_space<vmem>>, vector<1000x128xf32>
    %get3A_2 = arith.constant 0 : index
    %get3A_3 = arith.constant 0 : index
    %get3A_4 = vector.load %arg3[%get3A_2, %get3A_3] : memref<128x128xf32, #tpu.memory_space<vmem>>, vector<128x128xf32>
    %dot_general3A = arith.constant dense<0.000000e+00> : vector<1000x128xf32>
    %dot_general3A_5 = tpu.matmul %get3A_1, %get3A_4, %dot_general3A {dimension_numbers = #tpu.dot_dimension_numbers<[1], [0], [0], [1], [0, 0, 1, 1], [], []>, transpose_lhs_hint = false} : vector<1000x128xf32>, vector<128x128xf32>, vector<1000x128xf32> -> vector<1000x128xf32>
    %get3A_6 = arith.constant 0 : index
    %get3A_7 = arith.constant 0 : index
    %get3A_8 = vector.load %arg1[%get3A_6, %get3A_7] : memref<1000x32xf32, #tpu.memory_space<vmem>>, vector<1000x32xf32>
    %reduce_sum3A = arith.constant dense<0.000000e+00> : vector<1000xf32>
    %reduce_sum3A_9 = vector.multi_reduction <add>, %get3A_8, %reduce_sum3A [1] : vector<1000x32xf32> to vector<1000xf32>
    %broadcast_in_dim3A = vector.shape_cast %reduce_sum3A_9 : vector<1000xf32> to vector<1000x1xf32>
    %add3A = arith.constant 1.000000e+00 : f32
    %add3A_10 = vector.broadcast %add3A : f32 to vector<1000x1xf32>
    %add3A_11 = arith.addf %broadcast_in_dim3A, %add3A_10 : vector<1000x1xf32>
    %rsqrt3A = math.rsqrt %add3A_11 : vector<1000x1xf32>
    %mul3A = vector.broadcast %rsqrt3A : vector<1000x1xf32> to vector<1000x128xf32>
    %mul3A_12 = arith.mulf %dot_general3A_5, %mul3A : vector<1000x128xf32>
    %swap3A = arith.constant 0 : index
    %swap3A_13 = arith.constant 0 : index
    %swap3A_14 = vector.load %arg4[%swap3A, %swap3A_13] : memref<1000x128xf32, #tpu.memory_space<vmem>>, vector<1000x128xf32>
    tpu.vector_store %arg4[%swap3A, %swap3A_13], %mul3A_12 {strides = array<i32>} : memref<1000x128xf32, #tpu.memory_space<vmem>>, vector<1000x128xf32>,
    return
  }
  func.func @transform_0(%arg0: i32) -> (i32, i32) {
    %c0_i32 = arith.constant 0 : i32
    %c0_i32_0 = arith.constant 0 : i32
    return %arg0, %c0_i32 : i32, i32
  }
  func.func @transform_1(%arg0: i32) -> (i32, i32) {
    %c0_i32 = arith.constant 0 : i32
    %c0_i32_0 = arith.constant 0 : i32
    return %arg0, %c0_i32 : i32, i32
  }
  func.func @transform_2(%arg0: i32) -> (i32, i32) {
    %c0_i32 = arith.constant 0 : i32
    %c0_i32_0 = arith.constant 0 : i32
    %c0_i32_1 = arith.constant 0 : i32
    return %c0_i32, %c0_i32_0 : i32, i32
  }
  func.func @transform_3(%arg0: i32) -> (i32, i32) {
    %c0_i32 = arith.constant 0 : i32
    %c0_i32_0 = arith.constant 0 : i32
    return %arg0, %c0_i32 : i32, i32
  }
}

module attributes {stable_mosaic.version = 14 : i64} {
  func.func @_layer2_body(%arg0: i32, %arg1: memref<1000x32xf32, #tpu.memory_space<vmem>>, %arg2: memref<1x1000x128xf32, #tpu.memory_space<vmem>>, %arg3: memref<1x1000x128xf32, #tpu.memory_space<vmem>>, %arg4: memref<1000x128xf32, #tpu.memory_space<vmem>>, %arg5: memref<1x128xf32, #tpu.memory_space<vmem>>, %arg6: memref<128x128xf32, #tpu.memory_space<vmem>>, %arg7: memref<1000x128xf32, #tpu.memory_space<vmem>>) attributes {dimension_semantics = [#tpu.dimension_semantics<arbitrary>], iteration_bounds = array<i64: 10>, scalar_prefetch = 0 : i64, scratch_operands = 0 : i64, tpu.core_type = #tpu.core_type<tc>, window_params = [{transform_indices = @transform_0, window_bounds = array<i64: 1000, 32>}, {transform_indices = @transform_1, window_bounds = array<i64: 1, 1000, 128>}, {transform_indices = @transform_2, window_bounds = array<i64: 1, 1000, 128>}, {transform_indices = @transform_3, window_bounds = array<i64: 1000, 128>}, {pipeline_mode = #tpu.pipeline_mode<synchronous>, transform_indices = @transform_4, window_bounds = array<i64: 1, 128>}, {pipeline_mode = #tpu.pipeline_mode<synchronous>, transform_indices = @transform_5, window_bounds = array<i64: 128, 128>}, {transform_indices = @transform_6, window_bounds = array<i64: 1000, 128>}]} {
    %get3A = arith.constant 0 : index
    %get3A_0 = arith.constant 0 : index
    %get3A_1 = vector.load %arg1[%get3A, %get3A_0] : memref<1000x32xf32, #tpu.memory_space<vmem>>, vector<1000x32xf32>
    %reduce_sum3A = arith.constant dense<0.000000e+00> : vector<1000xf32>
    %reduce_sum3A_2 = vector.multi_reduction <add>, %get3A_1, %reduce_sum3A [1] : vector<1000x32xf32> to vector<1000xf32>
    %broadcast_in_dim3A = vector.shape_cast %reduce_sum3A_2 : vector<1000xf32> to vector<1000x1xf32>
    %add3A = arith.constant 1.000000e+00 : f32
    %add3A_3 = vector.broadcast %add3A : f32 to vector<1000x1xf32>
    %add3A_4 = arith.addf %broadcast_in_dim3A, %add3A_3 : vector<1000x1xf32>
    %rsqrt3A = math.rsqrt %add3A_4 : vector<1000x1xf32>
    %get3A_5 = arith.constant 0 : index
    %get3A_6 = arith.constant 0 : index
    %get3A_7 = arith.constant 0 : index
    %get3A_8 = vector.load %arg2[%get3A_5, %get3A_6, %get3A_7] : memref<1x1000x128xf32, #tpu.memory_space<vmem>>, vector<1x1000x128xf32>
    %get3A_9 = vector.shape_cast %get3A_8 : vector<1x1000x128xf32> to vector<1000x128xf32>
    %get3A_10 = arith.constant 0 : index
    %get3A_11 = arith.constant 0 : index
    %get3A_12 = arith.constant 0 : index
    %get3A_13 = vector.load %arg3[%get3A_10, %get3A_11, %get3A_12] : memref<1x1000x128xf32, #tpu.memory_space<vmem>>, vector<1x1000x128xf32>
    %get3A_14 = vector.shape_cast %get3A_13 : vector<1x1000x128xf32> to vector<1000x128xf32>
    %add3A_15 = arith.addf %get3A_9, %get3A_14 : vector<1000x128xf32>
    %get3A_16 = arith.constant 0 : index
    %get3A_17 = arith.constant 0 : index
    %get3A_18 = vector.load %arg4[%get3A_16, %get3A_17] : memref<1000x128xf32, #tpu.memory_space<vmem>>, vector<1000x128xf32>
    %add3A_19 = arith.addf %add3A_15, %get3A_18 : vector<1000x128xf32>
    %mul3A = vector.broadcast %rsqrt3A : vector<1000x1xf32> to vector<1000x128xf32>
    %mul3A_20 = arith.mulf %mul3A, %add3A_19 : vector<1000x128xf32>
    %get3A_21 = arith.constant 0 : index
    %get3A_22 = arith.constant 0 : index
    %get3A_23 = vector.load %arg5[%get3A_21, %get3A_22] : memref<1x128xf32, #tpu.memory_space<vmem>>, vector<1x128xf32>
    %add3A_24 = vector.broadcast %get3A_23 : vector<1x128xf32> to vector<1000x128xf32>
    %add3A_25 = arith.addf %mul3A_20, %add3A_24 : vector<1000x128xf32>
    %max3A = arith.constant 0.000000e+00 : f32
    %max3A_26 = vector.broadcast %max3A : f32 to vector<1000x128xf32>
    %max3A_27 = arith.maximumf %add3A_25, %max3A_26 : vector<1000x128xf32>
    %get3A_28 = arith.constant 0 : index
    %get3A_29 = arith.constant 0 : index
    %get3A_30 = vector.load %arg6[%get3A_28, %get3A_29] : memref<128x128xf32, #tpu.memory_space<vmem>>, vector<128x128xf32>
    %dot_general3A = arith.constant dense<0.000000e+00> : vector<1000x128xf32>
    %dot_general3A_31 = tpu.matmul %max3A_27, %get3A_30, %dot_general3A {dimension_numbers = #tpu.dot_dimension_numbers<[1], [0], [0], [1], [0, 0, 1, 1], [], []>, transpose_lhs_hint = false} : vector<1000x128xf32>, vector<128x128xf32>, vector<1000x128xf32> -> vector<1000x128xf32>
    %mul3A_32 = vector.broadcast %rsqrt3A : vector<1000x1xf32> to vector<1000x128xf32>
    %mul3A_33 = arith.mulf %dot_general3A_31, %mul3A_32 : vector<1000x128xf32>
    %swap3A = arith.constant 0 : index
    %swap3A_34 = arith.constant 0 : index
    %swap3A_35 = vector.load %arg7[%swap3A, %swap3A_34] : memref<1000x128xf32, #tpu.memory_space<vmem>>, vector<1000x128xf32>
    tpu.vector_store %arg7[%swap3A, %swap3A_34], %mul3A_33 {strides = array<i32>} : memref<1000x128xf32, #tpu.memory_space<vmem>>, vector<1000x128xf32>,
    return
  }
  func.func @transform_0(%arg0: i32) -> (i32, i32) {
    %c0_i32 = arith.constant 0 : i32
    %c0_i32_0 = arith.constant 0 : i32
    return %arg0, %c0_i32 : i32, i32
  }
  func.func @transform_1(%arg0: i32) -> (i32, i32, i32) {
    %c0_i32 = arith.constant 0 : i32
    %c0_i32_0 = arith.constant 0 : i32
    %c0_i32_1 = arith.constant 0 : i32
    return %c0_i32, %arg0, %c0_i32_0 : i32, i32, i32
  }
  func.func @transform_2(%arg0: i32) -> (i32, i32, i32) {
    %c1_i32 = arith.constant 1 : i32
    %c0_i32 = arith.constant 0 : i32
    %c0_i32_0 = arith.constant 0 : i32
    return %c1_i32, %arg0, %c0_i32 : i32, i32, i32
  }
  func.func @transform_3(%arg0: i32) -> (i32, i32) {
    %c0_i32 = arith.constant 0 : i32
    %c0_i32_0 = arith.constant 0 : i32
    return %arg0, %c0_i32 : i32, i32
  }
  func.func @transform_4(%arg0: i32) -> (i32, i32) {
    %c0_i32 = arith.constant 0 : i32
    %c0_i32_0 = arith.constant 0 : i32
    %c0_i32_1 = arith.constant 0 : i32
    return %c0_i32, %c0_i32_0 : i32, i32
  }
  func.func @transform_5(%arg0: i32) -> (i32, i32) {
    %c0_i32 = arith.constant 0 : i32
    %c0_i32_0 = arith.constant 0 : i32
    %c0_i32_1 = arith.constant 0 : i32
    return %c0_i32, %c0_i32_0 : i32, i32
  }
  func.func @transform_6(%arg0: i32) -> (i32, i32) {
    %c0_i32 = arith.constant 0 : i32
    %c0_i32_0 = arith.constant 0 : i32
    return %arg0, %c0_i32 : i32, i32
  }
}

module attributes {stable_mosaic.version = 14 : i64} {
  func.func @_fin_body(%arg0: i32, %arg1: memref<1000x32xf32, #tpu.memory_space<vmem>>, %arg2: memref<1x1000x128xf32, #tpu.memory_space<vmem>>, %arg3: memref<1x1000x128xf32, #tpu.memory_space<vmem>>, %arg4: memref<1000x128xf32, #tpu.memory_space<vmem>>, %arg5: memref<1x128xf32, #tpu.memory_space<vmem>>, %arg6: memref<1000x128xf32, #tpu.memory_space<vmem>>) attributes {dimension_semantics = [#tpu.dimension_semantics<arbitrary>], iteration_bounds = array<i64: 10>, scalar_prefetch = 0 : i64, scratch_operands = 0 : i64, tpu.core_type = #tpu.core_type<tc>, window_params = [{transform_indices = @transform_0, window_bounds = array<i64: 1000, 32>}, {transform_indices = @transform_1, window_bounds = array<i64: 1, 1000, 128>}, {transform_indices = @transform_2, window_bounds = array<i64: 1, 1000, 128>}, {transform_indices = @transform_3, window_bounds = array<i64: 1000, 128>}, {pipeline_mode = #tpu.pipeline_mode<synchronous>, transform_indices = @transform_4, window_bounds = array<i64: 1, 128>}, {transform_indices = @transform_5, window_bounds = array<i64: 1000, 128>}]} {
    %get3A = arith.constant 0 : index
    %get3A_0 = arith.constant 0 : index
    %get3A_1 = vector.load %arg1[%get3A, %get3A_0] : memref<1000x32xf32, #tpu.memory_space<vmem>>, vector<1000x32xf32>
    %reduce_sum3A = arith.constant dense<0.000000e+00> : vector<1000xf32>
    %reduce_sum3A_2 = vector.multi_reduction <add>, %get3A_1, %reduce_sum3A [1] : vector<1000x32xf32> to vector<1000xf32>
    %broadcast_in_dim3A = vector.shape_cast %reduce_sum3A_2 : vector<1000xf32> to vector<1000x1xf32>
    %add3A = arith.constant 1.000000e+00 : f32
    %add3A_3 = vector.broadcast %add3A : f32 to vector<1000x1xf32>
    %add3A_4 = arith.addf %broadcast_in_dim3A, %add3A_3 : vector<1000x1xf32>
    %rsqrt3A = math.rsqrt %add3A_4 : vector<1000x1xf32>
    %get3A_5 = arith.constant 0 : index
    %get3A_6 = arith.constant 0 : index
    %get3A_7 = arith.constant 0 : index
    %get3A_8 = vector.load %arg2[%get3A_5, %get3A_6, %get3A_7] : memref<1x1000x128xf32, #tpu.memory_space<vmem>>, vector<1x1000x128xf32>
    %get3A_9 = vector.shape_cast %get3A_8 : vector<1x1000x128xf32> to vector<1000x128xf32>
    %get3A_10 = arith.constant 0 : index
    %get3A_11 = arith.constant 0 : index
    %get3A_12 = arith.constant 0 : index
    %get3A_13 = vector.load %arg3[%get3A_10, %get3A_11, %get3A_12] : memref<1x1000x128xf32, #tpu.memory_space<vmem>>, vector<1x1000x128xf32>
    %get3A_14 = vector.shape_cast %get3A_13 : vector<1x1000x128xf32> to vector<1000x128xf32>
    %add3A_15 = arith.addf %get3A_9, %get3A_14 : vector<1000x128xf32>
    %get3A_16 = arith.constant 0 : index
    %get3A_17 = arith.constant 0 : index
    %get3A_18 = vector.load %arg4[%get3A_16, %get3A_17] : memref<1000x128xf32, #tpu.memory_space<vmem>>, vector<1000x128xf32>
    %add3A_19 = arith.addf %add3A_15, %get3A_18 : vector<1000x128xf32>
    %mul3A = vector.broadcast %rsqrt3A : vector<1000x1xf32> to vector<1000x128xf32>
    %mul3A_20 = arith.mulf %mul3A, %add3A_19 : vector<1000x128xf32>
    %get3A_21 = arith.constant 0 : index
    %get3A_22 = arith.constant 0 : index
    %get3A_23 = vector.load %arg5[%get3A_21, %get3A_22] : memref<1x128xf32, #tpu.memory_space<vmem>>, vector<1x128xf32>
    %add3A_24 = vector.broadcast %get3A_23 : vector<1x128xf32> to vector<1000x128xf32>
    %add3A_25 = arith.addf %mul3A_20, %add3A_24 : vector<1000x128xf32>
    %swap3A = arith.constant 0 : index
    %swap3A_26 = arith.constant 0 : index
    %swap3A_27 = vector.load %arg6[%swap3A, %swap3A_26] : memref<1000x128xf32, #tpu.memory_space<vmem>>, vector<1000x128xf32>
    tpu.vector_store %arg6[%swap3A, %swap3A_26], %add3A_25 {strides = array<i32>} : memref<1000x128xf32, #tpu.memory_space<vmem>>, vector<1000x128xf32>,
    return
  }
  func.func @transform_0(%arg0: i32) -> (i32, i32) {
    %c0_i32 = arith.constant 0 : i32
    %c0_i32_0 = arith.constant 0 : i32
    return %arg0, %c0_i32 : i32, i32
  }
  func.func @transform_1(%arg0: i32) -> (i32, i32, i32) {
    %c0_i32 = arith.constant 0 : i32
    %c0_i32_0 = arith.constant 0 : i32
    %c0_i32_1 = arith.constant 0 : i32
    return %c0_i32, %arg0, %c0_i32_0 : i32, i32, i32
  }
  func.func @transform_2(%arg0: i32) -> (i32, i32, i32) {
    %c1_i32 = arith.constant 1 : i32
    %c0_i32 = arith.constant 0 : i32
    %c0_i32_0 = arith.constant 0 : i32
    return %c1_i32, %arg0, %c0_i32 : i32, i32, i32
  }
  func.func @transform_3(%arg0: i32) -> (i32, i32) {
    %c0_i32 = arith.constant 0 : i32
    %c0_i32_0 = arith.constant 0 : i32
    return %arg0, %c0_i32 : i32, i32
  }
  func.func @transform_4(%arg0: i32) -> (i32, i32) {
    %c0_i32 = arith.constant 0 : i32
    %c0_i32_0 = arith.constant 0 : i32
    %c0_i32_1 = arith.constant 0 : i32
    return %c0_i32, %c0_i32_0 : i32, i32
  }
  func.func @transform_5(%arg0: i32) -> (i32, i32) {
    %c0_i32 = arith.constant 0 : i32
    %c0_i32_0 = arith.constant 0 : i32
    return %arg0, %c0_i32 : i32, i32
  }
}

</mosaic_0001>

<sc_bundles>
// kernel: kernel.11.cloned.1.call-start
scs
__scs_entry_jumppad:
0x0: {  	(pc) =	sbr.rel $0x88, $3  }
0x1: {  	(tag) =	ssettag $0x0;
	lr =	simm.s32 $0x1  }
0x2: {  	[smem:$0x3F9B] =	sst lr;
	_ =	strace $0xD0000000  }
0x3: {  	_ = 	snop  }
0x4: {  	_ = 	snop  }
0x5: {  	_ = 	snop  }
0x6: {  	_ = 	snop  }
0x7: {  	_ = 	snop  }
__scs_overlays_trampoline_lowered:
0x8: {  	[smem:$0x3FAA] =	sst s0  }
0x9: {  	[smem:$0x3FAB] =	sst s1  }
0xa: {  	[smem:$0x3FAC] =	sst s2  }
0xb: {  	[smem:$0x3FAD] =	sst s3  }
0xc: {  	[smem:$0x3FAE] =	sst s4  }
0xd: {  	[smem:$0x3FAF] =	sst s5  }
0xe: {  	[smem:$0x3FB0] =	sst s6  }
0xf: {  	[smem:$0x3FB1] =	sst s7  }
0x10: {  	[smem:$0x3FB2] =	sst s8  }
0x11: {  	[smem:$0x3FB3] =	sst s9;
	s0 =	simm.s32 @!p0 $0x0  }
0x12: {  	s1 =	sld [smem:$0x3F99];
	s0 =	simm.s32 @p0 $0x1  }
0x13: {  	[smem:$0x3FB4] =	sst s0;
	s0 =	simm.s32 @!p1 $0x0  }
0x14: {  	s2 =	sld [smem:$0x3F98];
	s0 =	simm.s32 @p1 $0x1  }
0x15: {  	[smem:$0x3FB5] =	sst s0;
	s0 =	simm.s32 @!p2 $0x0  }
0x16: {  	s3 =	sld [smem:$0x3FDB];
	s0 =	simm.s32 @p2 $0x1  }
0x17: {  	s4 =	simm.s32 $0x1BF5;
	[smem:$0x3FB7] =	sst s0  }
0x18: {  	s0 =	sld [smem:$0x3F9A];
	_ =	swait.ge [sflag:s4], $0x0  }
0x19: {  	s7 =	sld [smem:$0x3F9B]  }
0x1a: {  	s8 =	sadd.s32 $0xFFFFE003, lr  }
0x1b: {  	s9 =	sadd.s32 $0xFFFFFEF7, lr;
	s5 =	simm.s32 $0xFFFFFFFF;
	p2 =	slt.u32 s8, $0xFFFFF086  }
0x1c: {  	p1 =	slt.u32 s9, $0xF7A;
	s5 =	simm.s32 @!p2 $0x0  }
0x1d: {  	s5 =	simm.s32 @p1 $0x1;
	p0 =	seq.s32 s7, s2  }
0x1e: {  	s7 =	smul.u32 @!p0 $0xF7A, s2;
	p2 =	seq.s32 @!p0 s5, $0x0  }
0x1f: {  	s9 =	smul.u32 $0xF7A, s1;
	s8 =	simm.s32 @!p0 $0x1BF5;
	p2 =	por !p2, p0  }
0x20: {  	[sflag:s8] =	ssyncset.s32 @!p0 $0xFFFFF086;
	s6 =	sadd.s32 @!p0 s3, s7;
	s7 =	simm.s32 @!p0 $0x108  }
0x21: {  	s3 =	sadd.s32 s3, s9;
	s6 =	sadd.s32 @!p0 $0x88, s6;
	s7 =	simm.s32 @p2 $0x1082  }
0x22: {  	[simem:s7], [sflag:s8] =	dma.local @!p0 [hbm:s6], $0xF7A  }
0x23: {  	s9 =	sor.u32 $0xD0000000, s2;
	s6 =	simm.s32 $0x108;
	_ =	swait.ge @!p0 [sflag:s8], $0x0  }
0x24: {  	s3 =	sadd.s32 $0x88, s3;
	s6 =	simm.s32 @!p1 $0x1082;
	[sflag:s4] =	ssyncset.s32 $0xFFFFF086  }
0x25: {  	[simem:s6], [sflag:s4] =	dma.local [hbm:s3], $0xF7A  }
0x26: {  	[smem:$0x3F9B] =	sst s1;
	(tag) =	ssettag s2;
	_ =	strace s9  }
0x27: {  	s1 =	sld [smem:$0x3FAB]  }
0x28: {  	s2 =	sld [smem:$0x3FAC]  }
0x29: {  	s4 =	sld [smem:$0x3FAE]  }
0x2a: {  	p0 =	seq.s32 s5, $0x0;
	s5 =	sld [smem:$0x3FAF]  }
0x2b: {  	s6 =	sld [smem:$0x3FB0]  }
0x2c: {  	s7 =	sld [smem:$0x3FB1]  }
0x2d: {  	s3 =	simm.s32 $0x108;
	s8 =	sld [smem:$0x3FB2]  }
0x2e: {  	s3 =	simm.s32 @!p0 $0x1082;
	s9 =	sld [smem:$0x3FB3]  }
0x2f: {  	lr =	sadd.s32 s0, s3;
	s0 =	sld [smem:$0x3FAA]  }
0x30: {  	s3 =	sld [smem:$0x3FAD]  }
0x31: {  	[smem:$0x3FB6] =	sst s10  }
0x32: {  	s10 =	sld [smem:$0x3FB4];
	_ =	sdelay $0x3  }
0x33: {  	p0 =	seq.s32 s10, $0x1;
	s10 =	sld [smem:$0x3FB6];
	_ =	sdelay $0x3  }
0x34: {  	[smem:$0x3FB6] =	sst s10  }
0x35: {  	s10 =	sld [smem:$0x3FB5];
	_ =	sdelay $0x3  }
0x36: {  	p1 =	seq.s32 s10, $0x1;
	s10 =	sld [smem:$0x3FB6];
	_ =	sdelay $0x3  }
0x37: {  	[smem:$0x3FB6] =	sst s10  }
0x38: {  	s10 =	sld [smem:$0x3FB7]  }
0x39: {  	_ = 	snop;
	(pc) =	sbr.ind lr, $3  }
0x3a: {  	_ = 	snop  }
0x3b: {  	_ = 	snop  }
0x3c: {  	p2 =	seq.s32 s10, $0x1;
	s10 =	sld [smem:$0x3FB6]  }
0x3d: {  	_ =	shalt  }
0x3e: {  	_ =	shalt  }
0x3f: {  	_ =	shalt  }
0x40: {  	_ =	shalt  }
0x41: {  	_ =	shalt  }
0x42: {  	_ =	shalt  }
0x43: {  	_ =	shalt  }
0x44: {  	_ =	shalt  }
0x45: {  	_ =	shalt  }
0x46: {  	_ =	shalt  }
0x47: {  	_ =	shalt  }
0x48: {  	_ =	shalt  }
0x49: {  	_ =	shalt  }
0x4a: {  	_ =	shalt  }
0x4b: {  	_ =	shalt  }
0x4c: {  	_ =	shalt  }
0x4d: {  	_ =	shalt  }
0x4e: {  	_ =	shalt  }
0x4f: {  	_ =	shalt  }
0x50: {  	_ =	shalt  }
0x51: {  	_ =	shalt  }
0x52: {  	_ =	shalt  }
0x53: {  	_ =	shalt  }
0x54: {  	_ =	shalt  }
0x55: {  	_ =	shalt  }
0x56: {  	_ =	shalt  }
0x57: {  	_ =	shalt  }
0x58: {  	_ =	shalt  }
0x59: {  	_ =	shalt  }
0x5a: {  	_ =	shalt  }
0x5b: {  	_ =	shalt  }
0x5c: {  	_ =	shalt  }
0x5d: {  	_ =	shalt  }
0x5e: {  	_ =	shalt  }
0x5f: {  	_ =	shalt  }
0x60: {  	_ =	shalt  }
0x61: {  	_ =	shalt  }
0x62: {  	_ =	shalt  }
0x63: {  	_ =	shalt  }
0x64: {  	_ =	shalt  }
0x65: {  	_ =	shalt  }
0x66: {  	_ =	shalt  }
0x67: {  	_ =	shalt  }
0x68: {  	_ =	shalt  }
0x69: {  	_ =	shalt  }
0x6a: {  	_ =	shalt  }
0x6b: {  	_ =	shalt  }
0x6c: {  	_ =	shalt  }
0x6d: {  	_ =	shalt  }
0x6e: {  	_ =	shalt  }
0x6f: {  	_ =	shalt  }
0x70: {  	_ =	shalt  }
0x71: {  	_ =	shalt  }
0x72: {  	_ =	shalt  }
0x73: {  	_ =	shalt  }
0x74: {  	_ =	shalt  }
0x75: {  	_ =	shalt  }
0x76: {  	_ =	shalt  }
0x77: {  	_ =	shalt  }
0x78: {  	_ =	shalt  }
0x79: {  	_ =	shalt  }
0x7a: {  	_ =	shalt  }
0x7b: {  	_ =	shalt  }
0x7c: {  	_ =	shalt  }
0x7d: {  	_ =	shalt  }
0x7e: {  	_ =	shalt  }
0x7f: {  	_ =	shalt  }
0x80: {  	_ =	shalt  }
0x81: {  	_ =	shalt  }
0x82: {  	_ =	shalt  }
0x83: {  	_ =	shalt  }
0x84: {  	_ =	shalt  }
0x85: {  	_ =	shalt  }
0x86: {  	_ =	shalt  }
0x87: {  	_ =	shalt  }
.Lfunc_end0:
.L_simem_size_0:
called_computation.1_lowered:
.L_overlay_start_0:
0x88: {  	s2 =	sld [smem:$0x3FD9]  }
0x89: {  	s3 =	sld [smem:$0x3FFE];
	_ =	sdelay $0x1  }
0x8a: {  	s1 =	srdreg.scid  }
0x8b: {  	s0 =	sand.u32 $0x1, s1  }
0x8c: {  	s17 =	sshll.u32 s0, $0xA;
	s2 =	sadd.s32 s3, s2  }
0x8d: {  	s2 =	sadd.s32 s2, s17  }
0x8e: {  	[smem:$0x3FC2] =	sst s2  }
0x8f: {  	_ = 	snop  }
0x90: {  	s2 =	sld [smem:$0x3FD0];
	(tm) =	ssettm $0x1  }
0x91: {  	s18 =	sld [smem:$0x3FFB];
	_ =	sdelay $0x3  }
0x92: {  	_ =	strace s18  }
0x93: {  	s3 =	sld [smem:$0x3FFC];
	_ =	sdelay $0x3  }
0x94: {  	_ =	strace s3  }
0x95: {  	s3 =	sld [smem:$0x3FFD];
	_ =	sdelay $0x3  }
0x96: {  	_ =	strace s3  }
0x97: {  	_ =	strace $0x8FFFFFFF  }
0x98: {  	s19 =	sld [smem:$0x3FDB];
	_ =	sdelay $0x1  }
0x99: {  	s4 =	simm.s32 $_scs_section_size  }
0x9a: {  	s5 =	simm.s32 $_size__tile_overlayer_lowered;
	s6 =	simm.s32 $_tile_overlayer_lowered  }
0x9b: {  	s22 =	simm.s32 $0x1BFF;
	s21 =	sshll.u32 s6, $0x1;
	s3 =	sadd.s32 s4, s19  }
0x9c: {  	s7 =	simm.s32 $0x0;
	s20 =	sshll.u32 s5, $0x1;
	s5 =	sadd.s32 s21, s3  }
0x9d: {  	[timem:s7], [sflag:s22] =	dma.local [hbm:s5], s20  }
0x9e: {  	_ =	swait.ge [sflag:s22], s20  }
0x9f: {  	s4 =	ssub.s32 $0x0, s20;
	[sflag:s22] =	ssyncset.done $0x0  }
0xa0: {  	[sflag:s22] =	ssyncadd.s32 s4;
	_ =	sdelay $0x1  }
0xa1: {  	s23 =	simm.s32 $0x1B8B  }
0xa2: {  	_ =	swait.ge [sflag:s23], $0x1  }
0xa3: {  	[sflag:s23] =	ssyncset.done $0x0  }
0xa4: {  	s25 =	simm.s32 $0x1B8E;
	s24 =	sld [smem:$0x3FFE];
	[sflag:s23] =	ssyncadd.s32 $0xFFFFFFFF  }
0xa5: {  	s26 =	simm.s32 $execute0_lowered;
	[smem:$0x3FD2] =	sst s25  }
0xa6: {  	s5 =	sshll.u32 s26, $0x1;
	_ =	strace $0x80000049;
	[dreg:$0x1] =	wrdreg $0xFFFFFFFF  }
0xa7: {  	s28 =	simm.s32 $_size_execute0_lowered;
	s3 =	sadd.s32 s3, s5;
	[dreg:$0x0] =	wrdreg $0x0  }
0xa8: {  	s5 =	sshll.u32 s28, $0x1;
	[dreg:$0x2] =	wrdreg s3  }
0xa9: {  	[dreg:$0x3] =	wrdreg s5  }
0xaa: {  	[dreg:$0x4] =	wrdreg $0xC0  }
0xab: {  	_ =	task [dreg:s7], $0x5FFFF  }
0xac: {  	[dreg:$0x1] =	wrdreg $0xFFFFFFFF  }
0xad: {  	[dreg:$0x0] =	wrdreg $0x60  }
0xae: {  	[dreg:$0x2] =	wrdreg s2  }
0xaf: {  	[dreg:$0x3] =	wrdreg s24  }
0xb0: {  	[dreg:$0x4] =	wrdreg $0x0  }
0xb1: {  	[dreg:$0x5] =	wrdreg $0x9  }
0xb2: {  	_ =	task.clear_ibuf [dreg:s7], $0x6FFFF;
	_ =	strace $0x90000049  }
0xb3: {  	s29 =	simm.s32 $0x9;
	_ =	strace $0x8000004B  }
0xb4: {  	_ =	swait.ge [sflag:s29], $0x1  }
0xb5: {  	[sflag:s29] =	ssyncadd.s32 $0xFFFFFFFF  }
0xb6: {  	_ =	strace $0x9000004B  }
0xb7: {  	_ =	sfence  }
0xb8: {  	s30 =	sld [smem:$0x0];
	_ =	sdelay $0x2  }
0xb9: {  	s31 =	sshll.u32 s1, $0xD;
	s1 =	sshrl.u32 s1, $0x2  }
0xba: {  	s3 =	sand.u32 $0x4000, s31;
	s1 =	sadd.s32 s1, s30  }
0xbb: {  	s0 =	sor.u32 s3, s0;
	s1 =	sshll.u32 s1, $0x11  }
0xbc: {  	s0 =	sor.u32 s1, s0  }
0xbd: {  	s0 =	sadd.s32 $0x8F2B, s0  }
0xbe: {  	[sflag:s0] =	ssyncadd.remote.s32 $0x1  }
0xbf: {  	_ =	sfence.sel $0xFFFF  }
0xc0: {  	[dreg:$0x0] =	wrdreg $0xFFFFFFFF;
	(pc) =	sbr.abs _section_cstart, $3  }
0xc1: {  	[dreg:$0x1] =	wrdreg $0xFFFFFFFF  }
0xc2: {  	_ =	task.clear_ibuf [dreg:s7], $0x2FFFF;
	_ =	strace $0x9FFFFFFF  }
0xc3: {  	(tm) =	ssettm $0x7FFFFFFF  }
tec
execute0_lowered:
.L_overlay_start_1:
0x0: {  	(tag) =	ssettag $0x1  }
0x1: {  	s1 =	rddreg [dreg:$0x0]  }
0x2: {  	s0 =	rddreg [dreg:$0x1]  }
0x3: {  	s2 =	rddreg [dreg:$0x2]  }
0x4: {  	s3 =	srdreg.scid;
	s4 =	simm.s32 $0x0;
	s10 =	stileid.u32  }
0x5: {  	s16 =	simm.s32 $0x6;
	s29 =	simm.s32 $0x1C000;
	s30 =	simm.s32 $0x1  }
0x6: {  	s31 =	simm.s32 $0x2;
	s3 =	sand.u32 $0x1, s3;
	s6 =	smul.u32 $0x14000, s10  }
0x7: {  	[smem:$0x7FF] =	sst s4;
	s7 =	sadd.s32 $0x24400, s0;
	s9 =	smul.u32 $0x50000, s10  }
0x8: {  	s13 =	sadd.s32 $0x10400, s0;
	s17 =	sadd.s32 $0x6400, s0;
	s21 =	smul.u32 $0xA000, s10  }
0x9: {  	s18 =	sshll.u32 s10, $0x1;
	s10 =	sshll.u32 s10, $0x6;
	s5 =	smul.u32 $0x140000, s3  }
0xa: {  	_ =	strace $0x8000004A;
	[dreg:$0x4] =	wrdreg s17;
	s8 =	ssub.s32 $0x2, s3  }
0xb: {  	s17 =	simm.s32 $0x14000;
	s19 =	sshrl.u32 s8, $0x1;
	s20 =	sshrl.u32 s9, $0x2  }
0xc: {  	s5 =	sadd.s32 s6, s5;
	s6 =	sor.u32 s3, s18;
	s3 =	smul.u32 $0x5000, s3  }
0xd: {  	s14 =	sadd.s32 s20, s2;
	s18 =	simm.s32 $0x0;
	s5 =	sshrl.u32 s5, $0x3  }
0xe: {  	s6 =	smul.u32 $0x5000, s6;
	s15 =	sshrl.u32 s14, $0x3;
	s0 =	sadd.s32 s5, s0  }
0xf: {  	s5 =	ssub.s32 s8, s19;
	s3 =	sadd.s32 s3, s21;
	s21 =	simm.s32 $0x40  }
0x10: {  	s11 =	sshrl.u32 s6, $0x3;
	s6 =	sor.u32 $0x1C06, s10;
	s3 =	sadd.s32 $0x1000, s3  }
0x11: {  	s0 =	sadd.s32 $0x38400, s0;
	s12 =	smax.u32 s5, $0x1;
	s22 =	sadd.s32 s7, s11  }
0x12: {  	s23 =	sadd.s32 s13, s11;
	s24 =	sor.u32 $0x100, s11;
	[dreg:$0x9] =	wrdreg s0  }
.Ltmp0:
0x13: {  	s28 =	sshrl.u32 s3, $0x3;
	[dreg:$0x5] =	wrdreg s22;
	(pc) =	sbr.rel .LBB2_1-.Ltmp0, $4  }
0x14: {  	s0 =	simm.s32 $0x3;
	s3 =	simm.s32 $0x4;
	[dreg:$0x6] =	wrdreg s23  }
0x15: {  	s25 =	sadd.s32 s7, s24;
	s26 =	sadd.s32 s13, s24;
	s20 =	sadd.s32 s28, s13  }
0x16: {  	s19 =	sadd.s32 s28, s7;
	s22 =	simm.s32 $0x16000;
	[dreg:$0x7] =	wrdreg s25  }
0x17: {  	s24 =	simm.s32 $0x18000;
	[dreg:$0x8] =	wrdreg s26;
	s26 =	simm.s32 $0x1A000  }
.LBB2_3:
0x18: {  	_ =	swait.ge [sflag:s3], $0x2000  }
0x19: {  	[sflag:s3] =	ssyncset.done $0x0  }
0x1a: {  	s5 =	sor.u32 $0x15000, s7;
	[sflag:s3] =	ssyncadd.s32 $0xFFFFE000  }
0x1b: {  	[spmem:s2] =	stream.indirect.scatter.add.f32 [tilespmem:s29], [sflag:$0x6], $0x80, s5, s21, $0xb8;
	[tilespmem:$0x1E000] =	vst v63  }
0x1c: {  	_ =	swait.ge [sflag:s16], $0x2000  }
0x1d: {  	[sflag:s16] =	ssyncset.done $0x0  }
0x1e: {  	[sflag:s16] =	ssyncadd.s32 $0xFFFFE000  }
.LBB2_5:
0x1f: {  	s18 =	sadd.s32 $0x1, s18  }
0x20: {  	[bflag:$0x0] =	sbarrier.arrive $0xFFFF;
	p0 =	sne.s32 s18, s12  }
.Ltmp1:
0x21: {  	s5 =	rddreg [dreg:$0x9];
	(pc) =	sbr.rel @!p0 .LBB2_6-.Ltmp1, $4  }
0x22: {  	[hbm:s5], [sflag:s6] =	dma.local [spmem:s15], $0x2800  }
0x23: {  	_ =	swait.ge [sflag:s16], $0x2800  }
0x24: {  	[sflag:s16] =	ssyncset.done $0x0  }
0x25: {  	[sflag:s16] =	ssyncadd.s32 $0xFFFFD800  }
.LBB2_1:
0x26: {  	s5 =	rddreg [dreg:$0x4]  }
0x27: {  	[spmem:s15], [sflag:s6] =	dma.local [hbm:s5], $0x2800  }
0x28: {  	_ =	swait.ge [sflag:s16], $0x2800  }
0x29: {  	[sflag:s16] =	ssyncset.done $0x0  }
0x2a: {  	[sflag:s16] =	ssyncadd.s32 $0xFFFFD800  }
0x2b: {  	[bflag:$0x0] =	sbarrier.arrive $0xFFFF  }
0x2c: {  	s8 =	rddreg [dreg:$0x5]  }
0x2d: {  	[tilespmem:s17], [sflag:$0x6] =	stream.linear.gather [hbm4b:s8+s4], $0x800, $0x38;
	[tilespmem:$0x1E000] =	vst v63  }
0x2e: {  	_ =	swait.ge [sflag:s16], $0x800  }
0x2f: {  	[sflag:s16] =	ssyncset.done $0x0  }
0x30: {  	s7 =	simm.s32 $0x15000;
	s9 =	rddreg [dreg:$0x6];
	[sflag:s16] =	ssyncadd.s32 $0xFFFFF800  }
0x31: {  	[tilespmem:s7], [sflag:$0x6] =	stream.linear.gather [hbm4b:s9+s4], $0x800, $0x38;
	[tilespmem:$0x1E000] =	vst v63  }
0x32: {  	_ =	swait.ge [sflag:s16], $0x800  }
0x33: {  	[sflag:s16] =	ssyncset.done $0x0  }
0x34: {  	s11 =	simm.s32 $0x14800;
	s10 =	rddreg [dreg:$0x7];
	[sflag:s16] =	ssyncadd.s32 $0xFFFFF800  }
0x35: {  	[tilespmem:s11], [sflag:$0x5] =	stream.linear.gather [hbm4b:s10+s4], $0x800, $0x38;
	[tilespmem:$0x1E000] =	vst v63  }
0x36: {  	s14 =	simm.s32 $0x15800;
	s13 =	rddreg [dreg:$0x8]  }
0x37: {  	[tilespmem:s14], [sflag:$0x5] =	stream.linear.gather [hbm4b:s13+s4], $0x800, $0x38;
	[tilespmem:$0x1E000] =	vst v63  }
0x38: {  	_ = 	snop  }
0x39: {  	[tilespmem:s22], [sflag:$0x1] =	stream.indirect.gather [hbm4b:s1+s21], $0x80, s17, s21, $0xb8;
	[tilespmem:$0x1E000] =	vst v63  }
0x3a: {  	s23 =	simm.s32 $0x14080  }
0x3b: {  	[tilespmem:s24], [sflag:$0x2] =	stream.indirect.gather [hbm4b:s1+s21], $0x80, s23, s21, $0xb8;
	[tilespmem:$0x1E000] =	vst v63  }
0x3c: {  	s25 =	simm.s32 $0x14100;
	s28 =	simm.s32 $0x14180  }
0x3d: {  	[tilespmem:s26], [sflag:$0x3] =	stream.indirect.gather [hbm4b:s1+s21], $0x80, s25, s21, $0xb8;
	[tilespmem:$0x1E000] =	vst v63  }
0x3e: {  	s14 =	smov.u32 s19;
	s13 =	smov.u32 s20;
	s23 =	simm.s32 $0x0  }
0x3f: {  	[tilespmem:s29], [sflag:$0x4] =	stream.indirect.gather [hbm4b:s1+s21], $0x80, s28, s21, $0xb8;
	[tilespmem:$0x1E000] =	vst v63  }
.LBB2_2:
0x40: {  	s5 =	sand.u32 $0x1, s23;
	_ =	swait.ge [sflag:s30], $0x2000  }
0x41: {  	[sflag:s30] =	ssyncset.done $0x0;
	s28 =	sshll.u32 s5, $0xB  }
0x42: {  	[sflag:s30] =	ssyncadd.s32 $0xFFFFE000;
	s25 =	sor.u32 $0x15000, s28  }
0x43: {  	[spmem:s2] =	stream.indirect.scatter.add.f32 [tilespmem:s22], [sflag:$0x6], $0x80, s25, s21, $0xb8;
	[tilespmem:$0x1E000] =	vst v63  }
0x44: {  	_ =	swait.ge [sflag:s16], $0x2000  }
0x45: {  	[sflag:s16] =	ssyncset.done $0x0  }
0x46: {  	s7 =	sor.u32 $0x14200, s28;
	[sflag:s16] =	ssyncadd.s32 $0xFFFFE000  }
0x47: {  	[tilespmem:s22], [sflag:$0x1] =	stream.indirect.gather [hbm4b:s1+s21], $0x80, s7, s21, $0xb8;
	[tilespmem:$0x1E000] =	vst v63  }
0x48: {  	_ =	swait.ge [sflag:s31], $0x2000  }
0x49: {  	[sflag:s31] =	ssyncset.done $0x0  }
0x4a: {  	s8 =	sor.u32 $0x15080, s28;
	[sflag:s31] =	ssyncadd.s32 $0xFFFFE000  }
0x4b: {  	[spmem:s2] =	stream.indirect.scatter.add.f32 [tilespmem:s24], [sflag:$0x6], $0x80, s8, s21, $0xb8;
	[tilespmem:$0x1E000] =	vst v63  }
0x4c: {  	_ =	swait.ge [sflag:s16], $0x2000  }
0x4d: {  	[sflag:s16] =	ssyncset.done $0x0  }
0x4e: {  	s9 =	sor.u32 $0x14280, s28;
	[sflag:s16] =	ssyncadd.s32 $0xFFFFE000  }
0x4f: {  	[tilespmem:s24], [sflag:$0x2] =	stream.indirect.gather [hbm4b:s1+s21], $0x80, s9, s21, $0xb8;
	[tilespmem:$0x1E000] =	vst v63  }
0x50: {  	_ =	swait.ge [sflag:s0], $0x2000  }
0x51: {  	[sflag:s0] =	ssyncset.done $0x0  }
0x52: {  	s10 =	sor.u32 $0x15100, s28;
	[sflag:s0] =	ssyncadd.s32 $0xFFFFE000  }
0x53: {  	[spmem:s2] =	stream.indirect.scatter.add.f32 [tilespmem:s26], [sflag:$0x6], $0x80, s10, s21, $0xb8;
	[tilespmem:$0x1E000] =	vst v63  }
0x54: {  	_ =	swait.ge [sflag:s16], $0x2000  }
0x55: {  	[sflag:s16] =	ssyncset.done $0x0  }
0x56: {  	s11 =	sor.u32 $0x14300, s28;
	[sflag:s16] =	ssyncadd.s32 $0xFFFFE000  }
0x57: {  	[tilespmem:s26], [sflag:$0x3] =	stream.indirect.gather [hbm4b:s1+s21], $0x80, s11, s21, $0xb8;
	[tilespmem:$0x1E000] =	vst v63  }
0x58: {  	_ =	swait.ge [sflag:s3], $0x2000  }
0x59: {  	[sflag:s3] =	ssyncset.done $0x0  }
0x5a: {  	s8 =	sor.u32 $0x15180, s28;
	[sflag:s3] =	ssyncadd.s32 $0xFFFFE000  }
0x5b: {  	[spmem:s2] =	stream.indirect.scatter.add.f32 [tilespmem:s29], [sflag:$0x6], $0x80, s8, s21, $0xb8;
	[tilespmem:$0x1E000] =	vst v63  }
0x5c: {  	_ =	swait.ge [sflag:s16], $0x2000  }
0x5d: {  	[sflag:s16] =	ssyncset.done $0x0  }
0x5e: {  	s9 =	sor.u32 $0x14380, s28;
	[sflag:s16] =	ssyncadd.s32 $0xFFFFE000  }
0x5f: {  	[tilespmem:s29], [sflag:$0x4] =	stream.indirect.gather [hbm4b:s1+s21], $0x80, s9, s21, $0xb8;
	[tilespmem:$0x1E000] =	vst v63  }
0x60: {  	_ =	swait.ge [sflag:s30], $0x2000  }
0x61: {  	[sflag:s30] =	ssyncset.done $0x0  }
0x62: {  	s10 =	sor.u32 $0x15200, s28;
	[sflag:s30] =	ssyncadd.s32 $0xFFFFE000  }
0x63: {  	[spmem:s2] =	stream.indirect.scatter.add.f32 [tilespmem:s22], [sflag:$0x6], $0x80, s10, s21, $0xb8;
	[tilespmem:$0x1E000] =	vst v63  }
0x64: {  	_ =	swait.ge [sflag:s16], $0x2000  }
0x65: {  	[sflag:s16] =	ssyncset.done $0x0  }
0x66: {  	s11 =	sor.u32 $0x14400, s28;
	[sflag:s16] =	ssyncadd.s32 $0xFFFFE000  }
0x67: {  	[tilespmem:s22], [sflag:$0x1] =	stream.indirect.gather [hbm4b:s1+s21], $0x80, s11, s21, $0xb8;
	[tilespmem:$0x1E000] =	vst v63  }
0x68: {  	_ =	swait.ge [sflag:s31], $0x2000  }
0x69: {  	[sflag:s31] =	ssyncset.done $0x0  }
0x6a: {  	s8 =	sor.u32 $0x15280, s28;
	[sflag:s31] =	ssyncadd.s32 $0xFFFFE000  }
0x6b: {  	[spmem:s2] =	stream.indirect.scatter.add.f32 [tilespmem:s24], [sflag:$0x6], $0x80, s8, s21, $0xb8;
	[tilespmem:$0x1E000] =	vst v63  }
0x6c: {  	_ =	swait.ge [sflag:s16], $0x2000  }
0x6d: {  	[sflag:s16] =	ssyncset.done $0x0  }
0x6e: {  	s9 =	sor.u32 $0x14480, s28;
	[sflag:s16] =	ssyncadd.s32 $0xFFFFE000  }
0x6f: {  	[tilespmem:s24], [sflag:$0x2] =	stream.indirect.gather [hbm4b:s1+s21], $0x80, s9, s21, $0xb8;
	[tilespmem:$0x1E000] =	vst v63  }
0x70: {  	_ =	swait.ge [sflag:s0], $0x2000  }
0x71: {  	[sflag:s0] =	ssyncset.done $0x0  }
0x72: {  	s10 =	sor.u32 $0x15300, s28;
	[sflag:s0] =	ssyncadd.s32 $0xFFFFE000  }
0x73: {  	[spmem:s2] =	stream.indirect.scatter.add.f32 [tilespmem:s26], [sflag:$0x6], $0x80, s10, s21, $0xb8;
	[tilespmem:$0x1E000] =	vst v63  }
0x74: {  	_ =	swait.ge [sflag:s16], $0x2000  }
0x75: {  	[sflag:s16] =	ssyncset.done $0x0  }
0x76: {  	s11 =	sor.u32 $0x14500, s28;
	[sflag:s16] =	ssyncadd.s32 $0xFFFFE000  }
0x77: {  	[tilespmem:s26], [sflag:$0x3] =	stream.indirect.gather [hbm4b:s1+s21], $0x80, s11, s21, $0xb8;
	[tilespmem:$0x1E000] =	vst v63  }
0x78: {  	_ =	swait.ge [sflag:s3], $0x2000  }
0x79: {  	[sflag:s3] =	ssyncset.done $0x0  }
0x7a: {  	s8 =	sor.u32 $0x15380, s28;
	[sflag:s3] =	ssyncadd.s32 $0xFFFFE000  }
0x7b: {  	[spmem:s2] =	stream.indirect.scatter.add.f32 [tilespmem:s29], [sflag:$0x6], $0x80, s8, s21, $0xb8;
	[tilespmem:$0x1E000] =	vst v63  }
0x7c: {  	_ =	swait.ge [sflag:s16], $0x2000  }
0x7d: {  	[sflag:s16] =	ssyncset.done $0x0  }
0x7e: {  	s9 =	sor.u32 $0x14580, s28;
	[sflag:s16] =	ssyncadd.s32 $0xFFFFE000  }
0x7f: {  	[tilespmem:s29], [sflag:$0x4] =	stream.indirect.gather [hbm4b:s1+s21], $0x80, s9, s21, $0xb8;
	[tilespmem:$0x1E000] =	vst v63  }
0x80: {  	_ =	swait.ge [sflag:s30], $0x2000  }
0x81: {  	[sflag:s30] =	ssyncset.done $0x0  }
0x82: {  	s10 =	sor.u32 $0x15400, s28;
	[sflag:s30] =	ssyncadd.s32 $0xFFFFE000  }
0x83: {  	[spmem:s2] =	stream.indirect.scatter.add.f32 [tilespmem:s22], [sflag:$0x6], $0x80, s10, s21, $0xb8;
	[tilespmem:$0x1E000] =	vst v63  }
0x84: {  	_ =	swait.ge [sflag:s16], $0x2000  }
0x85: {  	[sflag:s16] =	ssyncset.done $0x0  }
0x86: {  	s11 =	sor.u32 $0x14600, s28;
	[sflag:s16] =	ssyncadd.s32 $0xFFFFE000  }
0x87: {  	[tilespmem:s22], [sflag:$0x1] =	stream.indirect.gather [hbm4b:s1+s21], $0x80, s11, s21, $0xb8;
	[tilespmem:$0x1E000] =	vst v63  }
0x88: {  	_ =	swait.ge [sflag:s31], $0x2000  }
0x89: {  	[sflag:s31] =	ssyncset.done $0x0  }
0x8a: {  	s8 =	sor.u32 $0x15480, s28;
	[sflag:s31] =	ssyncadd.s32 $0xFFFFE000  }
0x8b: {  	[spmem:s2] =	stream.indirect.scatter.add.f32 [tilespmem:s24], [sflag:$0x6], $0x80, s8, s21, $0xb8;
	[tilespmem:$0x1E000] =	vst v63  }
0x8c: {  	_ =	swait.ge [sflag:s16], $0x2000  }
0x8d: {  	[sflag:s16] =	ssyncset.done $0x0  }
0x8e: {  	s9 =	sor.u32 $0x14680, s28;
	[sflag:s16] =	ssyncadd.s32 $0xFFFFE000  }
0x8f: {  	[tilespmem:s24], [sflag:$0x2] =	stream.indirect.gather [hbm4b:s1+s21], $0x80, s9, s21, $0xb8;
	[tilespmem:$0x1E000] =	vst v63  }
0x90: {  	_ =	swait.ge [sflag:s0], $0x2000  }
0x91: {  	[sflag:s0] =	ssyncset.done $0x0  }
0x92: {  	s10 =	sor.u32 $0x15500, s28;
	[sflag:s0] =	ssyncadd.s32 $0xFFFFE000  }
0x93: {  	[spmem:s2] =	stream.indirect.scatter.add.f32 [tilespmem:s26], [sflag:$0x6], $0x80, s10, s21, $0xb8;
	[tilespmem:$0x1E000] =	vst v63  }
0x94: {  	_ =	swait.ge [sflag:s16], $0x2000  }
0x95: {  	[sflag:s16] =	ssyncset.done $0x0  }
0x96: {  	s11 =	sor.u32 $0x14700, s28;
	[sflag:s16] =	ssyncadd.s32 $0xFFFFE000  }
0x97: {  	[tilespmem:s26], [sflag:$0x3] =	stream.indirect.gather [hbm4b:s1+s21], $0x80, s11, s21, $0xb8;
	[tilespmem:$0x1E000] =	vst v63  }
0x98: {  	_ =	swait.ge [sflag:s3], $0x2000  }
0x99: {  	[sflag:s3] =	ssyncset.done $0x0  }
0x9a: {  	s8 =	sor.u32 $0x15580, s28;
	[sflag:s3] =	ssyncadd.s32 $0xFFFFE000  }
0x9b: {  	[spmem:s2] =	stream.indirect.scatter.add.f32 [tilespmem:s29], [sflag:$0x6], $0x80, s8, s21, $0xb8;
	[tilespmem:$0x1E000] =	vst v63  }
0x9c: {  	_ =	swait.ge [sflag:s16], $0x2000  }
0x9d: {  	[sflag:s16] =	ssyncset.done $0x0  }
0x9e: {  	s9 =	sor.u32 $0x14780, s28;
	[sflag:s16] =	ssyncadd.s32 $0xFFFFE000  }
0x9f: {  	[tilespmem:s29], [sflag:$0x4] =	stream.indirect.gather [hbm4b:s1+s21], $0x80, s9, s21, $0xb8;
	[tilespmem:$0x1E000] =	vst v63  }
0xa0: {  	_ =	swait.ge [sflag:s30], $0x2000  }
0xa1: {  	[sflag:s30] =	ssyncset.done $0x0  }
0xa2: {  	s10 =	sor.u32 $0x15600, s28;
	[sflag:s30] =	ssyncadd.s32 $0xFFFFE000  }
0xa3: {  	[spmem:s2] =	stream.indirect.scatter.add.f32 [tilespmem:s22], [sflag:$0x6], $0x80, s10, s21, $0xb8;
	[tilespmem:$0x1E000] =	vst v63  }
0xa4: {  	_ =	swait.ge [sflag:s16], $0x2000  }
0xa5: {  	p0 =	seq.s32 s23, $0x9;
	[sflag:s16] =	ssyncset.done $0x0  }
0xa6: {  	s7 =	simm.s32 @p0 $0x2;
	[sflag:s16] =	ssyncadd.s32 $0xFFFFE000  }
0xa7: {  	_ =	swait.ge @p0 [sflag:s7], $0x2000  }
0xa8: {  	s8 =	sor.u32 $0x680, s28;
	s9 =	simm.s32 @p0 $0x40;
	[sflag:s7] =	ssyncset.done @p0 $0x0  }
0xa9: {  	s10 =	simm.s32 @p0 $0x18000;
	[sflag:s7] =	ssyncadd.s32 @p0 $0xFFFFE000;
	s7 =	sor.u32 @p0 $0x15000, s8  }
0xaa: {  	[spmem:s2] =	stream.indirect.scatter.add.f32 @p0 [tilespmem:s10], [sflag:$0x6], $0x80, s7, s9, $0xb8;
	[tilespmem:$0x1E000] =	vst v63  }
0xab: {  	s7 =	simm.s32 @p0 $0x6  }
0xac: {  	_ =	swait.ge @p0 [sflag:s7], $0x2000  }
0xad: {  	[sflag:s7] =	ssyncset.done @p0 $0x0  }
0xae: {  	[sflag:s7] =	ssyncadd.s32 @p0 $0xFFFFE000;
	s7 =	simm.s32 @!p0 $0x5  }
0xaf: {  	_ =	swait.ge @!p0 [sflag:s7], $0x800  }
0xb0: {  	[sflag:s7] =	ssyncset.done @!p0 $0x0  }
0xb1: {  	[sflag:s7] =	ssyncadd.s32 @!p0 $0xFFFFF800  }
0xb2: {  	_ =	swait.ge @!p0 [sflag:s7], $0x800  }
0xb3: {  	s5 =	sxor.u32 $0x1, s5;
	[sflag:s7] =	ssyncset.done @!p0 $0x0  }
0xb4: {  	[sflag:s7] =	ssyncadd.s32 @!p0 $0xFFFFF800;
	s7 =	sshll.u32 @!p0 s5, $0xB  }
0xb5: {  	s11 =	simm.s32 @!p0 $0x16000;
	s10 =	simm.s32 @!p0 $0x40;
	s9 =	sor.u32 @!p0 $0x14000, s7  }
0xb6: {  	[tilespmem:s11], [sflag:$0x1] =	stream.indirect.gather @!p0 [hbm4b:s1+s10], $0x80, s9, s10, $0xb8;
	[tilespmem:$0x1E000] =	vst v63  }
0xb7: {  	s9 =	simm.s32 @!p0 $0x2  }
0xb8: {  	_ =	swait.ge @!p0 [sflag:s9], $0x2000  }
0xb9: {  	[sflag:s9] =	ssyncset.done @!p0 $0x0  }
0xba: {  	s8 =	sor.u32 @!p0 $0x15000, s8;
	[sflag:s9] =	ssyncadd.s32 @!p0 $0xFFFFE000;
	s9 =	simm.s32 @!p0 $0x18000  }
0xbb: {  	[spmem:s2] =	stream.indirect.scatter.add.f32 @!p0 [tilespmem:s9], [sflag:$0x6], $0x80, s8, s10, $0xb8;
	[tilespmem:$0x1E000] =	vst v63  }
0xbc: {  	s8 =	simm.s32 @!p0 $0x6  }
0xbd: {  	_ =	swait.ge @!p0 [sflag:s8], $0x2000  }
0xbe: {  	[sflag:s8] =	ssyncset.done @!p0 $0x0  }
0xbf: {  	s7 =	sor.u32 @!p0 $0x14080, s7;
	[sflag:s8] =	ssyncadd.s32 @!p0 $0xFFFFE000  }
0xc0: {  	[tilespmem:s9], [sflag:$0x2] =	stream.indirect.gather @!p0 [hbm4b:s1+s10], $0x80, s7, s10, $0xb8;
	[tilespmem:$0x1E000] =	vst v63  }
0xc1: {  	_ =	swait.ge [sflag:s0], $0x2000  }
0xc2: {  	s11 =	sor.u32 $0x700, s28;
	p0 =	sne.s32 s23, $0x9;
	[sflag:s0] =	ssyncset.done $0x0  }
.Ltmp2:
0xc3: {  	s7 =	sor.u32 $0x15000, s11;
	[sflag:s0] =	ssyncadd.s32 $0xFFFFE000;
	(pc) =	sbr.rel @!p0 .LBB2_3-.Ltmp2, $4  }
0xc4: {  	[spmem:s2] =	stream.indirect.scatter.add.f32 [tilespmem:s26], [sflag:$0x6], $0x80, s7, s21, $0xb8;
	[tilespmem:$0x1E000] =	vst v63  }
0xc5: {  	_ =	swait.ge [sflag:s16], $0x2000  }
0xc6: {  	[sflag:s16] =	ssyncset.done $0x0  }
0xc7: {  	s7 =	sor.u32 $0x780, s28;
	[sflag:s16] =	ssyncadd.s32 $0xFFFFE000  }
0xc8: {  	s5 =	sshll.u32 s5, $0xB  }
0xc9: {  	s8 =	sor.u32 $0x14100, s5  }
0xca: {  	[tilespmem:s26], [sflag:$0x3] =	stream.indirect.gather [hbm4b:s1+s21], $0x80, s8, s21, $0xb8;
	[tilespmem:$0x1E000] =	vst v63  }
0xcb: {  	_ =	swait.ge [sflag:s3], $0x2000  }
0xcc: {  	[sflag:s3] =	ssyncset.done $0x0  }
0xcd: {  	s7 =	sor.u32 $0x15000, s7;
	[sflag:s3] =	ssyncadd.s32 $0xFFFFE000  }
0xce: {  	[spmem:s2] =	stream.indirect.scatter.add.f32 [tilespmem:s29], [sflag:$0x6], $0x80, s7, s21, $0xb8;
	[tilespmem:$0x1E000] =	vst v63  }
0xcf: {  	_ =	swait.ge [sflag:s16], $0x2000  }
0xd0: {  	[sflag:s16] =	ssyncset.done $0x0  }
0xd1: {  	p0 =	sgt.u32 s23, $0x7;
	s5 =	sor.u32 $0x14180, s5;
	[sflag:s16] =	ssyncadd.s32 $0xFFFFE000  }
0xd2: {  	[tilespmem:s29], [sflag:$0x4] =	stream.indirect.gather [hbm4b:s1+s21], $0x80, s5, s21, $0xb8;
	[tilespmem:$0x1E000] =	vst v63  }
0xd3: {  	s7 =	simm.s32 @!p0 $0x0;
	s5 =	sor.u32 @!p0 $0x14000, s28  }
0xd4: {  	[tilespmem:s5], [sflag:$0x5] =	stream.linear.gather @!p0 [hbm4b:s14+s7], $0x800, $0x38;
	[tilespmem:$0x1E000] =	vst v63  }
0xd5: {  	s23 =	sadd.s32 $0x1, s23  }
0xd6: {  	[tilespmem:s25], [sflag:$0x5] =	stream.linear.gather @!p0 [hbm4b:s13+s7], $0x800, $0x38;
	[tilespmem:$0x1E000] =	vst v63  }
0xd7: {  	p0 =	sne.s32 s23, $0xA  }
.Ltmp3:
0xd8: {  	_ = 	snop;
	(pc) =	sbr.rel @p0 .LBB2_2-.Ltmp3, $4  }
.Ltmp4:
0xd9: {  	_ = 	snop;
	(pc) =	sbr.rel @!p0 .LBB2_5-.Ltmp4, $4  }
0xda: {  	_ = 	snop  }
0xdb: {  	_ = 	snop  }
0xdc: {  	s14 =	sadd.s32 $0x100, s14;
	s13 =	sadd.s32 $0x100, s13  }
0xdd: {  	_ = 	snop  }
.LBB2_6:
0xde: {  	_ =	sfence.sel $0x180000  }
0xdf: {  	[bflag:$0x0] =	sbarrier.arrive $0xFFFF  }
0xe0: {  	_ =	strace $0x9000004A  }
0xe1: {  	s0 =	stileid.u32;
	[bflag:$0x2] =	sbarrier.arrive $0xFFFF  }
0xe2: {  	p0 =	sne.s32 s0, $0x0;
	s0 =	rddreg [dreg:$0x3]  }
0xe3: {  	s0 =	sadd.s32 @!p0 $0x100000, s0  }
0xe4: {  	[sflag:s0] =	ssyncadd.tile.s32 @!p0 $0x1;
	_ =	shalt  }
.Lfunc_end2:
_tile_overlayer_lowered:
.L_overlay_start_2:
0xe5: {  	(tag) =	ssettag $0x2  }
0xe6: {  	s0 =	rddreg [dreg:$0x0];
	s2 =	stileid.u32  }
0xe7: {  	s1 =	rddreg [dreg:$0x1];
	p0 =	sne.s32 s2, $0x0  }
0xe8: {  	s3 =	rddreg [dreg:$0x2];
	[bflag:$0x3] =	sbarrier.arrive $0xFFFF;
	s2 =	simm.s32 @!p0 $0x1C06  }
0xe9: {  	[timem:s3], [sflag:s2] =	dma.local @!p0 [hbm:s0], s1  }
0xea: {  	s0 =	simm.s32 @!p0 $0x6  }
0xeb: {  	_ =	swait.ge @!p0 [sflag:s0], s1  }
0xec: {  	s1 =	ssub.s32 @!p0 $0x0, s1;
	[sflag:s0] =	ssyncset.done @!p0 $0x0  }
0xed: {  	[sflag:s0] =	ssyncadd.s32 @!p0 s1  }
0xee: {  	[bflag:$0x3] =	sbarrier.arrive $0xFFFF  }
0xef: {  	_ =	shalt  }

// kernel: kernel.14.cloned.1.call-start
scs
__scs_entry_jumppad:
0x0: {  	(pc) =	sbr.rel $0x88, $3  }
0x1: {  	(tag) =	ssettag $0x0;
	lr =	simm.s32 $0x1  }
0x2: {  	[smem:$0x3F9B] =	sst lr;
	_ =	strace $0xD0000000  }
0x3: {  	_ = 	snop  }
0x4: {  	_ = 	snop  }
0x5: {  	_ = 	snop  }
0x6: {  	_ = 	snop  }
0x7: {  	_ = 	snop  }
__scs_overlays_trampoline_lowered:
0x8: {  	[smem:$0x3FAA] =	sst s0  }
0x9: {  	[smem:$0x3FAB] =	sst s1  }
0xa: {  	[smem:$0x3FAC] =	sst s2  }
0xb: {  	[smem:$0x3FAD] =	sst s3  }
0xc: {  	[smem:$0x3FAE] =	sst s4  }
0xd: {  	[smem:$0x3FAF] =	sst s5  }
0xe: {  	[smem:$0x3FB0] =	sst s6  }
0xf: {  	[smem:$0x3FB1] =	sst s7  }
0x10: {  	[smem:$0x3FB2] =	sst s8  }
0x11: {  	[smem:$0x3FB3] =	sst s9;
	s0 =	simm.s32 @!p0 $0x0  }
0x12: {  	s1 =	sld [smem:$0x3F99];
	s0 =	simm.s32 @p0 $0x1  }
0x13: {  	[smem:$0x3FB4] =	sst s0;
	s0 =	simm.s32 @!p1 $0x0  }
0x14: {  	s2 =	sld [smem:$0x3F98];
	s0 =	simm.s32 @p1 $0x1  }
0x15: {  	[smem:$0x3FB5] =	sst s0;
	s0 =	simm.s32 @!p2 $0x0  }
0x16: {  	s3 =	sld [smem:$0x3FDB];
	s0 =	simm.s32 @p2 $0x1  }
0x17: {  	s4 =	simm.s32 $0x1BF5;
	[smem:$0x3FB7] =	sst s0  }
0x18: {  	s0 =	sld [smem:$0x3F9A];
	_ =	swait.ge [sflag:s4], $0x0  }
0x19: {  	s7 =	sld [smem:$0x3F9B]  }
0x1a: {  	s8 =	sadd.s32 $0xFFFFE003, lr  }
0x1b: {  	s9 =	sadd.s32 $0xFFFFFEF7, lr;
	s5 =	simm.s32 $0xFFFFFFFF;
	p2 =	slt.u32 s8, $0xFFFFF086  }
0x1c: {  	p1 =	slt.u32 s9, $0xF7A;
	s5 =	simm.s32 @!p2 $0x0  }
0x1d: {  	s5 =	simm.s32 @p1 $0x1;
	p0 =	seq.s32 s7, s2  }
0x1e: {  	s7 =	smul.u32 @!p0 $0xF7A, s2;
	p2 =	seq.s32 @!p0 s5, $0x0  }
0x1f: {  	s9 =	smul.u32 $0xF7A, s1;
	s8 =	simm.s32 @!p0 $0x1BF5;
	p2 =	por !p2, p0  }
0x20: {  	[sflag:s8] =	ssyncset.s32 @!p0 $0xFFFFF086;
	s6 =	sadd.s32 @!p0 s3, s7;
	s7 =	simm.s32 @!p0 $0x108  }
0x21: {  	s3 =	sadd.s32 s3, s9;
	s6 =	sadd.s32 @!p0 $0x88, s6;
	s7 =	simm.s32 @p2 $0x1082  }
0x22: {  	[simem:s7], [sflag:s8] =	dma.local @!p0 [hbm:s6], $0xF7A  }
0x23: {  	s9 =	sor.u32 $0xD0000000, s2;
	s6 =	simm.s32 $0x108;
	_ =	swait.ge @!p0 [sflag:s8], $0x0  }
0x24: {  	s3 =	sadd.s32 $0x88, s3;
	s6 =	simm.s32 @!p1 $0x1082;
	[sflag:s4] =	ssyncset.s32 $0xFFFFF086  }
0x25: {  	[simem:s6], [sflag:s4] =	dma.local [hbm:s3], $0xF7A  }
0x26: {  	[smem:$0x3F9B] =	sst s1;
	(tag) =	ssettag s2;
	_ =	strace s9  }
0x27: {  	s1 =	sld [smem:$0x3FAB]  }
0x28: {  	s2 =	sld [smem:$0x3FAC]  }
0x29: {  	s4 =	sld [smem:$0x3FAE]  }
0x2a: {  	p0 =	seq.s32 s5, $0x0;
	s5 =	sld [smem:$0x3FAF]  }
0x2b: {  	s6 =	sld [smem:$0x3FB0]  }
0x2c: {  	s7 =	sld [smem:$0x3FB1]  }
0x2d: {  	s3 =	simm.s32 $0x108;
	s8 =	sld [smem:$0x3FB2]  }
0x2e: {  	s3 =	simm.s32 @!p0 $0x1082;
	s9 =	sld [smem:$0x3FB3]  }
0x2f: {  	lr =	sadd.s32 s0, s3;
	s0 =	sld [smem:$0x3FAA]  }
0x30: {  	s3 =	sld [smem:$0x3FAD]  }
0x31: {  	[smem:$0x3FB6] =	sst s10  }
0x32: {  	s10 =	sld [smem:$0x3FB4];
	_ =	sdelay $0x3  }
0x33: {  	p0 =	seq.s32 s10, $0x1;
	s10 =	sld [smem:$0x3FB6];
	_ =	sdelay $0x3  }
0x34: {  	[smem:$0x3FB6] =	sst s10  }
0x35: {  	s10 =	sld [smem:$0x3FB5];
	_ =	sdelay $0x3  }
0x36: {  	p1 =	seq.s32 s10, $0x1;
	s10 =	sld [smem:$0x3FB6];
	_ =	sdelay $0x3  }
0x37: {  	[smem:$0x3FB6] =	sst s10  }
0x38: {  	s10 =	sld [smem:$0x3FB7]  }
0x39: {  	_ = 	snop;
	(pc) =	sbr.ind lr, $3  }
0x3a: {  	_ = 	snop  }
0x3b: {  	_ = 	snop  }
0x3c: {  	p2 =	seq.s32 s10, $0x1;
	s10 =	sld [smem:$0x3FB6]  }
0x3d: {  	_ =	shalt  }
0x3e: {  	_ =	shalt  }
0x3f: {  	_ =	shalt  }
0x40: {  	_ =	shalt  }
0x41: {  	_ =	shalt  }
0x42: {  	_ =	shalt  }
0x43: {  	_ =	shalt  }
0x44: {  	_ =	shalt  }
0x45: {  	_ =	shalt  }
0x46: {  	_ =	shalt  }
0x47: {  	_ =	shalt  }
0x48: {  	_ =	shalt  }
0x49: {  	_ =	shalt  }
0x4a: {  	_ =	shalt  }
0x4b: {  	_ =	shalt  }
0x4c: {  	_ =	shalt  }
0x4d: {  	_ =	shalt  }
0x4e: {  	_ =	shalt  }
0x4f: {  	_ =	shalt  }
0x50: {  	_ =	shalt  }
0x51: {  	_ =	shalt  }
0x52: {  	_ =	shalt  }
0x53: {  	_ =	shalt  }
0x54: {  	_ =	shalt  }
0x55: {  	_ =	shalt  }
0x56: {  	_ =	shalt  }
0x57: {  	_ =	shalt  }
0x58: {  	_ =	shalt  }
0x59: {  	_ =	shalt  }
0x5a: {  	_ =	shalt  }
0x5b: {  	_ =	shalt  }
0x5c: {  	_ =	shalt  }
0x5d: {  	_ =	shalt  }
0x5e: {  	_ =	shalt  }
0x5f: {  	_ =	shalt  }
0x60: {  	_ =	shalt  }
0x61: {  	_ =	shalt  }
0x62: {  	_ =	shalt  }
0x63: {  	_ =	shalt  }
0x64: {  	_ =	shalt  }
0x65: {  	_ =	shalt  }
0x66: {  	_ =	shalt  }
0x67: {  	_ =	shalt  }
0x68: {  	_ =	shalt  }
0x69: {  	_ =	shalt  }
0x6a: {  	_ =	shalt  }
0x6b: {  	_ =	shalt  }
0x6c: {  	_ =	shalt  }
0x6d: {  	_ =	shalt  }
0x6e: {  	_ =	shalt  }
0x6f: {  	_ =	shalt  }
0x70: {  	_ =	shalt  }
0x71: {  	_ =	shalt  }
0x72: {  	_ =	shalt  }
0x73: {  	_ =	shalt  }
0x74: {  	_ =	shalt  }
0x75: {  	_ =	shalt  }
0x76: {  	_ =	shalt  }
0x77: {  	_ =	shalt  }
0x78: {  	_ =	shalt  }
0x79: {  	_ =	shalt  }
0x7a: {  	_ =	shalt  }
0x7b: {  	_ =	shalt  }
0x7c: {  	_ =	shalt  }
0x7d: {  	_ =	shalt  }
0x7e: {  	_ =	shalt  }
0x7f: {  	_ =	shalt  }
0x80: {  	_ =	shalt  }
0x81: {  	_ =	shalt  }
0x82: {  	_ =	shalt  }
0x83: {  	_ =	shalt  }
0x84: {  	_ =	shalt  }
0x85: {  	_ =	shalt  }
0x86: {  	_ =	shalt  }
0x87: {  	_ =	shalt  }
.Lfunc_end0:
.L_simem_size_0:
called_computation.2_lowered:
.L_overlay_start_0:
0x88: {  	s2 =	sld [smem:$0x3FD9]  }
0x89: {  	s3 =	sld [smem:$0x3FFE];
	_ =	sdelay $0x1  }
0x8a: {  	s1 =	srdreg.scid  }
0x8b: {  	s0 =	sand.u32 $0x1, s1  }
0x8c: {  	s17 =	sshll.u32 s0, $0xA;
	s2 =	sadd.s32 s3, s2  }
0x8d: {  	s2 =	sadd.s32 s2, s17  }
0x8e: {  	[smem:$0x3FC2] =	sst s2  }
0x8f: {  	_ = 	snop  }
0x90: {  	s2 =	sld [smem:$0x3FD0];
	(tm) =	ssettm $0x1  }
0x91: {  	s18 =	sld [smem:$0x3FFB];
	_ =	sdelay $0x3  }
0x92: {  	_ =	strace s18  }
0x93: {  	s3 =	sld [smem:$0x3FFC];
	_ =	sdelay $0x3  }
0x94: {  	_ =	strace s3  }
0x95: {  	s3 =	sld [smem:$0x3FFD];
	_ =	sdelay $0x3  }
0x96: {  	_ =	strace s3  }
0x97: {  	_ =	strace $0x8FFFFFFF  }
0x98: {  	s19 =	sld [smem:$0x3FDB];
	_ =	sdelay $0x1  }
0x99: {  	s4 =	simm.s32 $_scs_section_size  }
0x9a: {  	s5 =	simm.s32 $_size__tile_overlayer_lowered;
	s6 =	simm.s32 $_tile_overlayer_lowered  }
0x9b: {  	s22 =	simm.s32 $0x1BFF;
	s21 =	sshll.u32 s6, $0x1;
	s3 =	sadd.s32 s4, s19  }
0x9c: {  	s7 =	simm.s32 $0x0;
	s20 =	sshll.u32 s5, $0x1;
	s5 =	sadd.s32 s21, s3  }
0x9d: {  	[timem:s7], [sflag:s22] =	dma.local [hbm:s5], s20  }
0x9e: {  	_ =	swait.ge [sflag:s22], s20  }
0x9f: {  	s4 =	ssub.s32 $0x0, s20;
	[sflag:s22] =	ssyncset.done $0x0  }
0xa0: {  	[sflag:s22] =	ssyncadd.s32 s4;
	_ =	sdelay $0x1  }
0xa1: {  	s23 =	simm.s32 $0x1B8B  }
0xa2: {  	_ =	swait.ge [sflag:s23], $0x1  }
0xa3: {  	[sflag:s23] =	ssyncset.done $0x0  }
0xa4: {  	s25 =	simm.s32 $0x1B8E;
	s24 =	sld [smem:$0x3FFE];
	[sflag:s23] =	ssyncadd.s32 $0xFFFFFFFF  }
0xa5: {  	s26 =	simm.s32 $execute0_lowered;
	[smem:$0x3FD2] =	sst s25  }
0xa6: {  	s5 =	sshll.u32 s26, $0x1;
	_ =	strace $0x8000004C;
	[dreg:$0x1] =	wrdreg $0xFFFFFFFF  }
0xa7: {  	s28 =	simm.s32 $_size_execute0_lowered;
	s3 =	sadd.s32 s3, s5;
	[dreg:$0x0] =	wrdreg $0x0  }
0xa8: {  	s5 =	sshll.u32 s28, $0x1;
	[dreg:$0x2] =	wrdreg s3  }
0xa9: {  	[dreg:$0x3] =	wrdreg s5  }
0xaa: {  	[dreg:$0x4] =	wrdreg $0xC0  }
0xab: {  	_ =	task [dreg:s7], $0x5FFFF  }
0xac: {  	[dreg:$0x1] =	wrdreg $0xFFFFFFFF  }
0xad: {  	[dreg:$0x0] =	wrdreg $0x60  }
0xae: {  	[dreg:$0x2] =	wrdreg s2  }
0xaf: {  	[dreg:$0x3] =	wrdreg s24  }
0xb0: {  	[dreg:$0x4] =	wrdreg $0x0  }
0xb1: {  	[dreg:$0x5] =	wrdreg $0x9  }
0xb2: {  	_ =	task.clear_ibuf [dreg:s7], $0x6FFFF;
	_ =	strace $0x9000004C  }
0xb3: {  	s29 =	simm.s32 $0x9;
	_ =	strace $0x8000004E  }
0xb4: {  	_ =	swait.ge [sflag:s29], $0x1  }
0xb5: {  	[sflag:s29] =	ssyncadd.s32 $0xFFFFFFFF  }
0xb6: {  	_ =	strace $0x9000004E  }
0xb7: {  	_ =	sfence  }
0xb8: {  	s30 =	sld [smem:$0x0];
	_ =	sdelay $0x2  }
0xb9: {  	s31 =	sshll.u32 s1, $0xD;
	s1 =	sshrl.u32 s1, $0x2  }
0xba: {  	s3 =	sand.u32 $0x4000, s31;
	s1 =	sadd.s32 s1, s30  }
0xbb: {  	s0 =	sor.u32 s3, s0;
	s1 =	sshll.u32 s1, $0x11  }
0xbc: {  	s0 =	sor.u32 s1, s0  }
0xbd: {  	s0 =	sadd.s32 $0x8F2B, s0  }
0xbe: {  	[sflag:s0] =	ssyncadd.remote.s32 $0x1  }
0xbf: {  	_ =	sfence.sel $0xFFFF  }
0xc0: {  	[dreg:$0x0] =	wrdreg $0xFFFFFFFF;
	(pc) =	sbr.abs _section_cstart, $3  }
0xc1: {  	[dreg:$0x1] =	wrdreg $0xFFFFFFFF  }
0xc2: {  	_ =	task.clear_ibuf [dreg:s7], $0x2FFFF;
	_ =	strace $0x9FFFFFFF  }
0xc3: {  	(tm) =	ssettm $0x7FFFFFFF  }
tec
execute0_lowered:
.L_overlay_start_1:
0x0: {  	(tag) =	ssettag $0x1  }
0x1: {  	s1 =	rddreg [dreg:$0x0]  }
0x2: {  	s0 =	rddreg [dreg:$0x1]  }
0x3: {  	s2 =	rddreg [dreg:$0x2]  }
0x4: {  	s3 =	srdreg.scid;
	s4 =	simm.s32 $0x0;
	s10 =	stileid.u32  }
0x5: {  	s16 =	simm.s32 $0x6;
	s29 =	simm.s32 $0x1C000;
	s30 =	simm.s32 $0x1  }
0x6: {  	s31 =	simm.s32 $0x2;
	s3 =	sand.u32 $0x1, s3;
	s6 =	smul.u32 $0x14000, s10  }
0x7: {  	[smem:$0x7FF] =	sst s4;
	s7 =	sadd.s32 $0x24400, s0;
	s9 =	smul.u32 $0x50000, s10  }
0x8: {  	s13 =	sadd.s32 $0x10400, s0;
	s17 =	sadd.s32 $0x6400, s0;
	s21 =	smul.u32 $0xA000, s10  }
0x9: {  	s18 =	sshll.u32 s10, $0x1;
	s10 =	sshll.u32 s10, $0x6;
	s5 =	smul.u32 $0x140000, s3  }
0xa: {  	_ =	strace $0x8000004D;
	[dreg:$0x4] =	wrdreg s17;
	s8 =	ssub.s32 $0x2, s3  }
0xb: {  	s17 =	simm.s32 $0x14000;
	s19 =	sshrl.u32 s8, $0x1;
	s20 =	sshrl.u32 s9, $0x2  }
0xc: {  	s5 =	sadd.s32 s6, s5;
	s6 =	sor.u32 s3, s18;
	s3 =	smul.u32 $0x5000, s3  }
0xd: {  	s14 =	sadd.s32 s20, s2;
	s18 =	simm.s32 $0x0;
	s5 =	sshrl.u32 s5, $0x3  }
0xe: {  	s6 =	smul.u32 $0x5000, s6;
	s15 =	sshrl.u32 s14, $0x3;
	s0 =	sadd.s32 s5, s0  }
0xf: {  	s5 =	ssub.s32 s8, s19;
	s3 =	sadd.s32 s3, s21;
	s21 =	simm.s32 $0x40  }
0x10: {  	s11 =	sshrl.u32 s6, $0x3;
	s6 =	sor.u32 $0x1C06, s10;
	s3 =	sadd.s32 $0x1000, s3  }
0x11: {  	s0 =	sadd.s32 $0x38400, s0;
	s12 =	smax.u32 s5, $0x1;
	s22 =	sadd.s32 s7, s11  }
0x12: {  	s23 =	sadd.s32 s13, s11;
	s24 =	sor.u32 $0x100, s11;
	[dreg:$0x9] =	wrdreg s0  }
.Ltmp0:
0x13: {  	s28 =	sshrl.u32 s3, $0x3;
	[dreg:$0x5] =	wrdreg s22;
	(pc) =	sbr.rel .LBB2_1-.Ltmp0, $4  }
0x14: {  	s0 =	simm.s32 $0x3;
	s3 =	simm.s32 $0x4;
	[dreg:$0x6] =	wrdreg s23  }
0x15: {  	s25 =	sadd.s32 s7, s24;
	s26 =	sadd.s32 s13, s24;
	s20 =	sadd.s32 s28, s13  }
0x16: {  	s19 =	sadd.s32 s28, s7;
	s22 =	simm.s32 $0x16000;
	[dreg:$0x7] =	wrdreg s25  }
0x17: {  	s24 =	simm.s32 $0x18000;
	[dreg:$0x8] =	wrdreg s26;
	s26 =	simm.s32 $0x1A000  }
.LBB2_3:
0x18: {  	_ =	swait.ge [sflag:s3], $0x2000  }
0x19: {  	[sflag:s3] =	ssyncset.done $0x0  }
0x1a: {  	s5 =	sor.u32 $0x15000, s7;
	[sflag:s3] =	ssyncadd.s32 $0xFFFFE000  }
0x1b: {  	[spmem:s2] =	stream.indirect.scatter.add.f32 [tilespmem:s29], [sflag:$0x6], $0x80, s5, s21, $0xb8;
	[tilespmem:$0x1E000] =	vst v63  }
0x1c: {  	_ =	swait.ge [sflag:s16], $0x2000  }
0x1d: {  	[sflag:s16] =	ssyncset.done $0x0  }
0x1e: {  	[sflag:s16] =	ssyncadd.s32 $0xFFFFE000  }
.LBB2_5:
0x1f: {  	s18 =	sadd.s32 $0x1, s18  }
0x20: {  	[bflag:$0x0] =	sbarrier.arrive $0xFFFF;
	p0 =	sne.s32 s18, s12  }
.Ltmp1:
0x21: {  	s5 =	rddreg [dreg:$0x9];
	(pc) =	sbr.rel @!p0 .LBB2_6-.Ltmp1, $4  }
0x22: {  	[hbm:s5], [sflag:s6] =	dma.local [spmem:s15], $0x2800  }
0x23: {  	_ =	swait.ge [sflag:s16], $0x2800  }
0x24: {  	[sflag:s16] =	ssyncset.done $0x0  }
0x25: {  	[sflag:s16] =	ssyncadd.s32 $0xFFFFD800  }
.LBB2_1:
0x26: {  	s5 =	rddreg [dreg:$0x4]  }
0x27: {  	[spmem:s15], [sflag:s6] =	dma.local [hbm:s5], $0x2800  }
0x28: {  	_ =	swait.ge [sflag:s16], $0x2800  }
0x29: {  	[sflag:s16] =	ssyncset.done $0x0  }
0x2a: {  	[sflag:s16] =	ssyncadd.s32 $0xFFFFD800  }
0x2b: {  	[bflag:$0x0] =	sbarrier.arrive $0xFFFF  }
0x2c: {  	s8 =	rddreg [dreg:$0x5]  }
0x2d: {  	[tilespmem:s17], [sflag:$0x6] =	stream.linear.gather [hbm4b:s8+s4], $0x800, $0x38;
	[tilespmem:$0x1E000] =	vst v63  }
0x2e: {  	_ =	swait.ge [sflag:s16], $0x800  }
0x2f: {  	[sflag:s16] =	ssyncset.done $0x0  }
0x30: {  	s7 =	simm.s32 $0x15000;
	s9 =	rddreg [dreg:$0x6];
	[sflag:s16] =	ssyncadd.s32 $0xFFFFF800  }
0x31: {  	[tilespmem:s7], [sflag:$0x6] =	stream.linear.gather [hbm4b:s9+s4], $0x800, $0x38;
	[tilespmem:$0x1E000] =	vst v63  }
0x32: {  	_ =	swait.ge [sflag:s16], $0x800  }
0x33: {  	[sflag:s16] =	ssyncset.done $0x0  }
0x34: {  	s11 =	simm.s32 $0x14800;
	s10 =	rddreg [dreg:$0x7];
	[sflag:s16] =	ssyncadd.s32 $0xFFFFF800  }
0x35: {  	[tilespmem:s11], [sflag:$0x5] =	stream.linear.gather [hbm4b:s10+s4], $0x800, $0x38;
	[tilespmem:$0x1E000] =	vst v63  }
0x36: {  	s14 =	simm.s32 $0x15800;
	s13 =	rddreg [dreg:$0x8]  }
0x37: {  	[tilespmem:s14], [sflag:$0x5] =	stream.linear.gather [hbm4b:s13+s4], $0x800, $0x38;
	[tilespmem:$0x1E000] =	vst v63  }
0x38: {  	_ = 	snop  }
0x39: {  	[tilespmem:s22], [sflag:$0x1] =	stream.indirect.gather [hbm4b:s1+s21], $0x80, s17, s21, $0xb8;
	[tilespmem:$0x1E000] =	vst v63  }
0x3a: {  	s23 =	simm.s32 $0x14080  }
0x3b: {  	[tilespmem:s24], [sflag:$0x2] =	stream.indirect.gather [hbm4b:s1+s21], $0x80, s23, s21, $0xb8;
	[tilespmem:$0x1E000] =	vst v63  }
0x3c: {  	s25 =	simm.s32 $0x14100;
	s28 =	simm.s32 $0x14180  }
0x3d: {  	[tilespmem:s26], [sflag:$0x3] =	stream.indirect.gather [hbm4b:s1+s21], $0x80, s25, s21, $0xb8;
	[tilespmem:$0x1E000] =	vst v63  }
0x3e: {  	s14 =	smov.u32 s19;
	s13 =	smov.u32 s20;
	s23 =	simm.s32 $0x0  }
0x3f: {  	[tilespmem:s29], [sflag:$0x4] =	stream.indirect.gather [hbm4b:s1+s21], $0x80, s28, s21, $0xb8;
	[tilespmem:$0x1E000] =	vst v63  }
.LBB2_2:
0x40: {  	s5 =	sand.u32 $0x1, s23;
	_ =	swait.ge [sflag:s30], $0x2000  }
0x41: {  	[sflag:s30] =	ssyncset.done $0x0;
	s28 =	sshll.u32 s5, $0xB  }
0x42: {  	[sflag:s30] =	ssyncadd.s32 $0xFFFFE000;
	s25 =	sor.u32 $0x15000, s28  }
0x43: {  	[spmem:s2] =	stream.indirect.scatter.add.f32 [tilespmem:s22], [sflag:$0x6], $0x80, s25, s21, $0xb8;
	[tilespmem:$0x1E000] =	vst v63  }
0x44: {  	_ =	swait.ge [sflag:s16], $0x2000  }
0x45: {  	[sflag:s16] =	ssyncset.done $0x0  }
0x46: {  	s7 =	sor.u32 $0x14200, s28;
	[sflag:s16] =	ssyncadd.s32 $0xFFFFE000  }
0x47: {  	[tilespmem:s22], [sflag:$0x1] =	stream.indirect.gather [hbm4b:s1+s21], $0x80, s7, s21, $0xb8;
	[tilespmem:$0x1E000] =	vst v63  }
0x48: {  	_ =	swait.ge [sflag:s31], $0x2000  }
0x49: {  	[sflag:s31] =	ssyncset.done $0x0  }
0x4a: {  	s8 =	sor.u32 $0x15080, s28;
	[sflag:s31] =	ssyncadd.s32 $0xFFFFE000  }
0x4b: {  	[spmem:s2] =	stream.indirect.scatter.add.f32 [tilespmem:s24], [sflag:$0x6], $0x80, s8, s21, $0xb8;
	[tilespmem:$0x1E000] =	vst v63  }
0x4c: {  	_ =	swait.ge [sflag:s16], $0x2000  }
0x4d: {  	[sflag:s16] =	ssyncset.done $0x0  }
0x4e: {  	s9 =	sor.u32 $0x14280, s28;
	[sflag:s16] =	ssyncadd.s32 $0xFFFFE000  }
0x4f: {  	[tilespmem:s24], [sflag:$0x2] =	stream.indirect.gather [hbm4b:s1+s21], $0x80, s9, s21, $0xb8;
	[tilespmem:$0x1E000] =	vst v63  }
0x50: {  	_ =	swait.ge [sflag:s0], $0x2000  }
0x51: {  	[sflag:s0] =	ssyncset.done $0x0  }
0x52: {  	s10 =	sor.u32 $0x15100, s28;
	[sflag:s0] =	ssyncadd.s32 $0xFFFFE000  }
0x53: {  	[spmem:s2] =	stream.indirect.scatter.add.f32 [tilespmem:s26], [sflag:$0x6], $0x80, s10, s21, $0xb8;
	[tilespmem:$0x1E000] =	vst v63  }
0x54: {  	_ =	swait.ge [sflag:s16], $0x2000  }
0x55: {  	[sflag:s16] =	ssyncset.done $0x0  }
0x56: {  	s11 =	sor.u32 $0x14300, s28;
	[sflag:s16] =	ssyncadd.s32 $0xFFFFE000  }
0x57: {  	[tilespmem:s26], [sflag:$0x3] =	stream.indirect.gather [hbm4b:s1+s21], $0x80, s11, s21, $0xb8;
	[tilespmem:$0x1E000] =	vst v63  }
0x58: {  	_ =	swait.ge [sflag:s3], $0x2000  }
0x59: {  	[sflag:s3] =	ssyncset.done $0x0  }
0x5a: {  	s8 =	sor.u32 $0x15180, s28;
	[sflag:s3] =	ssyncadd.s32 $0xFFFFE000  }
0x5b: {  	[spmem:s2] =	stream.indirect.scatter.add.f32 [tilespmem:s29], [sflag:$0x6], $0x80, s8, s21, $0xb8;
	[tilespmem:$0x1E000] =	vst v63  }
0x5c: {  	_ =	swait.ge [sflag:s16], $0x2000  }
0x5d: {  	[sflag:s16] =	ssyncset.done $0x0  }
0x5e: {  	s9 =	sor.u32 $0x14380, s28;
	[sflag:s16] =	ssyncadd.s32 $0xFFFFE000  }
0x5f: {  	[tilespmem:s29], [sflag:$0x4] =	stream.indirect.gather [hbm4b:s1+s21], $0x80, s9, s21, $0xb8;
	[tilespmem:$0x1E000] =	vst v63  }
0x60: {  	_ =	swait.ge [sflag:s30], $0x2000  }
0x61: {  	[sflag:s30] =	ssyncset.done $0x0  }
0x62: {  	s10 =	sor.u32 $0x15200, s28;
	[sflag:s30] =	ssyncadd.s32 $0xFFFFE000  }
0x63: {  	[spmem:s2] =	stream.indirect.scatter.add.f32 [tilespmem:s22], [sflag:$0x6], $0x80, s10, s21, $0xb8;
	[tilespmem:$0x1E000] =	vst v63  }
0x64: {  	_ =	swait.ge [sflag:s16], $0x2000  }
0x65: {  	[sflag:s16] =	ssyncset.done $0x0  }
0x66: {  	s11 =	sor.u32 $0x14400, s28;
	[sflag:s16] =	ssyncadd.s32 $0xFFFFE000  }
0x67: {  	[tilespmem:s22], [sflag:$0x1] =	stream.indirect.gather [hbm4b:s1+s21], $0x80, s11, s21, $0xb8;
	[tilespmem:$0x1E000] =	vst v63  }
0x68: {  	_ =	swait.ge [sflag:s31], $0x2000  }
0x69: {  	[sflag:s31] =	ssyncset.done $0x0  }
0x6a: {  	s8 =	sor.u32 $0x15280, s28;
	[sflag:s31] =	ssyncadd.s32 $0xFFFFE000  }
0x6b: {  	[spmem:s2] =	stream.indirect.scatter.add.f32 [tilespmem:s24], [sflag:$0x6], $0x80, s8, s21, $0xb8;
	[tilespmem:$0x1E000] =	vst v63  }
0x6c: {  	_ =	swait.ge [sflag:s16], $0x2000  }
0x6d: {  	[sflag:s16] =	ssyncset.done $0x0  }
0x6e: {  	s9 =	sor.u32 $0x14480, s28;
	[sflag:s16] =	ssyncadd.s32 $0xFFFFE000  }
0x6f: {  	[tilespmem:s24], [sflag:$0x2] =	stream.indirect.gather [hbm4b:s1+s21], $0x80, s9, s21, $0xb8;
	[tilespmem:$0x1E000] =	vst v63  }
0x70: {  	_ =	swait.ge [sflag:s0], $0x2000  }
0x71: {  	[sflag:s0] =	ssyncset.done $0x0  }
0x72: {  	s10 =	sor.u32 $0x15300, s28;
	[sflag:s0] =	ssyncadd.s32 $0xFFFFE000  }
0x73: {  	[spmem:s2] =	stream.indirect.scatter.add.f32 [tilespmem:s26], [sflag:$0x6], $0x80, s10, s21, $0xb8;
	[tilespmem:$0x1E000] =	vst v63  }
0x74: {  	_ =	swait.ge [sflag:s16], $0x2000  }
0x75: {  	[sflag:s16] =	ssyncset.done $0x0  }
0x76: {  	s11 =	sor.u32 $0x14500, s28;
	[sflag:s16] =	ssyncadd.s32 $0xFFFFE000  }
0x77: {  	[tilespmem:s26], [sflag:$0x3] =	stream.indirect.gather [hbm4b:s1+s21], $0x80, s11, s21, $0xb8;
	[tilespmem:$0x1E000] =	vst v63  }
0x78: {  	_ =	swait.ge [sflag:s3], $0x2000  }
0x79: {  	[sflag:s3] =	ssyncset.done $0x0  }
0x7a: {  	s8 =	sor.u32 $0x15380, s28;
	[sflag:s3] =	ssyncadd.s32 $0xFFFFE000  }
0x7b: {  	[spmem:s2] =	stream.indirect.scatter.add.f32 [tilespmem:s29], [sflag:$0x6], $0x80, s8, s21, $0xb8;
	[tilespmem:$0x1E000] =	vst v63  }
0x7c: {  	_ =	swait.ge [sflag:s16], $0x2000  }
0x7d: {  	[sflag:s16] =	ssyncset.done $0x0  }
0x7e: {  	s9 =	sor.u32 $0x14580, s28;
	[sflag:s16] =	ssyncadd.s32 $0xFFFFE000  }
0x7f: {  	[tilespmem:s29], [sflag:$0x4] =	stream.indirect.gather [hbm4b:s1+s21], $0x80, s9, s21, $0xb8;
	[tilespmem:$0x1E000] =	vst v63  }
0x80: {  	_ =	swait.ge [sflag:s30], $0x2000  }
0x81: {  	[sflag:s30] =	ssyncset.done $0x0  }
0x82: {  	s10 =	sor.u32 $0x15400, s28;
	[sflag:s30] =	ssyncadd.s32 $0xFFFFE000  }
0x83: {  	[spmem:s2] =	stream.indirect.scatter.add.f32 [tilespmem:s22], [sflag:$0x6], $0x80, s10, s21, $0xb8;
	[tilespmem:$0x1E000] =	vst v63  }
0x84: {  	_ =	swait.ge [sflag:s16], $0x2000  }
0x85: {  	[sflag:s16] =	ssyncset.done $0x0  }
0x86: {  	s11 =	sor.u32 $0x14600, s28;
	[sflag:s16] =	ssyncadd.s32 $0xFFFFE000  }
0x87: {  	[tilespmem:s22], [sflag:$0x1] =	stream.indirect.gather [hbm4b:s1+s21], $0x80, s11, s21, $0xb8;
	[tilespmem:$0x1E000] =	vst v63  }
0x88: {  	_ =	swait.ge [sflag:s31], $0x2000  }
0x89: {  	[sflag:s31] =	ssyncset.done $0x0  }
0x8a: {  	s8 =	sor.u32 $0x15480, s28;
	[sflag:s31] =	ssyncadd.s32 $0xFFFFE000  }
0x8b: {  	[spmem:s2] =	stream.indirect.scatter.add.f32 [tilespmem:s24], [sflag:$0x6], $0x80, s8, s21, $0xb8;
	[tilespmem:$0x1E000] =	vst v63  }
0x8c: {  	_ =	swait.ge [sflag:s16], $0x2000  }
0x8d: {  	[sflag:s16] =	ssyncset.done $0x0  }
0x8e: {  	s9 =	sor.u32 $0x14680, s28;
	[sflag:s16] =	ssyncadd.s32 $0xFFFFE000  }
0x8f: {  	[tilespmem:s24], [sflag:$0x2] =	stream.indirect.gather [hbm4b:s1+s21], $0x80, s9, s21, $0xb8;
	[tilespmem:$0x1E000] =	vst v63  }
0x90: {  	_ =	swait.ge [sflag:s0], $0x2000  }
0x91: {  	[sflag:s0] =	ssyncset.done $0x0  }
0x92: {  	s10 =	sor.u32 $0x15500, s28;
	[sflag:s0] =	ssyncadd.s32 $0xFFFFE000  }
0x93: {  	[spmem:s2] =	stream.indirect.scatter.add.f32 [tilespmem:s26], [sflag:$0x6], $0x80, s10, s21, $0xb8;
	[tilespmem:$0x1E000] =	vst v63  }
0x94: {  	_ =	swait.ge [sflag:s16], $0x2000  }
0x95: {  	[sflag:s16] =	ssyncset.done $0x0  }
0x96: {  	s11 =	sor.u32 $0x14700, s28;
	[sflag:s16] =	ssyncadd.s32 $0xFFFFE000  }
0x97: {  	[tilespmem:s26], [sflag:$0x3] =	stream.indirect.gather [hbm4b:s1+s21], $0x80, s11, s21, $0xb8;
	[tilespmem:$0x1E000] =	vst v63  }
0x98: {  	_ =	swait.ge [sflag:s3], $0x2000  }
0x99: {  	[sflag:s3] =	ssyncset.done $0x0  }
0x9a: {  	s8 =	sor.u32 $0x15580, s28;
	[sflag:s3] =	ssyncadd.s32 $0xFFFFE000  }
0x9b: {  	[spmem:s2] =	stream.indirect.scatter.add.f32 [tilespmem:s29], [sflag:$0x6], $0x80, s8, s21, $0xb8;
	[tilespmem:$0x1E000] =	vst v63  }
0x9c: {  	_ =	swait.ge [sflag:s16], $0x2000  }
0x9d: {  	[sflag:s16] =	ssyncset.done $0x0  }
0x9e: {  	s9 =	sor.u32 $0x14780, s28;
	[sflag:s16] =	ssyncadd.s32 $0xFFFFE000  }
0x9f: {  	[tilespmem:s29], [sflag:$0x4] =	stream.indirect.gather [hbm4b:s1+s21], $0x80, s9, s21, $0xb8;
	[tilespmem:$0x1E000] =	vst v63  }
0xa0: {  	_ =	swait.ge [sflag:s30], $0x2000  }
0xa1: {  	[sflag:s30] =	ssyncset.done $0x0  }
0xa2: {  	s10 =	sor.u32 $0x15600, s28;
	[sflag:s30] =	ssyncadd.s32 $0xFFFFE000  }
0xa3: {  	[spmem:s2] =	stream.indirect.scatter.add.f32 [tilespmem:s22], [sflag:$0x6], $0x80, s10, s21, $0xb8;
	[tilespmem:$0x1E000] =	vst v63  }
0xa4: {  	_ =	swait.ge [sflag:s16], $0x2000  }
0xa5: {  	p0 =	seq.s32 s23, $0x9;
	[sflag:s16] =	ssyncset.done $0x0  }
0xa6: {  	s7 =	simm.s32 @p0 $0x2;
	[sflag:s16] =	ssyncadd.s32 $0xFFFFE000  }
0xa7: {  	_ =	swait.ge @p0 [sflag:s7], $0x2000  }
0xa8: {  	s8 =	sor.u32 $0x680, s28;
	s9 =	simm.s32 @p0 $0x40;
	[sflag:s7] =	ssyncset.done @p0 $0x0  }
0xa9: {  	s10 =	simm.s32 @p0 $0x18000;
	[sflag:s7] =	ssyncadd.s32 @p0 $0xFFFFE000;
	s7 =	sor.u32 @p0 $0x15000, s8  }
0xaa: {  	[spmem:s2] =	stream.indirect.scatter.add.f32 @p0 [tilespmem:s10], [sflag:$0x6], $0x80, s7, s9, $0xb8;
	[tilespmem:$0x1E000] =	vst v63  }
0xab: {  	s7 =	simm.s32 @p0 $0x6  }
0xac: {  	_ =	swait.ge @p0 [sflag:s7], $0x2000  }
0xad: {  	[sflag:s7] =	ssyncset.done @p0 $0x0  }
0xae: {  	[sflag:s7] =	ssyncadd.s32 @p0 $0xFFFFE000;
	s7 =	simm.s32 @!p0 $0x5  }
0xaf: {  	_ =	swait.ge @!p0 [sflag:s7], $0x800  }
0xb0: {  	[sflag:s7] =	ssyncset.done @!p0 $0x0  }
0xb1: {  	[sflag:s7] =	ssyncadd.s32 @!p0 $0xFFFFF800  }
0xb2: {  	_ =	swait.ge @!p0 [sflag:s7], $0x800  }
0xb3: {  	s5 =	sxor.u32 $0x1, s5;
	[sflag:s7] =	ssyncset.done @!p0 $0x0  }
0xb4: {  	[sflag:s7] =	ssyncadd.s32 @!p0 $0xFFFFF800;
	s7 =	sshll.u32 @!p0 s5, $0xB  }
0xb5: {  	s11 =	simm.s32 @!p0 $0x16000;
	s10 =	simm.s32 @!p0 $0x40;
	s9 =	sor.u32 @!p0 $0x14000, s7  }
0xb6: {  	[tilespmem:s11], [sflag:$0x1] =	stream.indirect.gather @!p0 [hbm4b:s1+s10], $0x80, s9, s10, $0xb8;
	[tilespmem:$0x1E000] =	vst v63  }
0xb7: {  	s9 =	simm.s32 @!p0 $0x2  }
0xb8: {  	_ =	swait.ge @!p0 [sflag:s9], $0x2000  }
0xb9: {  	[sflag:s9] =	ssyncset.done @!p0 $0x0  }
0xba: {  	s8 =	sor.u32 @!p0 $0x15000, s8;
	[sflag:s9] =	ssyncadd.s32 @!p0 $0xFFFFE000;
	s9 =	simm.s32 @!p0 $0x18000  }
0xbb: {  	[spmem:s2] =	stream.indirect.scatter.add.f32 @!p0 [tilespmem:s9], [sflag:$0x6], $0x80, s8, s10, $0xb8;
	[tilespmem:$0x1E000] =	vst v63  }
0xbc: {  	s8 =	simm.s32 @!p0 $0x6  }
0xbd: {  	_ =	swait.ge @!p0 [sflag:s8], $0x2000  }
0xbe: {  	[sflag:s8] =	ssyncset.done @!p0 $0x0  }
0xbf: {  	s7 =	sor.u32 @!p0 $0x14080, s7;
	[sflag:s8] =	ssyncadd.s32 @!p0 $0xFFFFE000  }
0xc0: {  	[tilespmem:s9], [sflag:$0x2] =	stream.indirect.gather @!p0 [hbm4b:s1+s10], $0x80, s7, s10, $0xb8;
	[tilespmem:$0x1E000] =	vst v63  }
0xc1: {  	_ =	swait.ge [sflag:s0], $0x2000  }
0xc2: {  	s11 =	sor.u32 $0x700, s28;
	p0 =	sne.s32 s23, $0x9;
	[sflag:s0] =	ssyncset.done $0x0  }
.Ltmp2:
0xc3: {  	s7 =	sor.u32 $0x15000, s11;
	[sflag:s0] =	ssyncadd.s32 $0xFFFFE000;
	(pc) =	sbr.rel @!p0 .LBB2_3-.Ltmp2, $4  }
0xc4: {  	[spmem:s2] =	stream.indirect.scatter.add.f32 [tilespmem:s26], [sflag:$0x6], $0x80, s7, s21, $0xb8;
	[tilespmem:$0x1E000] =	vst v63  }
0xc5: {  	_ =	swait.ge [sflag:s16], $0x2000  }
0xc6: {  	[sflag:s16] =	ssyncset.done $0x0  }
0xc7: {  	s7 =	sor.u32 $0x780, s28;
	[sflag:s16] =	ssyncadd.s32 $0xFFFFE000  }
0xc8: {  	s5 =	sshll.u32 s5, $0xB  }
0xc9: {  	s8 =	sor.u32 $0x14100, s5  }
0xca: {  	[tilespmem:s26], [sflag:$0x3] =	stream.indirect.gather [hbm4b:s1+s21], $0x80, s8, s21, $0xb8;
	[tilespmem:$0x1E000] =	vst v63  }
0xcb: {  	_ =	swait.ge [sflag:s3], $0x2000  }
0xcc: {  	[sflag:s3] =	ssyncset.done $0x0  }
0xcd: {  	s7 =	sor.u32 $0x15000, s7;
	[sflag:s3] =	ssyncadd.s32 $0xFFFFE000  }
0xce: {  	[spmem:s2] =	stream.indirect.scatter.add.f32 [tilespmem:s29], [sflag:$0x6], $0x80, s7, s21, $0xb8;
	[tilespmem:$0x1E000] =	vst v63  }
0xcf: {  	_ =	swait.ge [sflag:s16], $0x2000  }
0xd0: {  	[sflag:s16] =	ssyncset.done $0x0  }
0xd1: {  	p0 =	sgt.u32 s23, $0x7;
	s5 =	sor.u32 $0x14180, s5;
	[sflag:s16] =	ssyncadd.s32 $0xFFFFE000  }
0xd2: {  	[tilespmem:s29], [sflag:$0x4] =	stream.indirect.gather [hbm4b:s1+s21], $0x80, s5, s21, $0xb8;
	[tilespmem:$0x1E000] =	vst v63  }
0xd3: {  	s7 =	simm.s32 @!p0 $0x0;
	s5 =	sor.u32 @!p0 $0x14000, s28  }
0xd4: {  	[tilespmem:s5], [sflag:$0x5] =	stream.linear.gather @!p0 [hbm4b:s14+s7], $0x800, $0x38;
	[tilespmem:$0x1E000] =	vst v63  }
0xd5: {  	s23 =	sadd.s32 $0x1, s23  }
0xd6: {  	[tilespmem:s25], [sflag:$0x5] =	stream.linear.gather @!p0 [hbm4b:s13+s7], $0x800, $0x38;
	[tilespmem:$0x1E000] =	vst v63  }
0xd7: {  	p0 =	sne.s32 s23, $0xA  }
.Ltmp3:
0xd8: {  	_ = 	snop;
	(pc) =	sbr.rel @p0 .LBB2_2-.Ltmp3, $4  }
.Ltmp4:
0xd9: {  	_ = 	snop;
	(pc) =	sbr.rel @!p0 .LBB2_5-.Ltmp4, $4  }
0xda: {  	_ = 	snop  }
0xdb: {  	_ = 	snop  }
0xdc: {  	s14 =	sadd.s32 $0x100, s14;
	s13 =	sadd.s32 $0x100, s13  }
0xdd: {  	_ = 	snop  }
.LBB2_6:
0xde: {  	_ =	sfence.sel $0x180000  }
0xdf: {  	[bflag:$0x0] =	sbarrier.arrive $0xFFFF  }
0xe0: {  	_ =	strace $0x9000004D  }
0xe1: {  	s0 =	stileid.u32;
	[bflag:$0x2] =	sbarrier.arrive $0xFFFF  }
0xe2: {  	p0 =	sne.s32 s0, $0x0;
	s0 =	rddreg [dreg:$0x3]  }
0xe3: {  	s0 =	sadd.s32 @!p0 $0x100000, s0  }
0xe4: {  	[sflag:s0] =	ssyncadd.tile.s32 @!p0 $0x1;
	_ =	shalt  }
.Lfunc_end2:
_tile_overlayer_lowered:
.L_overlay_start_2:
0xe5: {  	(tag) =	ssettag $0x2  }
0xe6: {  	s0 =	rddreg [dreg:$0x0];
	s2 =	stileid.u32  }
0xe7: {  	s1 =	rddreg [dreg:$0x1];
	p0 =	sne.s32 s2, $0x0  }
0xe8: {  	s3 =	rddreg [dreg:$0x2];
	[bflag:$0x3] =	sbarrier.arrive $0xFFFF;
	s2 =	simm.s32 @!p0 $0x1C06  }
0xe9: {  	[timem:s3], [sflag:s2] =	dma.local @!p0 [hbm:s0], s1  }
0xea: {  	s0 =	simm.s32 @!p0 $0x6  }
0xeb: {  	_ =	swait.ge @!p0 [sflag:s0], s1  }
0xec: {  	s1 =	ssub.s32 @!p0 $0x0, s1;
	[sflag:s0] =	ssyncset.done @!p0 $0x0  }
0xed: {  	[sflag:s0] =	ssyncadd.s32 @!p0 s1  }
0xee: {  	[bflag:$0x3] =	sbarrier.arrive $0xFFFF  }
0xef: {  	_ =	shalt  }

// kernel: kernel.8.cloned.1.call-start
scs
__scs_entry_jumppad:
0x0: {  	(pc) =	sbr.rel $0x88, $3  }
0x1: {  	(tag) =	ssettag $0x0;
	lr =	simm.s32 $0x1  }
0x2: {  	[smem:$0x3F9B] =	sst lr;
	_ =	strace $0xD0000000  }
0x3: {  	_ = 	snop  }
0x4: {  	_ = 	snop  }
0x5: {  	_ = 	snop  }
0x6: {  	_ = 	snop  }
0x7: {  	_ = 	snop  }
__scs_overlays_trampoline_lowered:
0x8: {  	[smem:$0x3FAA] =	sst s0  }
0x9: {  	[smem:$0x3FAB] =	sst s1  }
0xa: {  	[smem:$0x3FAC] =	sst s2  }
0xb: {  	[smem:$0x3FAD] =	sst s3  }
0xc: {  	[smem:$0x3FAE] =	sst s4  }
0xd: {  	[smem:$0x3FAF] =	sst s5  }
0xe: {  	[smem:$0x3FB0] =	sst s6  }
0xf: {  	[smem:$0x3FB1] =	sst s7  }
0x10: {  	[smem:$0x3FB2] =	sst s8  }
0x11: {  	[smem:$0x3FB3] =	sst s9;
	s0 =	simm.s32 @!p0 $0x0  }
0x12: {  	s1 =	sld [smem:$0x3F99];
	s0 =	simm.s32 @p0 $0x1  }
0x13: {  	[smem:$0x3FB4] =	sst s0;
	s0 =	simm.s32 @!p1 $0x0  }
0x14: {  	s2 =	sld [smem:$0x3F98];
	s0 =	simm.s32 @p1 $0x1  }
0x15: {  	[smem:$0x3FB5] =	sst s0;
	s0 =	simm.s32 @!p2 $0x0  }
0x16: {  	s3 =	sld [smem:$0x3FDB];
	s0 =	simm.s32 @p2 $0x1  }
0x17: {  	s4 =	simm.s32 $0x1BF5;
	[smem:$0x3FB7] =	sst s0  }
0x18: {  	s0 =	sld [smem:$0x3F9A];
	_ =	swait.ge [sflag:s4], $0x0  }
0x19: {  	s7 =	sld [smem:$0x3F9B]  }
0x1a: {  	s8 =	sadd.s32 $0xFFFFE003, lr  }
0x1b: {  	s9 =	sadd.s32 $0xFFFFFEF7, lr;
	s5 =	simm.s32 $0xFFFFFFFF;
	p2 =	slt.u32 s8, $0xFFFFF086  }
0x1c: {  	p1 =	slt.u32 s9, $0xF7A;
	s5 =	simm.s32 @!p2 $0x0  }
0x1d: {  	s5 =	simm.s32 @p1 $0x1;
	p0 =	seq.s32 s7, s2  }
0x1e: {  	s7 =	smul.u32 @!p0 $0xF7A, s2;
	p2 =	seq.s32 @!p0 s5, $0x0  }
0x1f: {  	s9 =	smul.u32 $0xF7A, s1;
	s8 =	simm.s32 @!p0 $0x1BF5;
	p2 =	por !p2, p0  }
0x20: {  	[sflag:s8] =	ssyncset.s32 @!p0 $0xFFFFF086;
	s6 =	sadd.s32 @!p0 s3, s7;
	s7 =	simm.s32 @!p0 $0x108  }
0x21: {  	s3 =	sadd.s32 s3, s9;
	s6 =	sadd.s32 @!p0 $0x88, s6;
	s7 =	simm.s32 @p2 $0x1082  }
0x22: {  	[simem:s7], [sflag:s8] =	dma.local @!p0 [hbm:s6], $0xF7A  }
0x23: {  	s9 =	sor.u32 $0xD0000000, s2;
	s6 =	simm.s32 $0x108;
	_ =	swait.ge @!p0 [sflag:s8], $0x0  }
0x24: {  	s3 =	sadd.s32 $0x88, s3;
	s6 =	simm.s32 @!p1 $0x1082;
	[sflag:s4] =	ssyncset.s32 $0xFFFFF086  }
0x25: {  	[simem:s6], [sflag:s4] =	dma.local [hbm:s3], $0xF7A  }
0x26: {  	[smem:$0x3F9B] =	sst s1;
	(tag) =	ssettag s2;
	_ =	strace s9  }
0x27: {  	s1 =	sld [smem:$0x3FAB]  }
0x28: {  	s2 =	sld [smem:$0x3FAC]  }
0x29: {  	s4 =	sld [smem:$0x3FAE]  }
0x2a: {  	p0 =	seq.s32 s5, $0x0;
	s5 =	sld [smem:$0x3FAF]  }
0x2b: {  	s6 =	sld [smem:$0x3FB0]  }
0x2c: {  	s7 =	sld [smem:$0x3FB1]  }
0x2d: {  	s3 =	simm.s32 $0x108;
	s8 =	sld [smem:$0x3FB2]  }
0x2e: {  	s3 =	simm.s32 @!p0 $0x1082;
	s9 =	sld [smem:$0x3FB3]  }
0x2f: {  	lr =	sadd.s32 s0, s3;
	s0 =	sld [smem:$0x3FAA]  }
0x30: {  	s3 =	sld [smem:$0x3FAD]  }
0x31: {  	[smem:$0x3FB6] =	sst s10  }
0x32: {  	s10 =	sld [smem:$0x3FB4];
	_ =	sdelay $0x3  }
0x33: {  	p0 =	seq.s32 s10, $0x1;
	s10 =	sld [smem:$0x3FB6];
	_ =	sdelay $0x3  }
0x34: {  	[smem:$0x3FB6] =	sst s10  }
0x35: {  	s10 =	sld [smem:$0x3FB5];
	_ =	sdelay $0x3  }
0x36: {  	p1 =	seq.s32 s10, $0x1;
	s10 =	sld [smem:$0x3FB6];
	_ =	sdelay $0x3  }
0x37: {  	[smem:$0x3FB6] =	sst s10  }
0x38: {  	s10 =	sld [smem:$0x3FB7]  }
0x39: {  	_ = 	snop;
	(pc) =	sbr.ind lr, $3  }
0x3a: {  	_ = 	snop  }
0x3b: {  	_ = 	snop  }
0x3c: {  	p2 =	seq.s32 s10, $0x1;
	s10 =	sld [smem:$0x3FB6]  }
0x3d: {  	_ =	shalt  }
0x3e: {  	_ =	shalt  }
0x3f: {  	_ =	shalt  }
0x40: {  	_ =	shalt  }
0x41: {  	_ =	shalt  }
0x42: {  	_ =	shalt  }
0x43: {  	_ =	shalt  }
0x44: {  	_ =	shalt  }
0x45: {  	_ =	shalt  }
0x46: {  	_ =	shalt  }
0x47: {  	_ =	shalt  }
0x48: {  	_ =	shalt  }
0x49: {  	_ =	shalt  }
0x4a: {  	_ =	shalt  }
0x4b: {  	_ =	shalt  }
0x4c: {  	_ =	shalt  }
0x4d: {  	_ =	shalt  }
0x4e: {  	_ =	shalt  }
0x4f: {  	_ =	shalt  }
0x50: {  	_ =	shalt  }
0x51: {  	_ =	shalt  }
0x52: {  	_ =	shalt  }
0x53: {  	_ =	shalt  }
0x54: {  	_ =	shalt  }
0x55: {  	_ =	shalt  }
0x56: {  	_ =	shalt  }
0x57: {  	_ =	shalt  }
0x58: {  	_ =	shalt  }
0x59: {  	_ =	shalt  }
0x5a: {  	_ =	shalt  }
0x5b: {  	_ =	shalt  }
0x5c: {  	_ =	shalt  }
0x5d: {  	_ =	shalt  }
0x5e: {  	_ =	shalt  }
0x5f: {  	_ =	shalt  }
0x60: {  	_ =	shalt  }
0x61: {  	_ =	shalt  }
0x62: {  	_ =	shalt  }
0x63: {  	_ =	shalt  }
0x64: {  	_ =	shalt  }
0x65: {  	_ =	shalt  }
0x66: {  	_ =	shalt  }
0x67: {  	_ =	shalt  }
0x68: {  	_ =	shalt  }
0x69: {  	_ =	shalt  }
0x6a: {  	_ =	shalt  }
0x6b: {  	_ =	shalt  }
0x6c: {  	_ =	shalt  }
0x6d: {  	_ =	shalt  }
0x6e: {  	_ =	shalt  }
0x6f: {  	_ =	shalt  }
0x70: {  	_ =	shalt  }
0x71: {  	_ =	shalt  }
0x72: {  	_ =	shalt  }
0x73: {  	_ =	shalt  }
0x74: {  	_ =	shalt  }
0x75: {  	_ =	shalt  }
0x76: {  	_ =	shalt  }
0x77: {  	_ =	shalt  }
0x78: {  	_ =	shalt  }
0x79: {  	_ =	shalt  }
0x7a: {  	_ =	shalt  }
0x7b: {  	_ =	shalt  }
0x7c: {  	_ =	shalt  }
0x7d: {  	_ =	shalt  }
0x7e: {  	_ =	shalt  }
0x7f: {  	_ =	shalt  }
0x80: {  	_ =	shalt  }
0x81: {  	_ =	shalt  }
0x82: {  	_ =	shalt  }
0x83: {  	_ =	shalt  }
0x84: {  	_ =	shalt  }
0x85: {  	_ =	shalt  }
0x86: {  	_ =	shalt  }
0x87: {  	_ =	shalt  }
.Lfunc_end0:
.L_simem_size_0:
called_computation_lowered:
.L_overlay_start_0:
0x88: {  	s2 =	sld [smem:$0x3FD9]  }
0x89: {  	s3 =	sld [smem:$0x3FFE];
	_ =	sdelay $0x1  }
0x8a: {  	s1 =	srdreg.scid  }
0x8b: {  	s0 =	sand.u32 $0x1, s1  }
0x8c: {  	s17 =	sshll.u32 s0, $0xA;
	s2 =	sadd.s32 s3, s2  }
0x8d: {  	s2 =	sadd.s32 s2, s17  }
0x8e: {  	[smem:$0x3FC2] =	sst s2  }
0x8f: {  	_ = 	snop  }
0x90: {  	s2 =	sld [smem:$0x3FD0];
	(tm) =	ssettm $0x1  }
0x91: {  	s18 =	sld [smem:$0x3FFB];
	_ =	sdelay $0x3  }
0x92: {  	_ =	strace s18  }
0x93: {  	s3 =	sld [smem:$0x3FFC];
	_ =	sdelay $0x3  }
0x94: {  	_ =	strace s3  }
0x95: {  	s3 =	sld [smem:$0x3FFD];
	_ =	sdelay $0x3  }
0x96: {  	_ =	strace s3  }
0x97: {  	_ =	strace $0x8FFFFFFF  }
0x98: {  	s19 =	sld [smem:$0x3FDB];
	_ =	sdelay $0x1  }
0x99: {  	s4 =	simm.s32 $_scs_section_size  }
0x9a: {  	s5 =	simm.s32 $_size__tile_overlayer_lowered;
	s6 =	simm.s32 $_tile_overlayer_lowered  }
0x9b: {  	s22 =	simm.s32 $0x1BFF;
	s21 =	sshll.u32 s6, $0x1;
	s3 =	sadd.s32 s4, s19  }
0x9c: {  	s7 =	simm.s32 $0x0;
	s20 =	sshll.u32 s5, $0x1;
	s5 =	sadd.s32 s21, s3  }
0x9d: {  	[timem:s7], [sflag:s22] =	dma.local [hbm:s5], s20  }
0x9e: {  	_ =	swait.ge [sflag:s22], s20  }
0x9f: {  	s4 =	ssub.s32 $0x0, s20;
	[sflag:s22] =	ssyncset.done $0x0  }
0xa0: {  	[sflag:s22] =	ssyncadd.s32 s4;
	_ =	sdelay $0x1  }
0xa1: {  	s23 =	simm.s32 $0x1B8B  }
0xa2: {  	_ =	swait.ge [sflag:s23], $0x1  }
0xa3: {  	[sflag:s23] =	ssyncset.done $0x0  }
0xa4: {  	s25 =	simm.s32 $0x1B8E;
	s24 =	sld [smem:$0x3FFE];
	[sflag:s23] =	ssyncadd.s32 $0xFFFFFFFF  }
0xa5: {  	s26 =	simm.s32 $execute0_lowered;
	[smem:$0x3FD2] =	sst s25  }
0xa6: {  	s5 =	sshll.u32 s26, $0x1;
	_ =	strace $0x80000046;
	[dreg:$0x1] =	wrdreg $0xFFFFFFFF  }
0xa7: {  	s28 =	simm.s32 $_size_execute0_lowered;
	s3 =	sadd.s32 s3, s5;
	[dreg:$0x0] =	wrdreg $0x0  }
0xa8: {  	s5 =	sshll.u32 s28, $0x1;
	[dreg:$0x2] =	wrdreg s3  }
0xa9: {  	[dreg:$0x3] =	wrdreg s5  }
0xaa: {  	[dreg:$0x4] =	wrdreg $0xC0  }
0xab: {  	_ =	task [dreg:s7], $0x5FFFF  }
0xac: {  	[dreg:$0x1] =	wrdreg $0xFFFFFFFF  }
0xad: {  	[dreg:$0x0] =	wrdreg $0x60  }
0xae: {  	[dreg:$0x2] =	wrdreg s2  }
0xaf: {  	[dreg:$0x3] =	wrdreg s24  }
0xb0: {  	[dreg:$0x4] =	wrdreg $0x9  }
0xb1: {  	_ =	task.clear_ibuf [dreg:s7], $0x5FFFF;
	_ =	strace $0x90000046  }
0xb2: {  	s29 =	simm.s32 $0x9;
	_ =	strace $0x80000048  }
0xb3: {  	_ =	swait.ge [sflag:s29], $0x1  }
0xb4: {  	[sflag:s29] =	ssyncadd.s32 $0xFFFFFFFF  }
0xb5: {  	_ =	strace $0x90000048  }
0xb6: {  	_ =	sfence  }
0xb7: {  	s30 =	sld [smem:$0x0];
	_ =	sdelay $0x2  }
0xb8: {  	s31 =	sshll.u32 s1, $0xD;
	s1 =	sshrl.u32 s1, $0x2  }
0xb9: {  	s3 =	sand.u32 $0x4000, s31;
	s1 =	sadd.s32 s1, s30  }
0xba: {  	s0 =	sor.u32 s3, s0;
	s1 =	sshll.u32 s1, $0x11  }
0xbb: {  	s0 =	sor.u32 s1, s0  }
0xbc: {  	s0 =	sadd.s32 $0x8F2B, s0  }
0xbd: {  	[sflag:s0] =	ssyncadd.remote.s32 $0x1  }
0xbe: {  	_ =	sfence.sel $0xFFFF  }
0xbf: {  	[dreg:$0x0] =	wrdreg $0xFFFFFFFF;
	(pc) =	sbr.abs _section_cstart, $3  }
0xc0: {  	[dreg:$0x1] =	wrdreg $0xFFFFFFFF  }
0xc1: {  	_ =	task.clear_ibuf [dreg:s7], $0x2FFFF;
	_ =	strace $0x9FFFFFFF  }
0xc2: {  	(tm) =	ssettm $0x7FFFFFFF  }
0xc3: {  	_ =	shalt  }
tec
execute0_lowered:
.L_overlay_start_1:
0x0: {  	(tag) =	ssettag $0x1  }
0x1: {  	s1 =	srdreg.scid  }
0x2: {  	s0 =	stileid.u32;
	s4 =	rddreg [dreg:$0x0]  }
0x3: {  	s6 =	rddreg [dreg:$0x1];
	s3 =	sand.u32 $0x1, s1;
	s29 =	sshll.u32 s0, $0x1  }
0x4: {  	s2 =	simm.s32 $0x0;
	s30 =	sshrl.u32 s0, $0x2;
	s5 =	sor.u32 s3, s29  }
0x5: {  	s9 =	simm.s32 $0x400;
	s7 =	smul.u32 $0x14000, s30;
	s8 =	sshll.u32 s5, $0x7  }
0x6: {  	s10 =	simm.s32 $0x0;
	s1 =	rddreg [dreg:$0x2];
	s8 =	sand.u32 $0x380, s8  }
0x7: {  	[smem:$0x7FF] =	sst s2;
	s3 =	ssub.s32 $0x2, s3;
	s7 =	sor.u32 s7, s8  }
0x8: {  	_ =	strace $0x80000047;
	s5 =	smul.u32 $0x500, s5;
	s7 =	sshrl.u32 s7, $0x3  }
0x9: {  	s31 =	sshrl.u32 s3, $0x1;
	s8 =	simm.s32 $0x80;
	s6 =	sadd.s32 s7, s6  }
0xa: {  	s7 =	ssub.s32 s3, s31;
	s3 =	sadd.s32 s4, s5;
	s4 =	sadd.s32 $0x6400, s6  }
0xb: {  	v0 =	vimm.f32 $0.0e+00;
	v1 =	vimm.f32 $1.000000000e+00;
	s5 =	smax.u32 s7, $0x1;
	s6 =	simm.s32 $0x2800;
	s7 =	simm.s32 $0x1  }
.LBB2_1:
0xc: {  	s11 =	simm.s32 $0x40;
	s12 =	simm.s32 $0x0  }
.LBB2_2:
0xd: {  	p0 =	sne.s32 s11, $0x9FC0;
	[tilespmem:s12+$0x0] =	vst v0;
	s12 =	smov.u32 s11;
	s11 =	sadd.s32 $0x40, s11  }
.Ltmp0:
0xe: {  	(pc) =	sbr.rel @p0 .LBB2_2-.Ltmp0, $2  }
0xf: {  	_ =	sdelay $0x2  }
0x10: {  	s12 =	sshra.s32 s12, $0x2  }
0x11: {  	[tilespmem:s12+$0x0] =	vst v0;
	s11 =	simm.s32 $0x0  }
0x12: {  	[tilespmem:s6], [sflag:$0x1] =	stream.linear.gather [hbm4b:s3+s11], $0x2800, $0x38;
	[tilespmem:$0x5000] =	vst v63  }
0x13: {  	_ =	swait.ge [sflag:s7], $0x2800  }
0x14: {  	[sflag:s7] =	ssyncset.done $0x0  }
0x15: {  	s12 =	simm.s32 $0x0;
	s11 =	simm.s32 $0x40;
	[sflag:s7] =	ssyncadd.s32 $0xFFFFD800  }
.LBB2_4:
0x16: {  	p0 =	sne.s32 s11, $0x9FC0;
	v2 =	vld [tilespmem:s12+$0x2800];
	_ =	sdelay $0x3  }
.Ltmp1:
0x17: {  	(pc) =	sbr.rel @p0 .LBB2_4-.Ltmp1, $2  }
0x18: {  	_ =	sdelay $0x2  }
0x19: {  	s12 =	sshra.s32 s11, $0x2;
	s11 =	sadd.s32 $0x40, s11;
	[tilespmem:v2+s2+$0x0] =	vst.idx.add.f32.msk $0xffff, v1  }
0x1a: {  	v2 =	vld [tilespmem:s12+$0x2800];
	_ =	sdelay $0x5  }
0x1b: {  	s10 =	sadd.s32 $0x1, s10  }
0x1c: {  	p0 =	sne.s32 s10, s5  }
.Ltmp2:
0x1d: {  	[tilespmem:v2+s2+$0x0] =	vst.idx.add.f32.msk $0xffff, v1;
	(pc) =	sbr.rel @p0 .LBB2_1-.Ltmp2, $4  }
0x1e: {  	[hbm4b:s4+s8] =	stream.strided.scatter [tilespmem:s2], [sflag:$0x1], $0x2800, s9, s8, $0x38;
	[tilespmem:$0x5000] =	vst v63  }
0x1f: {  	_ =	swait.ge [sflag:s7], $0x2800  }
0x20: {  	[sflag:s7] =	ssyncset.done $0x0  }
0x21: {  	[sflag:s7] =	ssyncadd.s32 $0xFFFFD800  }
0x22: {  	_ =	sfence.sel $0x180000  }
0x23: {  	[bflag:$0x0] =	sbarrier.arrive $0xFFFF  }
0x24: {  	p0 =	sne.s32 s0, $0x0;
	_ =	strace $0x90000047  }
0x25: {  	s0 =	sadd.s32 @!p0 $0x100000, s1;
	[bflag:$0x2] =	sbarrier.arrive $0xFFFF  }
0x26: {  	[sflag:s0] =	ssyncadd.tile.s32 @!p0 $0x1;
	_ =	shalt  }
.Lfunc_end2:
_tile_overlayer_lowered:
.L_overlay_start_2:
0x27: {  	(tag) =	ssettag $0x2  }
0x28: {  	s0 =	rddreg [dreg:$0x0];
	s2 =	stileid.u32  }
0x29: {  	s1 =	rddreg [dreg:$0x1];
	p0 =	sne.s32 s2, $0x0  }
0x2a: {  	s3 =	rddreg [dreg:$0x2];
	[bflag:$0x3] =	sbarrier.arrive $0xFFFF;
	s2 =	simm.s32 @!p0 $0x1C01  }
0x2b: {  	[timem:s3], [sflag:s2] =	dma.local @!p0 [hbm:s0], s1  }
0x2c: {  	s0 =	simm.s32 @!p0 $0x1  }
0x2d: {  	_ =	swait.ge @!p0 [sflag:s0], s1  }
0x2e: {  	s1 =	ssub.s32 @!p0 $0x0, s1;
	[sflag:s0] =	ssyncset.done @!p0 $0x0  }
0x2f: {  	[sflag:s0] =	ssyncadd.s32 @!p0 s1  }
0x30: {  	[bflag:$0x3] =	sbarrier.arrive $0xFFFF  }
0x31: {  	_ =	shalt  }

</sc_bundles>
